<compile_context>
chip_gen: v7x
topology: tpu7x:2x2x1
jax: 0.10.2.dev20260603
libtpu: 0.0.44.dev20260713+nightly
codegen_flags: <defaults>
</compile_context>

<pallas_src>
import jax
import jax.numpy as jnp
from jax import lax
from jax.experimental import pallas as pl
from jax.experimental.pallas import tpu as pltpu
from jax.experimental.pallas import tpu_sc as plsc

N = 10000
E = 320000
F = 128
D = 64
NC = 2
NS = 16
NW = NC * NS
PER_W = E // NW
B = 128
NSUB = 80
PER_W_PAD = NSUB * B


def _dense_front_body(emb_ref, ws_ref, bs_ref, wa1_ref, wa2_ref, ba_ref,
                      scaled_ref, alpha_ref, beta_ref):
    scaled = jnp.dot(emb_ref[...], ws_ref[...],
                     preferred_element_type=jnp.float32) + bs_ref[...]
    scaled_ref[...] = scaled
    alpha_ref[...] = jnp.dot(scaled, wa1_ref[...],
                             preferred_element_type=jnp.float32) + ba_ref[...]
    beta_ref[...] = jnp.dot(scaled, wa2_ref[...],
                            preferred_element_type=jnp.float32)


def _dense_front(emb_mat, W_scale, b_scale, wa1, wa2, b_att):
    blk = 1000
    return pl.pallas_call(
        _dense_front_body,
        grid=(N // blk,),
        in_specs=[
            pl.BlockSpec((blk, F), lambda i: (i, 0)),
            pl.BlockSpec((F, D), lambda i: (0, 0)),
            pl.BlockSpec((1, D), lambda i: (0, 0)),
            pl.BlockSpec((D, 1), lambda i: (0, 0)),
            pl.BlockSpec((D, 1), lambda i: (0, 0)),
            pl.BlockSpec((1, 1), lambda i: (0, 0)),
        ],
        out_specs=[
            pl.BlockSpec((blk, D), lambda i: (i, 0)),
            pl.BlockSpec((blk, 1), lambda i: (i, 0)),
            pl.BlockSpec((blk, 1), lambda i: (i, 0)),
        ],
        out_shape=[
            jax.ShapeDtypeStruct((N, D), jnp.float32),
            jax.ShapeDtypeStruct((N, 1), jnp.float32),
            jax.ShapeDtypeStruct((N, 1), jnp.float32),
        ],
    )(emb_mat, W_scale, b_scale.reshape(1, D), wa1, wa2, b_att.reshape(1, 1))


def _sc_body(src_hbm, dst_hbm, alpha_hbm, beta_hbm, scaled_hbm,
             acc_out, ssum_out,
             srci, dsti, alpha_v, beta_v, svals, rows0, rows1,
             fbuf0, fbuf1, zrow, zflat, acc_sh, ssum_sh,
             gsem0, gsem1, ssem0, ssem1, sem_s):
    cid = lax.axis_index("c")
    sid = lax.axis_index("s")
    wid = sid * NC + cid

    zero16 = jnp.zeros((16,), jnp.float32)

    @pl.loop(0, (125 * D) // 16)
    def _(p):
        r = p // 4
        c = (p % 4) * 16
        zrow[r, pl.ds(c, 16)] = zero16

    @pl.loop(0, 1024 // 16)
    def _(p):
        zflat[pl.ds(p * 16, 16)] = zero16

    @pl.when(sid < 10)
    def _():
        @pl.loop(0, 8)
        def _(k):
            pltpu.sync_copy(zrow,
                            acc_sh.at[pl.ds(sid * 1000 + k * 125, 125), :])

        pltpu.sync_copy(zflat.at[pl.ds(0, 1000)],
                        ssum_sh.at[pl.ds(sid * 1000, 1000)])

    pltpu.sync_copy(src_hbm.at[wid], srci)
    pltpu.sync_copy(dst_hbm.at[wid], dsti)
    pltpu.sync_copy(alpha_hbm, alpha_v)
    pltpu.sync_copy(beta_hbm, beta_v)
    plsc.subcore_barrier()

    lanes = lax.iota(jnp.int32, 16)

    def score_batch(j):
        for v in range(B // 16):
            src16 = srci[j, pl.ds(v * 16, 16)]
            dst16 = dsti[j, pl.ds(v * 16, 16)]
            att = (plsc.load_gather(alpha_v, [src16])
                   + plsc.load_gather(beta_v, [dst16]))
            att = jnp.where(att >= 0.0, att, 0.2 * att)
            s = jnp.exp(att - 1.0)
            pos = j * B + v * 16 + lanes
            s = jnp.where(pos < PER_W, s, 0.0)
            svals[j, pl.ds(v * 16, 16)] = s

    def mul_rows(rows, fbuf, j):
        bj = jnp.zeros((16,), jnp.int32) + j

        @pl.loop(0, B, unroll=4)
        def _(r):
            w = plsc.load_gather(svals, [bj, jnp.zeros((16,), jnp.int32) + r])
            for g in range(D // 32):
                x = rows[r, pl.ds(g * 32, 32)]
                a, b = plsc.unpack(x, format=plsc.PackFormat.INTERLEAVED)
                fbuf[r, pl.ds(g * 32, 16)] = a * w
                fbuf[r, pl.ds(g * 32 + 16, 16)] = b * w

    rbufs = (rows0, rows1)
    gsems = (gsem0, gsem1)
    fbufs = (fbuf0, fbuf1)
    ssems = (ssem0, ssem1)

    for k in range(2):
        pltpu.async_copy(scaled_hbm.at[dsti.at[k]], rbufs[k], gsems[k])
        score_batch(k)

    @pl.loop(0, NSUB, step=2)
    def _(j):
        @pl.when(j > 0)
        def _():
            for _k in range(2):
                pltpu.make_async_copy(svals.at[j], ssum_sh.at[srci.at[j]],
                                      sem_s).wait()

        for k in range(2):
            pltpu.async_copy(svals.at[j + k], ssum_sh.at[srci.at[j + k]],
                             sem_s, add=True)

        for k in range(2):
            fb = fbufs[k]
            pltpu.make_async_copy(scaled_hbm.at[dsti.at[j + k]], rbufs[k],
                                  gsems[k]).wait()

            @pl.when(j > 0)
            def _():
                pltpu.make_async_copy(fb, acc_sh.at[srci.at[j]],
                                      ssems[k]).wait()

            @pl.when(j + k + 2 < NSUB)
            def _():
                score_batch(j + k + 2)

            mul_rows(rbufs[k], fb, j + k)
            @pl.when(j + k + 2 < NSUB)
            def _():
                pltpu.async_copy(scaled_hbm.at[dsti.at[j + k + 2]], rbufs[k],
                                 gsems[k])

            pltpu.async_copy(fb, acc_sh.at[srci.at[j + k]], ssems[k],
                             add=True)

    for k in range(2):
        pltpu.make_async_copy(fbufs[k], acc_sh.at[srci.at[0]],
                              ssems[k]).wait()
    for _k in range(2):
        pltpu.make_async_copy(svals.at[0], ssum_sh.at[srci.at[0]],
                              sem_s).wait()

    plsc.subcore_barrier()

    @pl.when(sid < 10)
    def _():
        pltpu.sync_copy(acc_sh.at[pl.ds(sid * 1000, 1000), :],
                        acc_out.at[cid, pl.ds(sid * 1000, 1000), :])
        pltpu.sync_copy(ssum_sh.at[pl.ds(sid * 1000, 1000)],
                        ssum_out.at[pl.ds(cid * N + sid * 1000, 1000)])


def _sc_aggregate(src3, dst3, alpha, beta, scaled):
    mesh = plsc.VectorSubcoreMesh(core_axis_name="c", subcore_axis_name="s",
                                  num_cores=NC, num_subcores=NS)
    kern = pl.kernel(
        _sc_body,
        out_type=(
            jax.ShapeDtypeStruct((NC, N, D), jnp.float32),
            jax.ShapeDtypeStruct((NC * N,), jnp.float32),
        ),
        mesh=mesh,
        compiler_params=pltpu.CompilerParams(needs_layout_passes=False,
                                             use_tc_tiling_on_sc=False),
        scratch_types=[
            pltpu.VMEM((NSUB, B), jnp.int32),
            pltpu.VMEM((NSUB, B), jnp.int32),
            pltpu.VMEM((N,), jnp.float32),
            pltpu.VMEM((N,), jnp.float32),
            pltpu.VMEM((NSUB, B), jnp.float32),
            pltpu.VMEM((B, D), jnp.bfloat16),
            pltpu.VMEM((B, D), jnp.bfloat16),
            pltpu.VMEM((B, D), jnp.float32),
            pltpu.VMEM((B, D), jnp.float32),
            pltpu.VMEM((125, D), jnp.float32),
            pltpu.VMEM((1024,), jnp.float32),
            pltpu.VMEM_SHARED((N, D), jnp.float32),
            pltpu.VMEM_SHARED((N,), jnp.float32),
            pltpu.SemaphoreType.DMA,
            pltpu.SemaphoreType.DMA,
            pltpu.SemaphoreType.DMA,
            pltpu.SemaphoreType.DMA,
            pltpu.SemaphoreType.DMA,
        ],
    )
    return kern(src3, dst3, alpha, beta, scaled)


def _final_body(acc0_ref, acc1_ref, ssumt_ref, out_ref):
    a = acc0_ref[...] + acc1_ref[...]
    ss = ssumt_ref[:, 0:1] + ssumt_ref[:, 1:2]
    ss = jnp.where(ss == 0.0, 1.0, ss)
    x = a / ss
    out_ref[...] = 1.0 / (1.0 + jnp.exp(-x))


def _final(acc, ssum):
    blk = 1000
    ssumt = ssum.T
    return pl.pallas_call(
        _final_body,
        grid=(N // blk,),
        in_specs=[
            pl.BlockSpec((blk, D), lambda i: (i, 0)),
            pl.BlockSpec((blk, D), lambda i: (i, 0)),
            pl.BlockSpec((blk, 2), lambda i: (i, 0)),
        ],
        out_specs=pl.BlockSpec((blk, D), lambda i: (i, 0)),
        out_shape=jax.ShapeDtypeStruct((N, D), jnp.float32),
    )(acc[0], acc[1], ssumt)


def kernel(emb_mat, edge, W_scale, b_scale, W_att, b_att):
    src = edge[:, 0]
    dst = edge[:, 1]
    pad = PER_W_PAD - PER_W
    src3 = jnp.pad(src.reshape(NW, PER_W), ((0, 0), (0, pad))).reshape(NW, NSUB, B)
    dst3 = jnp.pad(dst.reshape(NW, PER_W), ((0, 0), (0, pad))).reshape(NW, NSUB, B)
    wa1 = W_att[:D]
    wa2 = W_att[D:]
    scaled, alpha, beta = _dense_front(emb_mat, W_scale, b_scale, wa1, wa2, b_att)
    scaled_bf = (scaled.reshape(N, D // 32, 2, 16).swapaxes(2, 3)
                 .reshape(N, D).astype(jnp.bfloat16))
    acc, ssum = _sc_aggregate(src3, dst3, alpha.reshape(N), beta.reshape(N),
                              scaled_bf)
    return _final(acc, ssum.reshape(NC, N))

# --- scband reference (transcript-rebuilt; emitter-appended) ---
"""Pipeline reference for scband-attention-head-68676527063358 (READ-ONLY COPY).

The authoritative reference and input builder live on the scoring server;
editing this copy changes nothing except your own understanding.
"""

import jax, jax.numpy as jnp
import numpy as np

I_DIM = 9999
N_NODES = 10000
E = 320000
FEAT = 128
D = 64

def setup_inputs(seed: int = 0) -> dict:
    key = jax.random.key(seed)
    k1, k2, k3, k4, k5 = jax.random.split(key, 5)
    emb_mat = jax.random.normal(k1, (N_NODES, FEAT), dtype=jnp.float32)
    # edge[:,0] (src / segment ids) MUST be sorted: the module's tf.repeat/bincount
    # alignment assumes edges grouped by source node.
    src = jnp.sort(jax.random.randint(k2, (E,), 0, N_NODES, dtype=jnp.int32))
    dst = jax.random.randint(k3, (E,), 0, N_NODES, dtype=jnp.int32)
    edge = jnp.stack([src, dst], axis=1)
    W_scale = jax.random.normal(k4, (FEAT, D), dtype=jnp.float32) * 0.05
    b_scale = jnp.zeros((D,), dtype=jnp.float32)
    W_att = jax.random.normal(k5, (2 * D, 1), dtype=jnp.float32) * 0.05
    b_att = jnp.zeros((1,), dtype=jnp.float32)
    return {"emb_mat": emb_mat, "edge": edge, "W_scale": W_scale,
            "b_scale": b_scale, "W_att": W_att, "b_att": b_att}

def reference(emb_mat, edge, W_scale, b_scale, W_att, b_att):
    e = edge.shape[0]
    # gather both endpoints: [E, 2, FEAT]
    edge_embedding = jnp.take(emb_mat, edge, axis=0)
    # scale_layer (Dense d_dim): [E, 2, D]
    edge_embedding = edge_embedding @ W_scale + b_scale
    edge_embedding = edge_embedding.reshape(e, -1)  # [E, 2*D]
    attention = edge_embedding @ W_att + b_att      # [E, 1]
    attention = jnp.where(attention >= 0, attention, 0.2 * attention)  # LeakyReLU(0.2)
    attention = jnp.squeeze(attention, axis=-1)     # [E]
    attention_scores = jnp.exp(attention - jnp.ones_like(attention))
    seg = edge[:, 0]
    attention_score_sum = jax.ops.segment_sum(attention_scores, seg, num_segments=I_DIM + 1)
    counts = jnp.bincount(seg, length=I_DIM + 1)
    attention_score_sum = jnp.repeat(attention_score_sum, counts, total_repeat_length=e)
    attention_score_norm = attention_scores / attention_score_sum
    item_scaled_embedding = emb_mat @ W_scale + b_scale
    item_embeddings = jnp.take(item_scaled_embedding, edge[:, 1], axis=0)
    aggregated_features = jax.ops.segment_sum(
        attention_score_norm[:, None] * item_embeddings, seg, num_segments=I_DIM + 1)
    new_item_emb = jax.nn.sigmoid(aggregated_features)
    return new_item_emb

if __name__ == "__main__":
    import jax
    _d = setup_inputs()
    print(jax.jit(kernel)(*tuple(_d.values())))

</pallas_src>

<mosaic_0001>
#map = affine_map<(d0, d1) -> (0, 0, 0)>
#map1 = affine_map<(d0, d1) -> (0)>
#map2 = affine_map<(d0, d1) -> (0, 0)>
module attributes {stable_mosaic.version = 14 : i64} {
  func.func @_sc_body(%arg0: i32, %arg1: i32, %arg2: memref<32x80x128xi32, #tpu.memory_space<hbm>>, %arg3: memref<32x80x128xi32, #tpu.memory_space<hbm>>, %arg4: memref<10000xf32, #tpu.memory_space<hbm>>, %arg5: memref<10000xf32, #tpu.memory_space<hbm>>, %arg6: memref<10000x64xbf16, #tpu.memory_space<hbm>>, %arg7: memref<2x10000x64xf32, #tpu.memory_space<hbm>>, %arg8: memref<20000xf32, #tpu.memory_space<hbm>>, %arg9: memref<80x128xi32, #tpu.memory_space<vmem>>, %arg10: memref<80x128xi32, #tpu.memory_space<vmem>>, %arg11: memref<10000xf32, #tpu.memory_space<vmem>>, %arg12: memref<10000xf32, #tpu.memory_space<vmem>>, %arg13: memref<80x128xf32, #tpu.memory_space<vmem>>, %arg14: memref<128x64xbf16, #tpu.memory_space<vmem>>, %arg15: memref<128x64xbf16, #tpu.memory_space<vmem>>, %arg16: memref<128x64xf32, #tpu.memory_space<vmem>>, %arg17: memref<128x64xf32, #tpu.memory_space<vmem>>, %arg18: memref<125x64xf32, #tpu.memory_space<vmem>>, %arg19: memref<1024xf32, #tpu.memory_space<vmem>>, %arg20: memref<10000x64xf32, #tpu.memory_space<vmem_shared>>, %arg21: memref<10000xf32, #tpu.memory_space<vmem_shared>>, %arg22: memref<!tpu.dma_semaphore, #tpu.memory_space<semaphore_mem>>, %arg23: memref<!tpu.dma_semaphore, #tpu.memory_space<semaphore_mem>>, %arg24: memref<!tpu.dma_semaphore, #tpu.memory_space<semaphore_mem>>, %arg25: memref<!tpu.dma_semaphore, #tpu.memory_space<semaphore_mem>>, %arg26: memref<!tpu.dma_semaphore, #tpu.memory_space<semaphore_mem>>) attributes {dimension_semantics = [#tpu.dimension_semantics<core_parallel>, #tpu.dimension_semantics<subcore_parallel>], iteration_bounds = array<i64: 2, 16>, scalar_prefetch = 0 : i64, scratch_operands = 18 : i64, tpu.core_type = #tpu.core_type<sc_vector_subcore>, window_params = [{transform_indices = #map}, {transform_indices = #map}, {transform_indices = #map1}, {transform_indices = #map1}, {transform_indices = #map2}, {transform_indices = #map}, {transform_indices = #map1}]} {
    %mul3A = arith.constant 2 : i32
    %mul3A_0 = arith.muli %arg1, %mul3A : i32
    %add3A = arith.addi %mul3A_0, %arg0 : i32
    %broadcast_in_dim3A = arith.constant 0.000000e+00 : f32
    %broadcast_in_dim3A_1 = vector.broadcast %broadcast_in_dim3A : f32 to vector<16xf32>
    %scan3A = arith.constant 0 : i32
    %scan3A_2 = arith.constant 500 : i32
    %scan3A_3 = arith.addi %scan3A, %scan3A_2 : i32
    %scan3A_4 = arith.constant 1 : i32
    scf.for %scan3A_622 = %scan3A to %scan3A_3 step %scan3A_4  : i32 {
      %mul3A_623 = arith.constant 1 : i32
      %mul3A_624 = arith.muli %scan3A_622, %mul3A_623 : i32
      %add3A_625 = arith.constant 0 : i32
      %add3A_626 = arith.addi %add3A_625, %mul3A_624 : i32
      %jit3A_627 = arith.constant 4 : i32
      %div3A = arith.divsi %add3A_626, %jit3A_627 : i32
      %sign3A = arith.constant 0 : i32
      %sign3A_628 = arith.cmpi sgt, %add3A_626, %sign3A : i32
      %sign3A_629 = arith.extui %sign3A_628 : i1 to i32
      %sign3A_630 = arith.constant 0 : i32
      %sign3A_631 = arith.cmpi slt, %add3A_626, %sign3A_630 : i32
      %sign3A_632 = arith.extui %sign3A_631 : i1 to i32
      %sign3A_633 = arith.subi %sign3A_629, %sign3A_632 : i32
      %sign3A_634 = arith.constant 0 : i32
      %sign3A_635 = arith.cmpi sgt, %jit3A_627, %sign3A_634 : i32
      %sign3A_636 = arith.extui %sign3A_635 : i1 to i32
      %sign3A_637 = arith.constant 0 : i32
      %sign3A_638 = arith.cmpi slt, %jit3A_627, %sign3A_637 : i32
      %sign3A_639 = arith.extui %sign3A_638 : i1 to i32
      %sign3A_640 = arith.subi %sign3A_636, %sign3A_639 : i32
      %ne3A = arith.cmpi ne, %sign3A_633, %sign3A_640 : i32
      %rem3A = arith.remsi %add3A_626, %jit3A_627 : i32
      %ne3A_641 = arith.constant 0 : i32
      %ne3A_642 = arith.cmpi ne, %rem3A, %ne3A_641 : i32
      %and3A = arith.andi %ne3A, %ne3A_642 : i1
      %sub3A_643 = arith.constant 1 : i32
      %sub3A_644 = arith.subi %div3A, %sub3A_643 : i32
      %select_n3A_645 = arith.select %and3A, %sub3A_644, %div3A : i32
      %jit3A_646 = arith.constant 4 : i32
      %eq3A = arith.constant 0 : i32
      %eq3A_647 = arith.cmpi eq, %jit3A_646, %eq3A : i32
      %jit3A_648 = arith.constant 1 : i32
      %select_n3A_649 = arith.select %eq3A_647, %jit3A_648, %jit3A_646 : i32
      %rem3A_650 = arith.remsi %add3A_626, %select_n3A_649 : i32
      %ne3A_651 = arith.constant 0 : i32
      %ne3A_652 = arith.cmpi ne, %rem3A_650, %ne3A_651 : i32
      %lt3A_653 = arith.constant 0 : i32
      %lt3A_654 = arith.cmpi slt, %rem3A_650, %lt3A_653 : i32
      %lt3A_655 = arith.constant 0 : i32
      %lt3A_656 = arith.cmpi slt, %select_n3A_649, %lt3A_655 : i32
      %ne3A_657 = arith.xori %lt3A_654, %lt3A_656 : i1
      %and3A_658 = arith.andi %ne3A_657, %ne3A_652 : i1
      %add3A_659 = arith.addi %rem3A_650, %select_n3A_649 : i32
      %select_n3A_660 = arith.select %and3A_658, %add3A_659, %rem3A_650 : i32
      %mul3A_661 = arith.constant 16 : i32
      %mul3A_662 = arith.muli %select_n3A_660, %mul3A_661 : i32
      %swap3A_663 = arith.index_cast %select_n3A_645 : i32 to index
      %swap3A_664 = arith.index_cast %mul3A_662 : i32 to index
      %swap3A_665 = tpu.vector_load %arg18[%swap3A_663, %swap3A_664] {strides = array<i32>} : memref<125x64xf32, #tpu.memory_space<vmem>>, vector<16xf32>,
      tpu.vector_store %arg18[%swap3A_663, %swap3A_664], %broadcast_in_dim3A_1 {strides = array<i32>} : memref<125x64xf32, #tpu.memory_space<vmem>>, vector<16xf32>,
    }
    %scan3A_5 = arith.constant 500 : i32
    %scan3A_6 = arith.constant 0 : i32
    %scan3A_7 = arith.constant 64 : i32
    %scan3A_8 = arith.addi %scan3A_6, %scan3A_7 : i32
    %scan3A_9 = arith.constant 1 : i32
    scf.for %scan3A_622 = %scan3A_6 to %scan3A_8 step %scan3A_9  : i32 {
      %mul3A_623 = arith.constant 1 : i32
      %mul3A_624 = arith.muli %scan3A_622, %mul3A_623 : i32
      %add3A_625 = arith.constant 0 : i32
      %add3A_626 = arith.addi %add3A_625, %mul3A_624 : i32
      %mul3A_627 = arith.constant 16 : i32
      %mul3A_628 = arith.muli %add3A_626, %mul3A_627 : i32
      %swap3A_629 = arith.index_cast %mul3A_628 : i32 to index
      %swap3A_630 = tpu.vector_load %arg19[%swap3A_629] {strides = array<i32>} : memref<1024xf32, #tpu.memory_space<vmem>>, vector<16xf32>,
      tpu.vector_store %arg19[%swap3A_629], %broadcast_in_dim3A_1 {strides = array<i32>} : memref<1024xf32, #tpu.memory_space<vmem>>, vector<16xf32>,
    }
    %scan3A_10 = arith.constant 64 : i32
    %lt3A = arith.constant 10 : i32
    %lt3A_11 = arith.cmpi slt, %arg1, %lt3A : i32
    %convert_element_type3A = arith.extui %lt3A_11 : i1 to i32
    %cond3A = arith.constant 0 : i32
    %cond3A_12 = arith.cmpi ne, %convert_element_type3A, %cond3A : i32
    scf.if %cond3A_12 {
      %scan3A_622 = arith.constant 0 : i32
      %scan3A_623 = arith.constant 8 : i32
      %scan3A_624 = arith.addi %scan3A_622, %scan3A_623 : i32
      %scan3A_625 = arith.constant 1 : i32
      scf.for %scan3A_629 = %scan3A_622 to %scan3A_624 step %scan3A_625  : i32 {
        %mul3A_630 = arith.constant 1 : i32
        %mul3A_631 = arith.muli %scan3A_629, %mul3A_630 : i32
        %add3A_632 = arith.constant 0 : i32
        %add3A_633 = arith.addi %add3A_632, %mul3A_631 : i32
        %mul3A_634 = arith.constant 1000 : i32
        %mul3A_635 = arith.muli %arg1, %mul3A_634 : i32
        %mul3A_636 = arith.constant 125 : i32
        %mul3A_637 = arith.muli %add3A_633, %mul3A_636 : i32
        %add3A_638 = arith.addi %mul3A_635, %mul3A_637 : i32
        "tpu.region"() ({
          %run_scoped3A = tpu.sem_alloc : memref<!tpu.dma_semaphore, #tpu.memory_space<semaphore_mem>>
          %dma_start3A_639 = arith.constant 0 : i32
          %dma_start3A_640 = tpu.memref_slice %arg20[%add3A_638, %dma_start3A_639] : memref<10000x64xf32, #tpu.memory_space<vmem_shared>> -> memref<125x64xf32, #tpu.memory_space<vmem_shared>>
          %dma_start3A_641 = arith.constant 0 : i32
          %dma_start3A_642 = tpu.memref_slice %arg20[%add3A_638, %dma_start3A_641] : memref<10000x64xf32, #tpu.memory_space<vmem_shared>> -> memref<125x64xf32, #tpu.memory_space<vmem_shared>>
          tpu.enqueue_dma source(%arg18 : memref<125x64xf32, #tpu.memory_space<vmem>>) target(%dma_start3A_642 : memref<125x64xf32, #tpu.memory_space<vmem_shared>>) target_semaphore(%run_scoped3A : memref<!tpu.dma_semaphore, #tpu.memory_space<semaphore_mem>>)
          %dma_wait3A_643 = arith.constant 0 : i32
          %dma_wait3A_644 = tpu.memref_slice %arg20[%add3A_638, %dma_wait3A_643] : memref<10000x64xf32, #tpu.memory_space<vmem_shared>> -> memref<125x64xf32, #tpu.memory_space<vmem_shared>>
          %dma_wait3A_645 = arith.constant 0 : i32
          %dma_wait3A_646 = tpu.memref_slice %arg20[%add3A_638, %dma_wait3A_645] : memref<10000x64xf32, #tpu.memory_space<vmem_shared>> -> memref<125x64xf32, #tpu.memory_space<vmem_shared>>
          tpu.wait_dma2 semaphore(%run_scoped3A : memref<!tpu.dma_semaphore, #tpu.memory_space<semaphore_mem>>) src(%arg18 : memref<125x64xf32, #tpu.memory_space<vmem>>) dst(%dma_wait3A_646 : memref<125x64xf32, #tpu.memory_space<vmem_shared>>)
          tpu.yield
        }) : () -> ()
      }
      %scan3A_626 = arith.constant 8 : i32
      %mul3A_627 = arith.constant 1000 : i32
      %mul3A_628 = arith.muli %arg1, %mul3A_627 : i32
      "tpu.region"() ({
        %run_scoped3A = tpu.sem_alloc : memref<!tpu.dma_semaphore, #tpu.memory_space<semaphore_mem>>
        %dma_start3A_629 = arith.constant 0 : i32
        %dma_start3A_630 = tpu.memref_slice %arg19[%dma_start3A_629] : memref<1024xf32, #tpu.memory_space<vmem>> -> memref<1000xf32, #tpu.memory_space<vmem>>
        %dma_start3A_631 = tpu.memref_slice %arg21[%mul3A_628] : memref<10000xf32, #tpu.memory_space<vmem_shared>> -> memref<1000xf32, #tpu.memory_space<vmem_shared>>
        %dma_start3A_632 = tpu.memref_slice %arg21[%mul3A_628] : memref<10000xf32, #tpu.memory_space<vmem_shared>> -> memref<1000xf32, #tpu.memory_space<vmem_shared>>
        %dma_start3A_633 = arith.constant 0 : i32
        %dma_start3A_634 = tpu.memref_slice %arg19[%dma_start3A_633] : memref<1024xf32, #tpu.memory_space<vmem>> -> memref<1000xf32, #tpu.memory_space<vmem>>
        tpu.enqueue_dma source(%dma_start3A_634 : memref<1000xf32, #tpu.memory_space<vmem>>) target(%dma_start3A_632 : memref<1000xf32, #tpu.memory_space<vmem_shared>>) target_semaphore(%run_scoped3A : memref<!tpu.dma_semaphore, #tpu.memory_space<semaphore_mem>>)
        %dma_wait3A_635 = arith.constant 0 : i32
        %dma_wait3A_636 = tpu.memref_slice %arg19[%dma_wait3A_635] : memref<1024xf32, #tpu.memory_space<vmem>> -> memref<1000xf32, #tpu.memory_space<vmem>>
        %dma_wait3A_637 = tpu.memref_slice %arg21[%mul3A_628] : memref<10000xf32, #tpu.memory_space<vmem_shared>> -> memref<1000xf32, #tpu.memory_space<vmem_shared>>
        %dma_wait3A_638 = tpu.memref_slice %arg21[%mul3A_628] : memref<10000xf32, #tpu.memory_space<vmem_shared>> -> memref<1000xf32, #tpu.memory_space<vmem_shared>>
        %dma_wait3A_639 = arith.constant 0 : i32
        %dma_wait3A_640 = tpu.memref_slice %arg19[%dma_wait3A_639] : memref<1024xf32, #tpu.memory_space<vmem>> -> memref<1000xf32, #tpu.memory_space<vmem>>
        tpu.wait_dma2 semaphore(%run_scoped3A : memref<!tpu.dma_semaphore, #tpu.memory_space<semaphore_mem>>) src(%dma_wait3A_640 : memref<1000xf32, #tpu.memory_space<vmem>>) dst(%dma_wait3A_638 : memref<1000xf32, #tpu.memory_space<vmem_shared>>)
        tpu.yield
      }) : () -> ()
    } else {
    }
    "tpu.region"() ({
      %run_scoped3A = tpu.sem_alloc : memref<!tpu.dma_semaphore, #tpu.memory_space<semaphore_mem>>
      %dma_start3A_622 = arith.constant 0 : i32
      %dma_start3A_623 = arith.constant 0 : i32
      %dma_start3A_624 = tpu.memref_slice %arg2[%add3A, %dma_start3A_622, %dma_start3A_623] : memref<32x80x128xi32, #tpu.memory_space<hbm>> -> memref<1x80x128xi32, #tpu.memory_space<hbm>>
      %dma_start3A_625 = tpu.memref_squeeze %dma_start3A_624 : memref<1x80x128xi32, #tpu.memory_space<hbm>> -> memref<80x128xi32, #tpu.memory_space<hbm>>
      %dma_start3A_626 = arith.constant 0 : i32
      %dma_start3A_627 = arith.constant 0 : i32
      %dma_start3A_628 = tpu.memref_slice %arg2[%add3A, %dma_start3A_626, %dma_start3A_627] : memref<32x80x128xi32, #tpu.memory_space<hbm>> -> memref<1x80x128xi32, #tpu.memory_space<hbm>>
      %dma_start3A_629 = tpu.memref_squeeze %dma_start3A_628 : memref<1x80x128xi32, #tpu.memory_space<hbm>> -> memref<80x128xi32, #tpu.memory_space<hbm>>
      tpu.enqueue_dma source(%dma_start3A_629 : memref<80x128xi32, #tpu.memory_space<hbm>>) target(%arg9 : memref<80x128xi32, #tpu.memory_space<vmem>>) target_semaphore(%run_scoped3A : memref<!tpu.dma_semaphore, #tpu.memory_space<semaphore_mem>>)
      %dma_wait3A_630 = arith.constant 0 : i32
      %dma_wait3A_631 = arith.constant 0 : i32
      %dma_wait3A_632 = tpu.memref_slice %arg2[%add3A, %dma_wait3A_630, %dma_wait3A_631] : memref<32x80x128xi32, #tpu.memory_space<hbm>> -> memref<1x80x128xi32, #tpu.memory_space<hbm>>
      %dma_wait3A_633 = tpu.memref_squeeze %dma_wait3A_632 : memref<1x80x128xi32, #tpu.memory_space<hbm>> -> memref<80x128xi32, #tpu.memory_space<hbm>>
      %dma_wait3A_634 = arith.constant 0 : i32
      %dma_wait3A_635 = arith.constant 0 : i32
      %dma_wait3A_636 = tpu.memref_slice %arg2[%add3A, %dma_wait3A_634, %dma_wait3A_635] : memref<32x80x128xi32, #tpu.memory_space<hbm>> -> memref<1x80x128xi32, #tpu.memory_space<hbm>>
      %dma_wait3A_637 = tpu.memref_squeeze %dma_wait3A_636 : memref<1x80x128xi32, #tpu.memory_space<hbm>> -> memref<80x128xi32, #tpu.memory_space<hbm>>
      tpu.wait_dma2 semaphore(%run_scoped3A : memref<!tpu.dma_semaphore, #tpu.memory_space<semaphore_mem>>) src(%dma_wait3A_637 : memref<80x128xi32, #tpu.memory_space<hbm>>) dst(%arg9 : memref<80x128xi32, #tpu.memory_space<vmem>>)
      tpu.yield
    }) : () -> ()
    "tpu.region"() ({
      %run_scoped3A = tpu.sem_alloc : memref<!tpu.dma_semaphore, #tpu.memory_space<semaphore_mem>>
      %dma_start3A_622 = arith.constant 0 : i32
      %dma_start3A_623 = arith.constant 0 : i32
      %dma_start3A_624 = tpu.memref_slice %arg3[%add3A, %dma_start3A_622, %dma_start3A_623] : memref<32x80x128xi32, #tpu.memory_space<hbm>> -> memref<1x80x128xi32, #tpu.memory_space<hbm>>
      %dma_start3A_625 = tpu.memref_squeeze %dma_start3A_624 : memref<1x80x128xi32, #tpu.memory_space<hbm>> -> memref<80x128xi32, #tpu.memory_space<hbm>>
      %dma_start3A_626 = arith.constant 0 : i32
      %dma_start3A_627 = arith.constant 0 : i32
      %dma_start3A_628 = tpu.memref_slice %arg3[%add3A, %dma_start3A_626, %dma_start3A_627] : memref<32x80x128xi32, #tpu.memory_space<hbm>> -> memref<1x80x128xi32, #tpu.memory_space<hbm>>
      %dma_start3A_629 = tpu.memref_squeeze %dma_start3A_628 : memref<1x80x128xi32, #tpu.memory_space<hbm>> -> memref<80x128xi32, #tpu.memory_space<hbm>>
      tpu.enqueue_dma source(%dma_start3A_629 : memref<80x128xi32, #tpu.memory_space<hbm>>) target(%arg10 : memref<80x128xi32, #tpu.memory_space<vmem>>) target_semaphore(%run_scoped3A : memref<!tpu.dma_semaphore, #tpu.memory_space<semaphore_mem>>)
      %dma_wait3A_630 = arith.constant 0 : i32
      %dma_wait3A_631 = arith.constant 0 : i32
      %dma_wait3A_632 = tpu.memref_slice %arg3[%add3A, %dma_wait3A_630, %dma_wait3A_631] : memref<32x80x128xi32, #tpu.memory_space<hbm>> -> memref<1x80x128xi32, #tpu.memory_space<hbm>>
      %dma_wait3A_633 = tpu.memref_squeeze %dma_wait3A_632 : memref<1x80x128xi32, #tpu.memory_space<hbm>> -> memref<80x128xi32, #tpu.memory_space<hbm>>
      %dma_wait3A_634 = arith.constant 0 : i32
      %dma_wait3A_635 = arith.constant 0 : i32
      %dma_wait3A_636 = tpu.memref_slice %arg3[%add3A, %dma_wait3A_634, %dma_wait3A_635] : memref<32x80x128xi32, #tpu.memory_space<hbm>> -> memref<1x80x128xi32, #tpu.memory_space<hbm>>
      %dma_wait3A_637 = tpu.memref_squeeze %dma_wait3A_636 : memref<1x80x128xi32, #tpu.memory_space<hbm>> -> memref<80x128xi32, #tpu.memory_space<hbm>>
      tpu.wait_dma2 semaphore(%run_scoped3A : memref<!tpu.dma_semaphore, #tpu.memory_space<semaphore_mem>>) src(%dma_wait3A_637 : memref<80x128xi32, #tpu.memory_space<hbm>>) dst(%arg10 : memref<80x128xi32, #tpu.memory_space<vmem>>)
      tpu.yield
    }) : () -> ()
    "tpu.region"() ({
      %run_scoped3A = tpu.sem_alloc : memref<!tpu.dma_semaphore, #tpu.memory_space<semaphore_mem>>
      tpu.enqueue_dma source(%arg4 : memref<10000xf32, #tpu.memory_space<hbm>>) target(%arg11 : memref<10000xf32, #tpu.memory_space<vmem>>) target_semaphore(%run_scoped3A : memref<!tpu.dma_semaphore, #tpu.memory_space<semaphore_mem>>)
      tpu.wait_dma2 semaphore(%run_scoped3A : memref<!tpu.dma_semaphore, #tpu.memory_space<semaphore_mem>>) src(%arg4 : memref<10000xf32, #tpu.memory_space<hbm>>) dst(%arg11 : memref<10000xf32, #tpu.memory_space<vmem>>)
      tpu.yield
    }) : () -> ()
    "tpu.region"() ({
      %run_scoped3A = tpu.sem_alloc : memref<!tpu.dma_semaphore, #tpu.memory_space<semaphore_mem>>
      tpu.enqueue_dma source(%arg5 : memref<10000xf32, #tpu.memory_space<hbm>>) target(%arg12 : memref<10000xf32, #tpu.memory_space<vmem>>) target_semaphore(%run_scoped3A : memref<!tpu.dma_semaphore, #tpu.memory_space<semaphore_mem>>)
      tpu.wait_dma2 semaphore(%run_scoped3A : memref<!tpu.dma_semaphore, #tpu.memory_space<semaphore_mem>>) src(%arg5 : memref<10000xf32, #tpu.memory_space<hbm>>) dst(%arg12 : memref<10000xf32, #tpu.memory_space<vmem>>)
      tpu.yield
    }) : () -> ()
    %barrier3A = arith.constant 0 : index
    tpu.barrier barrier_id(%barrier3A)
    %iota3A = tpu.iota {dimensions = array<i32: 0>} : vector<16xi32>
    %dma_start3A = arith.constant 0 : i32
    %dma_start3A_13 = arith.constant 0 : i32
    %dma_start3A_14 = tpu.memref_slice %arg10[%dma_start3A, %dma_start3A_13] : memref<80x128xi32, #tpu.memory_space<vmem>> -> memref<1x128xi32, #tpu.memory_space<vmem>>
    %dma_start3A_15 = tpu.memref_squeeze %dma_start3A_14 : memref<1x128xi32, #tpu.memory_space<vmem>> -> memref<128xi32, #tpu.memory_space<vmem>>
    %dma_start3A_16 = arith.constant 0 : i32
    %dma_start3A_17 = arith.constant 0 : i32
    %dma_start3A_18 = tpu.memref_slice %arg6[%dma_start3A_16, %dma_start3A_17] : memref<10000x64xbf16, #tpu.memory_space<hbm>> -> memref<10000x64xbf16, #tpu.memory_space<hbm>>
    tpu.enqueue_indirect_dma source(%dma_start3A_18 : memref<10000x64xbf16, #tpu.memory_space<hbm>>) target(%arg14 : memref<128x64xbf16, #tpu.memory_space<vmem>>) offsets(%dma_start3A_15 : memref<128xi32, #tpu.memory_space<vmem>>) semaphore(%arg22 : memref<!tpu.dma_semaphore, #tpu.memory_space<semaphore_mem>>)
    %get3A = arith.constant 0 : i32
    %get3A_19 = arith.index_cast %get3A : i32 to index
    %get3A_20 = arith.constant 0 : index
    %get3A_21 = tpu.vector_load %arg9[%get3A_19, %get3A_20] {strides = array<i32>} : memref<80x128xi32, #tpu.memory_space<vmem>>, vector<16xi32>,
    %get3A_22 = arith.constant 0 : i32
    %get3A_23 = arith.index_cast %get3A_22 : i32 to index
    %get3A_24 = arith.constant 0 : index
    %get3A_25 = tpu.vector_load %arg10[%get3A_23, %get3A_24] {strides = array<i32>} : memref<80x128xi32, #tpu.memory_space<vmem>>, vector<16xi32>,
    %gather3A = tpu.vector_load_idx %arg11[%get3A_21] : memref<10000xf32, #tpu.memory_space<vmem>>[vector<16xi32>], vector<16xf32>,
    %gather3A_26 = tpu.vector_load_idx %arg12[%get3A_25] : memref<10000xf32, #tpu.memory_space<vmem>>[vector<16xi32>], vector<16xf32>,
    %add3A_27 = arith.addf %gather3A, %gather3A_26 : vector<16xf32>
    %ge3A = arith.constant 0.000000e+00 : f32
    %ge3A_28 = vector.broadcast %ge3A : f32 to vector<16xf32>
    %ge3A_29 = arith.cmpf oge, %add3A_27, %ge3A_28 : vector<16xf32>
    %mul3A_30 = arith.constant 2.000000e-01 : f32
    %mul3A_31 = vector.broadcast %mul3A_30 : f32 to vector<16xf32>
    %mul3A_32 = arith.mulf %mul3A_31, %add3A_27 : vector<16xf32>
    %select_n3A = arith.select %ge3A_29, %add3A_27, %mul3A_32 : vector<16xi1>, vector<16xf32>
    %sub3A = arith.constant 1.000000e+00 : f32
    %sub3A_33 = vector.broadcast %sub3A : f32 to vector<16xf32>
    %sub3A_34 = arith.subf %select_n3A, %sub3A_33 : vector<16xf32>
    %exp3A = math.exp %sub3A_34 : vector<16xf32>
    %add3A_35 = arith.constant 0 : i32
    %add3A_36 = vector.broadcast %add3A_35 : i32 to vector<16xi32>
    %add3A_37 = arith.addi %add3A_36, %iota3A : vector<16xi32>
    %lt3A_38 = arith.constant 10000 : i32
    %lt3A_39 = vector.broadcast %lt3A_38 : i32 to vector<16xi32>
    %lt3A_40 = arith.cmpi slt, %add3A_37, %lt3A_39 : vector<16xi32>
    %jit3A = arith.constant 0.000000e+00 : f32
    %broadcast_in_dim3A_41 = vector.broadcast %jit3A : f32 to vector<16xf32>
    %select_n3A_42 = arith.select %lt3A_40, %exp3A, %broadcast_in_dim3A_41 : vector<16xi1>, vector<16xf32>
    %swap3A = arith.constant 0 : i32
    %swap3A_43 = arith.index_cast %swap3A : i32 to index
    %swap3A_44 = arith.constant 0 : index
    %swap3A_45 = tpu.vector_load %arg13[%swap3A_43, %swap3A_44] {strides = array<i32>} : memref<80x128xf32, #tpu.memory_space<vmem>>, vector<16xf32>,
    tpu.vector_store %arg13[%swap3A_43, %swap3A_44], %select_n3A_42 {strides = array<i32>} : memref<80x128xf32, #tpu.memory_space<vmem>>, vector<16xf32>,
    %get3A_46 = arith.constant 0 : i32
    %get3A_47 = arith.index_cast %get3A_46 : i32 to index
    %get3A_48 = arith.constant 16 : index
    %get3A_49 = tpu.vector_load %arg9[%get3A_47, %get3A_48] {strides = array<i32>} : memref<80x128xi32, #tpu.memory_space<vmem>>, vector<16xi32>,
    %get3A_50 = arith.constant 0 : i32
    %get3A_51 = arith.index_cast %get3A_50 : i32 to index
    %get3A_52 = arith.constant 16 : index
    %get3A_53 = tpu.vector_load %arg10[%get3A_51, %get3A_52] {strides = array<i32>} : memref<80x128xi32, #tpu.memory_space<vmem>>, vector<16xi32>,
    %gather3A_54 = tpu.vector_load_idx %arg11[%get3A_49] : memref<10000xf32, #tpu.memory_space<vmem>>[vector<16xi32>], vector<16xf32>,
    %gather3A_55 = tpu.vector_load_idx %arg12[%get3A_53] : memref<10000xf32, #tpu.memory_space<vmem>>[vector<16xi32>], vector<16xf32>,
    %add3A_56 = arith.addf %gather3A_54, %gather3A_55 : vector<16xf32>
    %ge3A_57 = arith.constant 0.000000e+00 : f32
    %ge3A_58 = vector.broadcast %ge3A_57 : f32 to vector<16xf32>
    %ge3A_59 = arith.cmpf oge, %add3A_56, %ge3A_58 : vector<16xf32>
    %mul3A_60 = arith.constant 2.000000e-01 : f32
    %mul3A_61 = vector.broadcast %mul3A_60 : f32 to vector<16xf32>
    %mul3A_62 = arith.mulf %mul3A_61, %add3A_56 : vector<16xf32>
    %select_n3A_63 = arith.select %ge3A_59, %add3A_56, %mul3A_62 : vector<16xi1>, vector<16xf32>
    %sub3A_64 = arith.constant 1.000000e+00 : f32
    %sub3A_65 = vector.broadcast %sub3A_64 : f32 to vector<16xf32>
    %sub3A_66 = arith.subf %select_n3A_63, %sub3A_65 : vector<16xf32>
    %exp3A_67 = math.exp %sub3A_66 : vector<16xf32>
    %add3A_68 = arith.constant 16 : i32
    %add3A_69 = vector.broadcast %add3A_68 : i32 to vector<16xi32>
    %add3A_70 = arith.addi %add3A_69, %iota3A : vector<16xi32>
    %lt3A_71 = arith.constant 10000 : i32
    %lt3A_72 = vector.broadcast %lt3A_71 : i32 to vector<16xi32>
    %lt3A_73 = arith.cmpi slt, %add3A_70, %lt3A_72 : vector<16xi32>
    %jit3A_74 = arith.constant 0.000000e+00 : f32
    %broadcast_in_dim3A_75 = vector.broadcast %jit3A_74 : f32 to vector<16xf32>
    %select_n3A_76 = arith.select %lt3A_73, %exp3A_67, %broadcast_in_dim3A_75 : vector<16xi1>, vector<16xf32>
    %swap3A_77 = arith.constant 0 : i32
    %swap3A_78 = arith.index_cast %swap3A_77 : i32 to index
    %swap3A_79 = arith.constant 16 : index
    %swap3A_80 = tpu.vector_load %arg13[%swap3A_78, %swap3A_79] {strides = array<i32>} : memref<80x128xf32, #tpu.memory_space<vmem>>, vector<16xf32>,
    tpu.vector_store %arg13[%swap3A_78, %swap3A_79], %select_n3A_76 {strides = array<i32>} : memref<80x128xf32, #tpu.memory_space<vmem>>, vector<16xf32>,
    %get3A_81 = arith.constant 0 : i32
    %get3A_82 = arith.index_cast %get3A_81 : i32 to index
    %get3A_83 = arith.constant 32 : index
    %get3A_84 = tpu.vector_load %arg9[%get3A_82, %get3A_83] {strides = array<i32>} : memref<80x128xi32, #tpu.memory_space<vmem>>, vector<16xi32>,
    %get3A_85 = arith.constant 0 : i32
    %get3A_86 = arith.index_cast %get3A_85 : i32 to index
    %get3A_87 = arith.constant 32 : index
    %get3A_88 = tpu.vector_load %arg10[%get3A_86, %get3A_87] {strides = array<i32>} : memref<80x128xi32, #tpu.memory_space<vmem>>, vector<16xi32>,
    %gather3A_89 = tpu.vector_load_idx %arg11[%get3A_84] : memref<10000xf32, #tpu.memory_space<vmem>>[vector<16xi32>], vector<16xf32>,
    %gather3A_90 = tpu.vector_load_idx %arg12[%get3A_88] : memref<10000xf32, #tpu.memory_space<vmem>>[vector<16xi32>], vector<16xf32>,
    %add3A_91 = arith.addf %gather3A_89, %gather3A_90 : vector<16xf32>
    %ge3A_92 = arith.constant 0.000000e+00 : f32
    %ge3A_93 = vector.broadcast %ge3A_92 : f32 to vector<16xf32>
    %ge3A_94 = arith.cmpf oge, %add3A_91, %ge3A_93 : vector<16xf32>
    %mul3A_95 = arith.constant 2.000000e-01 : f32
    %mul3A_96 = vector.broadcast %mul3A_95 : f32 to vector<16xf32>
    %mul3A_97 = arith.mulf %mul3A_96, %add3A_91 : vector<16xf32>
    %select_n3A_98 = arith.select %ge3A_94, %add3A_91, %mul3A_97 : vector<16xi1>, vector<16xf32>
    %sub3A_99 = arith.constant 1.000000e+00 : f32
    %sub3A_100 = vector.broadcast %sub3A_99 : f32 to vector<16xf32>
    %sub3A_101 = arith.subf %select_n3A_98, %sub3A_100 : vector<16xf32>
    %exp3A_102 = math.exp %sub3A_101 : vector<16xf32>
    %add3A_103 = arith.constant 32 : i32
    %add3A_104 = vector.broadcast %add3A_103 : i32 to vector<16xi32>
    %add3A_105 = arith.addi %add3A_104, %iota3A : vector<16xi32>
    %lt3A_106 = arith.constant 10000 : i32
    %lt3A_107 = vector.broadcast %lt3A_106 : i32 to vector<16xi32>
    %lt3A_108 = arith.cmpi slt, %add3A_105, %lt3A_107 : vector<16xi32>
    %jit3A_109 = arith.constant 0.000000e+00 : f32
    %broadcast_in_dim3A_110 = vector.broadcast %jit3A_109 : f32 to vector<16xf32>
    %select_n3A_111 = arith.select %lt3A_108, %exp3A_102, %broadcast_in_dim3A_110 : vector<16xi1>, vector<16xf32>
    %swap3A_112 = arith.constant 0 : i32
    %swap3A_113 = arith.index_cast %swap3A_112 : i32 to index
    %swap3A_114 = arith.constant 32 : index
    %swap3A_115 = tpu.vector_load %arg13[%swap3A_113, %swap3A_114] {strides = array<i32>} : memref<80x128xf32, #tpu.memory_space<vmem>>, vector<16xf32>,
    tpu.vector_store %arg13[%swap3A_113, %swap3A_114], %select_n3A_111 {strides = array<i32>} : memref<80x128xf32, #tpu.memory_space<vmem>>, vector<16xf32>,
    %get3A_116 = arith.constant 0 : i32
    %get3A_117 = arith.index_cast %get3A_116 : i32 to index
    %get3A_118 = arith.constant 48 : index
    %get3A_119 = tpu.vector_load %arg9[%get3A_117, %get3A_118] {strides = array<i32>} : memref<80x128xi32, #tpu.memory_space<vmem>>, vector<16xi32>,
    %get3A_120 = arith.constant 0 : i32
    %get3A_121 = arith.index_cast %get3A_120 : i32 to index
    %get3A_122 = arith.constant 48 : index
    %get3A_123 = tpu.vector_load %arg10[%get3A_121, %get3A_122] {strides = array<i32>} : memref<80x128xi32, #tpu.memory_space<vmem>>, vector<16xi32>,
    %gather3A_124 = tpu.vector_load_idx %arg11[%get3A_119] : memref<10000xf32, #tpu.memory_space<vmem>>[vector<16xi32>], vector<16xf32>,
    %gather3A_125 = tpu.vector_load_idx %arg12[%get3A_123] : memref<10000xf32, #tpu.memory_space<vmem>>[vector<16xi32>], vector<16xf32>,
    %add3A_126 = arith.addf %gather3A_124, %gather3A_125 : vector<16xf32>
    %ge3A_127 = arith.constant 0.000000e+00 : f32
    %ge3A_128 = vector.broadcast %ge3A_127 : f32 to vector<16xf32>
    %ge3A_129 = arith.cmpf oge, %add3A_126, %ge3A_128 : vector<16xf32>
    %mul3A_130 = arith.constant 2.000000e-01 : f32
    %mul3A_131 = vector.broadcast %mul3A_130 : f32 to vector<16xf32>
    %mul3A_132 = arith.mulf %mul3A_131, %add3A_126 : vector<16xf32>
    %select_n3A_133 = arith.select %ge3A_129, %add3A_126, %mul3A_132 : vector<16xi1>, vector<16xf32>
    %sub3A_134 = arith.constant 1.000000e+00 : f32
    %sub3A_135 = vector.broadcast %sub3A_134 : f32 to vector<16xf32>
    %sub3A_136 = arith.subf %select_n3A_133, %sub3A_135 : vector<16xf32>
    %exp3A_137 = math.exp %sub3A_136 : vector<16xf32>
    %add3A_138 = arith.constant 48 : i32
    %add3A_139 = vector.broadcast %add3A_138 : i32 to vector<16xi32>
    %add3A_140 = arith.addi %add3A_139, %iota3A : vector<16xi32>
    %lt3A_141 = arith.constant 10000 : i32
    %lt3A_142 = vector.broadcast %lt3A_141 : i32 to vector<16xi32>
    %lt3A_143 = arith.cmpi slt, %add3A_140, %lt3A_142 : vector<16xi32>
    %jit3A_144 = arith.constant 0.000000e+00 : f32
    %broadcast_in_dim3A_145 = vector.broadcast %jit3A_144 : f32 to vector<16xf32>
    %select_n3A_146 = arith.select %lt3A_143, %exp3A_137, %broadcast_in_dim3A_145 : vector<16xi1>, vector<16xf32>
    %swap3A_147 = arith.constant 0 : i32
    %swap3A_148 = arith.index_cast %swap3A_147 : i32 to index
    %swap3A_149 = arith.constant 48 : index
    %swap3A_150 = tpu.vector_load %arg13[%swap3A_148, %swap3A_149] {strides = array<i32>} : memref<80x128xf32, #tpu.memory_space<vmem>>, vector<16xf32>,
    tpu.vector_store %arg13[%swap3A_148, %swap3A_149], %select_n3A_146 {strides = array<i32>} : memref<80x128xf32, #tpu.memory_space<vmem>>, vector<16xf32>,
    %get3A_151 = arith.constant 0 : i32
    %get3A_152 = arith.index_cast %get3A_151 : i32 to index
    %get3A_153 = arith.constant 64 : index
    %get3A_154 = tpu.vector_load %arg9[%get3A_152, %get3A_153] {strides = array<i32>} : memref<80x128xi32, #tpu.memory_space<vmem>>, vector<16xi32>,
    %get3A_155 = arith.constant 0 : i32
    %get3A_156 = arith.index_cast %get3A_155 : i32 to index
    %get3A_157 = arith.constant 64 : index
    %get3A_158 = tpu.vector_load %arg10[%get3A_156, %get3A_157] {strides = array<i32>} : memref<80x128xi32, #tpu.memory_space<vmem>>, vector<16xi32>,
    %gather3A_159 = tpu.vector_load_idx %arg11[%get3A_154] : memref<10000xf32, #tpu.memory_space<vmem>>[vector<16xi32>], vector<16xf32>,
    %gather3A_160 = tpu.vector_load_idx %arg12[%get3A_158] : memref<10000xf32, #tpu.memory_space<vmem>>[vector<16xi32>], vector<16xf32>,
    %add3A_161 = arith.addf %gather3A_159, %gather3A_160 : vector<16xf32>
    %ge3A_162 = arith.constant 0.000000e+00 : f32
    %ge3A_163 = vector.broadcast %ge3A_162 : f32 to vector<16xf32>
    %ge3A_164 = arith.cmpf oge, %add3A_161, %ge3A_163 : vector<16xf32>
    %mul3A_165 = arith.constant 2.000000e-01 : f32
    %mul3A_166 = vector.broadcast %mul3A_165 : f32 to vector<16xf32>
    %mul3A_167 = arith.mulf %mul3A_166, %add3A_161 : vector<16xf32>
    %select_n3A_168 = arith.select %ge3A_164, %add3A_161, %mul3A_167 : vector<16xi1>, vector<16xf32>
    %sub3A_169 = arith.constant 1.000000e+00 : f32
    %sub3A_170 = vector.broadcast %sub3A_169 : f32 to vector<16xf32>
    %sub3A_171 = arith.subf %select_n3A_168, %sub3A_170 : vector<16xf32>
    %exp3A_172 = math.exp %sub3A_171 : vector<16xf32>
    %add3A_173 = arith.constant 64 : i32
    %add3A_174 = vector.broadcast %add3A_173 : i32 to vector<16xi32>
    %add3A_175 = arith.addi %add3A_174, %iota3A : vector<16xi32>
    %lt3A_176 = arith.constant 10000 : i32
    %lt3A_177 = vector.broadcast %lt3A_176 : i32 to vector<16xi32>
    %lt3A_178 = arith.cmpi slt, %add3A_175, %lt3A_177 : vector<16xi32>
    %jit3A_179 = arith.constant 0.000000e+00 : f32
    %broadcast_in_dim3A_180 = vector.broadcast %jit3A_179 : f32 to vector<16xf32>
    %select_n3A_181 = arith.select %lt3A_178, %exp3A_172, %broadcast_in_dim3A_180 : vector<16xi1>, vector<16xf32>
    %swap3A_182 = arith.constant 0 : i32
    %swap3A_183 = arith.index_cast %swap3A_182 : i32 to index
    %swap3A_184 = arith.constant 64 : index
    %swap3A_185 = tpu.vector_load %arg13[%swap3A_183, %swap3A_184] {strides = array<i32>} : memref<80x128xf32, #tpu.memory_space<vmem>>, vector<16xf32>,
    tpu.vector_store %arg13[%swap3A_183, %swap3A_184], %select_n3A_181 {strides = array<i32>} : memref<80x128xf32, #tpu.memory_space<vmem>>, vector<16xf32>,
    %get3A_186 = arith.constant 0 : i32
    %get3A_187 = arith.index_cast %get3A_186 : i32 to index
    %get3A_188 = arith.constant 80 : index
    %get3A_189 = tpu.vector_load %arg9[%get3A_187, %get3A_188] {strides = array<i32>} : memref<80x128xi32, #tpu.memory_space<vmem>>, vector<16xi32>,
    %get3A_190 = arith.constant 0 : i32
    %get3A_191 = arith.index_cast %get3A_190 : i32 to index
    %get3A_192 = arith.constant 80 : index
    %get3A_193 = tpu.vector_load %arg10[%get3A_191, %get3A_192] {strides = array<i32>} : memref<80x128xi32, #tpu.memory_space<vmem>>, vector<16xi32>,
    %gather3A_194 = tpu.vector_load_idx %arg11[%get3A_189] : memref<10000xf32, #tpu.memory_space<vmem>>[vector<16xi32>], vector<16xf32>,
    %gather3A_195 = tpu.vector_load_idx %arg12[%get3A_193] : memref<10000xf32, #tpu.memory_space<vmem>>[vector<16xi32>], vector<16xf32>,
    %add3A_196 = arith.addf %gather3A_194, %gather3A_195 : vector<16xf32>
    %ge3A_197 = arith.constant 0.000000e+00 : f32
    %ge3A_198 = vector.broadcast %ge3A_197 : f32 to vector<16xf32>
    %ge3A_199 = arith.cmpf oge, %add3A_196, %ge3A_198 : vector<16xf32>
    %mul3A_200 = arith.constant 2.000000e-01 : f32
    %mul3A_201 = vector.broadcast %mul3A_200 : f32 to vector<16xf32>
    %mul3A_202 = arith.mulf %mul3A_201, %add3A_196 : vector<16xf32>
    %select_n3A_203 = arith.select %ge3A_199, %add3A_196, %mul3A_202 : vector<16xi1>, vector<16xf32>
    %sub3A_204 = arith.constant 1.000000e+00 : f32
    %sub3A_205 = vector.broadcast %sub3A_204 : f32 to vector<16xf32>
    %sub3A_206 = arith.subf %select_n3A_203, %sub3A_205 : vector<16xf32>
    %exp3A_207 = math.exp %sub3A_206 : vector<16xf32>
    %add3A_208 = arith.constant 80 : i32
    %add3A_209 = vector.broadcast %add3A_208 : i32 to vector<16xi32>
    %add3A_210 = arith.addi %add3A_209, %iota3A : vector<16xi32>
    %lt3A_211 = arith.constant 10000 : i32
    %lt3A_212 = vector.broadcast %lt3A_211 : i32 to vector<16xi32>
    %lt3A_213 = arith.cmpi slt, %add3A_210, %lt3A_212 : vector<16xi32>
    %jit3A_214 = arith.constant 0.000000e+00 : f32
    %broadcast_in_dim3A_215 = vector.broadcast %jit3A_214 : f32 to vector<16xf32>
    %select_n3A_216 = arith.select %lt3A_213, %exp3A_207, %broadcast_in_dim3A_215 : vector<16xi1>, vector<16xf32>
    %swap3A_217 = arith.constant 0 : i32
    %swap3A_218 = arith.index_cast %swap3A_217 : i32 to index
    %swap3A_219 = arith.constant 80 : index
    %swap3A_220 = tpu.vector_load %arg13[%swap3A_218, %swap3A_219] {strides = array<i32>} : memref<80x128xf32, #tpu.memory_space<vmem>>, vector<16xf32>,
    tpu.vector_store %arg13[%swap3A_218, %swap3A_219], %select_n3A_216 {strides = array<i32>} : memref<80x128xf32, #tpu.memory_space<vmem>>, vector<16xf32>,
    %get3A_221 = arith.constant 0 : i32
    %get3A_222 = arith.index_cast %get3A_221 : i32 to index
    %get3A_223 = arith.constant 96 : index
    %get3A_224 = tpu.vector_load %arg9[%get3A_222, %get3A_223] {strides = array<i32>} : memref<80x128xi32, #tpu.memory_space<vmem>>, vector<16xi32>,
    %get3A_225 = arith.constant 0 : i32
    %get3A_226 = arith.index_cast %get3A_225 : i32 to index
    %get3A_227 = arith.constant 96 : index
    %get3A_228 = tpu.vector_load %arg10[%get3A_226, %get3A_227] {strides = array<i32>} : memref<80x128xi32, #tpu.memory_space<vmem>>, vector<16xi32>,
    %gather3A_229 = tpu.vector_load_idx %arg11[%get3A_224] : memref<10000xf32, #tpu.memory_space<vmem>>[vector<16xi32>], vector<16xf32>,
    %gather3A_230 = tpu.vector_load_idx %arg12[%get3A_228] : memref<10000xf32, #tpu.memory_space<vmem>>[vector<16xi32>], vector<16xf32>,
    %add3A_231 = arith.addf %gather3A_229, %gather3A_230 : vector<16xf32>
    %ge3A_232 = arith.constant 0.000000e+00 : f32
    %ge3A_233 = vector.broadcast %ge3A_232 : f32 to vector<16xf32>
    %ge3A_234 = arith.cmpf oge, %add3A_231, %ge3A_233 : vector<16xf32>
    %mul3A_235 = arith.constant 2.000000e-01 : f32
    %mul3A_236 = vector.broadcast %mul3A_235 : f32 to vector<16xf32>
    %mul3A_237 = arith.mulf %mul3A_236, %add3A_231 : vector<16xf32>
    %select_n3A_238 = arith.select %ge3A_234, %add3A_231, %mul3A_237 : vector<16xi1>, vector<16xf32>
    %sub3A_239 = arith.constant 1.000000e+00 : f32
    %sub3A_240 = vector.broadcast %sub3A_239 : f32 to vector<16xf32>
    %sub3A_241 = arith.subf %select_n3A_238, %sub3A_240 : vector<16xf32>
    %exp3A_242 = math.exp %sub3A_241 : vector<16xf32>
    %add3A_243 = arith.constant 96 : i32
    %add3A_244 = vector.broadcast %add3A_243 : i32 to vector<16xi32>
    %add3A_245 = arith.addi %add3A_244, %iota3A : vector<16xi32>
    %lt3A_246 = arith.constant 10000 : i32
    %lt3A_247 = vector.broadcast %lt3A_246 : i32 to vector<16xi32>
    %lt3A_248 = arith.cmpi slt, %add3A_245, %lt3A_247 : vector<16xi32>
    %jit3A_249 = arith.constant 0.000000e+00 : f32
    %broadcast_in_dim3A_250 = vector.broadcast %jit3A_249 : f32 to vector<16xf32>
    %select_n3A_251 = arith.select %lt3A_248, %exp3A_242, %broadcast_in_dim3A_250 : vector<16xi1>, vector<16xf32>
    %swap3A_252 = arith.constant 0 : i32
    %swap3A_253 = arith.index_cast %swap3A_252 : i32 to index
    %swap3A_254 = arith.constant 96 : index
    %swap3A_255 = tpu.vector_load %arg13[%swap3A_253, %swap3A_254] {strides = array<i32>} : memref<80x128xf32, #tpu.memory_space<vmem>>, vector<16xf32>,
    tpu.vector_store %arg13[%swap3A_253, %swap3A_254], %select_n3A_251 {strides = array<i32>} : memref<80x128xf32, #tpu.memory_space<vmem>>, vector<16xf32>,
    %get3A_256 = arith.constant 0 : i32
    %get3A_257 = arith.index_cast %get3A_256 : i32 to index
    %get3A_258 = arith.constant 112 : index
    %get3A_259 = tpu.vector_load %arg9[%get3A_257, %get3A_258] {strides = array<i32>} : memref<80x128xi32, #tpu.memory_space<vmem>>, vector<16xi32>,
    %get3A_260 = arith.constant 0 : i32
    %get3A_261 = arith.index_cast %get3A_260 : i32 to index
    %get3A_262 = arith.constant 112 : index
    %get3A_263 = tpu.vector_load %arg10[%get3A_261, %get3A_262] {strides = array<i32>} : memref<80x128xi32, #tpu.memory_space<vmem>>, vector<16xi32>,
    %gather3A_264 = tpu.vector_load_idx %arg11[%get3A_259] : memref<10000xf32, #tpu.memory_space<vmem>>[vector<16xi32>], vector<16xf32>,
    %gather3A_265 = tpu.vector_load_idx %arg12[%get3A_263] : memref<10000xf32, #tpu.memory_space<vmem>>[vector<16xi32>], vector<16xf32>,
    %add3A_266 = arith.addf %gather3A_264, %gather3A_265 : vector<16xf32>
    %ge3A_267 = arith.constant 0.000000e+00 : f32
    %ge3A_268 = vector.broadcast %ge3A_267 : f32 to vector<16xf32>
    %ge3A_269 = arith.cmpf oge, %add3A_266, %ge3A_268 : vector<16xf32>
    %mul3A_270 = arith.constant 2.000000e-01 : f32
    %mul3A_271 = vector.broadcast %mul3A_270 : f32 to vector<16xf32>
    %mul3A_272 = arith.mulf %mul3A_271, %add3A_266 : vector<16xf32>
    %select_n3A_273 = arith.select %ge3A_269, %add3A_266, %mul3A_272 : vector<16xi1>, vector<16xf32>
    %sub3A_274 = arith.constant 1.000000e+00 : f32
    %sub3A_275 = vector.broadcast %sub3A_274 : f32 to vector<16xf32>
    %sub3A_276 = arith.subf %select_n3A_273, %sub3A_275 : vector<16xf32>
    %exp3A_277 = math.exp %sub3A_276 : vector<16xf32>
    %add3A_278 = arith.constant 112 : i32
    %add3A_279 = vector.broadcast %add3A_278 : i32 to vector<16xi32>
    %add3A_280 = arith.addi %add3A_279, %iota3A : vector<16xi32>
    %lt3A_281 = arith.constant 10000 : i32
    %lt3A_282 = vector.broadcast %lt3A_281 : i32 to vector<16xi32>
    %lt3A_283 = arith.cmpi slt, %add3A_280, %lt3A_282 : vector<16xi32>
    %jit3A_284 = arith.constant 0.000000e+00 : f32
    %broadcast_in_dim3A_285 = vector.broadcast %jit3A_284 : f32 to vector<16xf32>
    %select_n3A_286 = arith.select %lt3A_283, %exp3A_277, %broadcast_in_dim3A_285 : vector<16xi1>, vector<16xf32>
    %swap3A_287 = arith.constant 0 : i32
    %swap3A_288 = arith.index_cast %swap3A_287 : i32 to index
    %swap3A_289 = arith.constant 112 : index
    %swap3A_290 = tpu.vector_load %arg13[%swap3A_288, %swap3A_289] {strides = array<i32>} : memref<80x128xf32, #tpu.memory_space<vmem>>, vector<16xf32>,
    tpu.vector_store %arg13[%swap3A_288, %swap3A_289], %select_n3A_286 {strides = array<i32>} : memref<80x128xf32, #tpu.memory_space<vmem>>, vector<16xf32>,
    %dma_start3A_291 = arith.constant 1 : i32
    %dma_start3A_292 = arith.constant 0 : i32
    %dma_start3A_293 = tpu.memref_slice %arg10[%dma_start3A_291, %dma_start3A_292] : memref<80x128xi32, #tpu.memory_space<vmem>> -> memref<1x128xi32, #tpu.memory_space<vmem>>
    %dma_start3A_294 = tpu.memref_squeeze %dma_start3A_293 : memref<1x128xi32, #tpu.memory_space<vmem>> -> memref<128xi32, #tpu.memory_space<vmem>>
    %dma_start3A_295 = arith.constant 0 : i32
    %dma_start3A_296 = arith.constant 0 : i32
    %dma_start3A_297 = tpu.memref_slice %arg6[%dma_start3A_295, %dma_start3A_296] : memref<10000x64xbf16, #tpu.memory_space<hbm>> -> memref<10000x64xbf16, #tpu.memory_space<hbm>>
    tpu.enqueue_indirect_dma source(%dma_start3A_297 : memref<10000x64xbf16, #tpu.memory_space<hbm>>) target(%arg15 : memref<128x64xbf16, #tpu.memory_space<vmem>>) offsets(%dma_start3A_294 : memref<128xi32, #tpu.memory_space<vmem>>) semaphore(%arg23 : memref<!tpu.dma_semaphore, #tpu.memory_space<semaphore_mem>>)
    %get3A_298 = arith.constant 1 : i32
    %get3A_299 = arith.index_cast %get3A_298 : i32 to index
    %get3A_300 = arith.constant 0 : index
    %get3A_301 = tpu.vector_load %arg9[%get3A_299, %get3A_300] {strides = array<i32>} : memref<80x128xi32, #tpu.memory_space<vmem>>, vector<16xi32>,
    %get3A_302 = arith.constant 1 : i32
    %get3A_303 = arith.index_cast %get3A_302 : i32 to index
    %get3A_304 = arith.constant 0 : index
    %get3A_305 = tpu.vector_load %arg10[%get3A_303, %get3A_304] {strides = array<i32>} : memref<80x128xi32, #tpu.memory_space<vmem>>, vector<16xi32>,
    %gather3A_306 = tpu.vector_load_idx %arg11[%get3A_301] : memref<10000xf32, #tpu.memory_space<vmem>>[vector<16xi32>], vector<16xf32>,
    %gather3A_307 = tpu.vector_load_idx %arg12[%get3A_305] : memref<10000xf32, #tpu.memory_space<vmem>>[vector<16xi32>], vector<16xf32>,
    %add3A_308 = arith.addf %gather3A_306, %gather3A_307 : vector<16xf32>
    %ge3A_309 = arith.constant 0.000000e+00 : f32
    %ge3A_310 = vector.broadcast %ge3A_309 : f32 to vector<16xf32>
    %ge3A_311 = arith.cmpf oge, %add3A_308, %ge3A_310 : vector<16xf32>
    %mul3A_312 = arith.constant 2.000000e-01 : f32
    %mul3A_313 = vector.broadcast %mul3A_312 : f32 to vector<16xf32>
    %mul3A_314 = arith.mulf %mul3A_313, %add3A_308 : vector<16xf32>
    %select_n3A_315 = arith.select %ge3A_311, %add3A_308, %mul3A_314 : vector<16xi1>, vector<16xf32>
    %sub3A_316 = arith.constant 1.000000e+00 : f32
    %sub3A_317 = vector.broadcast %sub3A_316 : f32 to vector<16xf32>
    %sub3A_318 = arith.subf %select_n3A_315, %sub3A_317 : vector<16xf32>
    %exp3A_319 = math.exp %sub3A_318 : vector<16xf32>
    %add3A_320 = arith.constant 128 : i32
    %add3A_321 = vector.broadcast %add3A_320 : i32 to vector<16xi32>
    %add3A_322 = arith.addi %add3A_321, %iota3A : vector<16xi32>
    %lt3A_323 = arith.constant 10000 : i32
    %lt3A_324 = vector.broadcast %lt3A_323 : i32 to vector<16xi32>
    %lt3A_325 = arith.cmpi slt, %add3A_322, %lt3A_324 : vector<16xi32>
    %jit3A_326 = arith.constant 0.000000e+00 : f32
    %broadcast_in_dim3A_327 = vector.broadcast %jit3A_326 : f32 to vector<16xf32>
    %select_n3A_328 = arith.select %lt3A_325, %exp3A_319, %broadcast_in_dim3A_327 : vector<16xi1>, vector<16xf32>
    %swap3A_329 = arith.constant 1 : i32
    %swap3A_330 = arith.index_cast %swap3A_329 : i32 to index
    %swap3A_331 = arith.constant 0 : index
    %swap3A_332 = tpu.vector_load %arg13[%swap3A_330, %swap3A_331] {strides = array<i32>} : memref<80x128xf32, #tpu.memory_space<vmem>>, vector<16xf32>,
    tpu.vector_store %arg13[%swap3A_330, %swap3A_331], %select_n3A_328 {strides = array<i32>} : memref<80x128xf32, #tpu.memory_space<vmem>>, vector<16xf32>,
    %get3A_333 = arith.constant 1 : i32
    %get3A_334 = arith.index_cast %get3A_333 : i32 to index
    %get3A_335 = arith.constant 16 : index
    %get3A_336 = tpu.vector_load %arg9[%get3A_334, %get3A_335] {strides = array<i32>} : memref<80x128xi32, #tpu.memory_space<vmem>>, vector<16xi32>,
    %get3A_337 = arith.constant 1 : i32
    %get3A_338 = arith.index_cast %get3A_337 : i32 to index
    %get3A_339 = arith.constant 16 : index
    %get3A_340 = tpu.vector_load %arg10[%get3A_338, %get3A_339] {strides = array<i32>} : memref<80x128xi32, #tpu.memory_space<vmem>>, vector<16xi32>,
    %gather3A_341 = tpu.vector_load_idx %arg11[%get3A_336] : memref<10000xf32, #tpu.memory_space<vmem>>[vector<16xi32>], vector<16xf32>,
    %gather3A_342 = tpu.vector_load_idx %arg12[%get3A_340] : memref<10000xf32, #tpu.memory_space<vmem>>[vector<16xi32>], vector<16xf32>,
    %add3A_343 = arith.addf %gather3A_341, %gather3A_342 : vector<16xf32>
    %ge3A_344 = arith.constant 0.000000e+00 : f32
    %ge3A_345 = vector.broadcast %ge3A_344 : f32 to vector<16xf32>
    %ge3A_346 = arith.cmpf oge, %add3A_343, %ge3A_345 : vector<16xf32>
    %mul3A_347 = arith.constant 2.000000e-01 : f32
    %mul3A_348 = vector.broadcast %mul3A_347 : f32 to vector<16xf32>
    %mul3A_349 = arith.mulf %mul3A_348, %add3A_343 : vector<16xf32>
    %select_n3A_350 = arith.select %ge3A_346, %add3A_343, %mul3A_349 : vector<16xi1>, vector<16xf32>
    %sub3A_351 = arith.constant 1.000000e+00 : f32
    %sub3A_352 = vector.broadcast %sub3A_351 : f32 to vector<16xf32>
    %sub3A_353 = arith.subf %select_n3A_350, %sub3A_352 : vector<16xf32>
    %exp3A_354 = math.exp %sub3A_353 : vector<16xf32>
    %add3A_355 = arith.constant 144 : i32
    %add3A_356 = vector.broadcast %add3A_355 : i32 to vector<16xi32>
    %add3A_357 = arith.addi %add3A_356, %iota3A : vector<16xi32>
    %lt3A_358 = arith.constant 10000 : i32
    %lt3A_359 = vector.broadcast %lt3A_358 : i32 to vector<16xi32>
    %lt3A_360 = arith.cmpi slt, %add3A_357, %lt3A_359 : vector<16xi32>
    %jit3A_361 = arith.constant 0.000000e+00 : f32
    %broadcast_in_dim3A_362 = vector.broadcast %jit3A_361 : f32 to vector<16xf32>
    %select_n3A_363 = arith.select %lt3A_360, %exp3A_354, %broadcast_in_dim3A_362 : vector<16xi1>, vector<16xf32>
    %swap3A_364 = arith.constant 1 : i32
    %swap3A_365 = arith.index_cast %swap3A_364 : i32 to index
    %swap3A_366 = arith.constant 16 : index
    %swap3A_367 = tpu.vector_load %arg13[%swap3A_365, %swap3A_366] {strides = array<i32>} : memref<80x128xf32, #tpu.memory_space<vmem>>, vector<16xf32>,
    tpu.vector_store %arg13[%swap3A_365, %swap3A_366], %select_n3A_363 {strides = array<i32>} : memref<80x128xf32, #tpu.memory_space<vmem>>, vector<16xf32>,
    %get3A_368 = arith.constant 1 : i32
    %get3A_369 = arith.index_cast %get3A_368 : i32 to index
    %get3A_370 = arith.constant 32 : index
    %get3A_371 = tpu.vector_load %arg9[%get3A_369, %get3A_370] {strides = array<i32>} : memref<80x128xi32, #tpu.memory_space<vmem>>, vector<16xi32>,
    %get3A_372 = arith.constant 1 : i32
    %get3A_373 = arith.index_cast %get3A_372 : i32 to index
    %get3A_374 = arith.constant 32 : index
    %get3A_375 = tpu.vector_load %arg10[%get3A_373, %get3A_374] {strides = array<i32>} : memref<80x128xi32, #tpu.memory_space<vmem>>, vector<16xi32>,
    %gather3A_376 = tpu.vector_load_idx %arg11[%get3A_371] : memref<10000xf32, #tpu.memory_space<vmem>>[vector<16xi32>], vector<16xf32>,
    %gather3A_377 = tpu.vector_load_idx %arg12[%get3A_375] : memref<10000xf32, #tpu.memory_space<vmem>>[vector<16xi32>], vector<16xf32>,
    %add3A_378 = arith.addf %gather3A_376, %gather3A_377 : vector<16xf32>
    %ge3A_379 = arith.constant 0.000000e+00 : f32
    %ge3A_380 = vector.broadcast %ge3A_379 : f32 to vector<16xf32>
    %ge3A_381 = arith.cmpf oge, %add3A_378, %ge3A_380 : vector<16xf32>
    %mul3A_382 = arith.constant 2.000000e-01 : f32
    %mul3A_383 = vector.broadcast %mul3A_382 : f32 to vector<16xf32>
    %mul3A_384 = arith.mulf %mul3A_383, %add3A_378 : vector<16xf32>
    %select_n3A_385 = arith.select %ge3A_381, %add3A_378, %mul3A_384 : vector<16xi1>, vector<16xf32>
    %sub3A_386 = arith.constant 1.000000e+00 : f32
    %sub3A_387 = vector.broadcast %sub3A_386 : f32 to vector<16xf32>
    %sub3A_388 = arith.subf %select_n3A_385, %sub3A_387 : vector<16xf32>
    %exp3A_389 = math.exp %sub3A_388 : vector<16xf32>
    %add3A_390 = arith.constant 160 : i32
    %add3A_391 = vector.broadcast %add3A_390 : i32 to vector<16xi32>
    %add3A_392 = arith.addi %add3A_391, %iota3A : vector<16xi32>
    %lt3A_393 = arith.constant 10000 : i32
    %lt3A_394 = vector.broadcast %lt3A_393 : i32 to vector<16xi32>
    %lt3A_395 = arith.cmpi slt, %add3A_392, %lt3A_394 : vector<16xi32>
    %jit3A_396 = arith.constant 0.000000e+00 : f32
    %broadcast_in_dim3A_397 = vector.broadcast %jit3A_396 : f32 to vector<16xf32>
    %select_n3A_398 = arith.select %lt3A_395, %exp3A_389, %broadcast_in_dim3A_397 : vector<16xi1>, vector<16xf32>
    %swap3A_399 = arith.constant 1 : i32
    %swap3A_400 = arith.index_cast %swap3A_399 : i32 to index
    %swap3A_401 = arith.constant 32 : index
    %swap3A_402 = tpu.vector_load %arg13[%swap3A_400, %swap3A_401] {strides = array<i32>} : memref<80x128xf32, #tpu.memory_space<vmem>>, vector<16xf32>,
    tpu.vector_store %arg13[%swap3A_400, %swap3A_401], %select_n3A_398 {strides = array<i32>} : memref<80x128xf32, #tpu.memory_space<vmem>>, vector<16xf32>,
    %get3A_403 = arith.constant 1 : i32
    %get3A_404 = arith.index_cast %get3A_403 : i32 to index
    %get3A_405 = arith.constant 48 : index
    %get3A_406 = tpu.vector_load %arg9[%get3A_404, %get3A_405] {strides = array<i32>} : memref<80x128xi32, #tpu.memory_space<vmem>>, vector<16xi32>,
    %get3A_407 = arith.constant 1 : i32
    %get3A_408 = arith.index_cast %get3A_407 : i32 to index
    %get3A_409 = arith.constant 48 : index
    %get3A_410 = tpu.vector_load %arg10[%get3A_408, %get3A_409] {strides = array<i32>} : memref<80x128xi32, #tpu.memory_space<vmem>>, vector<16xi32>,
    %gather3A_411 = tpu.vector_load_idx %arg11[%get3A_406] : memref<10000xf32, #tpu.memory_space<vmem>>[vector<16xi32>], vector<16xf32>,
    %gather3A_412 = tpu.vector_load_idx %arg12[%get3A_410] : memref<10000xf32, #tpu.memory_space<vmem>>[vector<16xi32>], vector<16xf32>,
    %add3A_413 = arith.addf %gather3A_411, %gather3A_412 : vector<16xf32>
    %ge3A_414 = arith.constant 0.000000e+00 : f32
    %ge3A_415 = vector.broadcast %ge3A_414 : f32 to vector<16xf32>
    %ge3A_416 = arith.cmpf oge, %add3A_413, %ge3A_415 : vector<16xf32>
    %mul3A_417 = arith.constant 2.000000e-01 : f32
    %mul3A_418 = vector.broadcast %mul3A_417 : f32 to vector<16xf32>
    %mul3A_419 = arith.mulf %mul3A_418, %add3A_413 : vector<16xf32>
    %select_n3A_420 = arith.select %ge3A_416, %add3A_413, %mul3A_419 : vector<16xi1>, vector<16xf32>
    %sub3A_421 = arith.constant 1.000000e+00 : f32
    %sub3A_422 = vector.broadcast %sub3A_421 : f32 to vector<16xf32>
    %sub3A_423 = arith.subf %select_n3A_420, %sub3A_422 : vector<16xf32>
    %exp3A_424 = math.exp %sub3A_423 : vector<16xf32>
    %add3A_425 = arith.constant 176 : i32
    %add3A_426 = vector.broadcast %add3A_425 : i32 to vector<16xi32>
    %add3A_427 = arith.addi %add3A_426, %iota3A : vector<16xi32>
    %lt3A_428 = arith.constant 10000 : i32
    %lt3A_429 = vector.broadcast %lt3A_428 : i32 to vector<16xi32>
    %lt3A_430 = arith.cmpi slt, %add3A_427, %lt3A_429 : vector<16xi32>
    %jit3A_431 = arith.constant 0.000000e+00 : f32
    %broadcast_in_dim3A_432 = vector.broadcast %jit3A_431 : f32 to vector<16xf32>
    %select_n3A_433 = arith.select %lt3A_430, %exp3A_424, %broadcast_in_dim3A_432 : vector<16xi1>, vector<16xf32>
    %swap3A_434 = arith.constant 1 : i32
    %swap3A_435 = arith.index_cast %swap3A_434 : i32 to index
    %swap3A_436 = arith.constant 48 : index
    %swap3A_437 = tpu.vector_load %arg13[%swap3A_435, %swap3A_436] {strides = array<i32>} : memref<80x128xf32, #tpu.memory_space<vmem>>, vector<16xf32>,
    tpu.vector_store %arg13[%swap3A_435, %swap3A_436], %select_n3A_433 {strides = array<i32>} : memref<80x128xf32, #tpu.memory_space<vmem>>, vector<16xf32>,
    %get3A_438 = arith.constant 1 : i32
    %get3A_439 = arith.index_cast %get3A_438 : i32 to index
    %get3A_440 = arith.constant 64 : index
    %get3A_441 = tpu.vector_load %arg9[%get3A_439, %get3A_440] {strides = array<i32>} : memref<80x128xi32, #tpu.memory_space<vmem>>, vector<16xi32>,
    %get3A_442 = arith.constant 1 : i32
    %get3A_443 = arith.index_cast %get3A_442 : i32 to index
    %get3A_444 = arith.constant 64 : index
    %get3A_445 = tpu.vector_load %arg10[%get3A_443, %get3A_444] {strides = array<i32>} : memref<80x128xi32, #tpu.memory_space<vmem>>, vector<16xi32>,
    %gather3A_446 = tpu.vector_load_idx %arg11[%get3A_441] : memref<10000xf32, #tpu.memory_space<vmem>>[vector<16xi32>], vector<16xf32>,
    %gather3A_447 = tpu.vector_load_idx %arg12[%get3A_445] : memref<10000xf32, #tpu.memory_space<vmem>>[vector<16xi32>], vector<16xf32>,
    %add3A_448 = arith.addf %gather3A_446, %gather3A_447 : vector<16xf32>
    %ge3A_449 = arith.constant 0.000000e+00 : f32
    %ge3A_450 = vector.broadcast %ge3A_449 : f32 to vector<16xf32>
    %ge3A_451 = arith.cmpf oge, %add3A_448, %ge3A_450 : vector<16xf32>
    %mul3A_452 = arith.constant 2.000000e-01 : f32
    %mul3A_453 = vector.broadcast %mul3A_452 : f32 to vector<16xf32>
    %mul3A_454 = arith.mulf %mul3A_453, %add3A_448 : vector<16xf32>
    %select_n3A_455 = arith.select %ge3A_451, %add3A_448, %mul3A_454 : vector<16xi1>, vector<16xf32>
    %sub3A_456 = arith.constant 1.000000e+00 : f32
    %sub3A_457 = vector.broadcast %sub3A_456 : f32 to vector<16xf32>
    %sub3A_458 = arith.subf %select_n3A_455, %sub3A_457 : vector<16xf32>
    %exp3A_459 = math.exp %sub3A_458 : vector<16xf32>
    %add3A_460 = arith.constant 192 : i32
    %add3A_461 = vector.broadcast %add3A_460 : i32 to vector<16xi32>
    %add3A_462 = arith.addi %add3A_461, %iota3A : vector<16xi32>
    %lt3A_463 = arith.constant 10000 : i32
    %lt3A_464 = vector.broadcast %lt3A_463 : i32 to vector<16xi32>
    %lt3A_465 = arith.cmpi slt, %add3A_462, %lt3A_464 : vector<16xi32>
    %jit3A_466 = arith.constant 0.000000e+00 : f32
    %broadcast_in_dim3A_467 = vector.broadcast %jit3A_466 : f32 to vector<16xf32>
    %select_n3A_468 = arith.select %lt3A_465, %exp3A_459, %broadcast_in_dim3A_467 : vector<16xi1>, vector<16xf32>
    %swap3A_469 = arith.constant 1 : i32
    %swap3A_470 = arith.index_cast %swap3A_469 : i32 to index
    %swap3A_471 = arith.constant 64 : index
    %swap3A_472 = tpu.vector_load %arg13[%swap3A_470, %swap3A_471] {strides = array<i32>} : memref<80x128xf32, #tpu.memory_space<vmem>>, vector<16xf32>,
    tpu.vector_store %arg13[%swap3A_470, %swap3A_471], %select_n3A_468 {strides = array<i32>} : memref<80x128xf32, #tpu.memory_space<vmem>>, vector<16xf32>,
    %get3A_473 = arith.constant 1 : i32
    %get3A_474 = arith.index_cast %get3A_473 : i32 to index
    %get3A_475 = arith.constant 80 : index
    %get3A_476 = tpu.vector_load %arg9[%get3A_474, %get3A_475] {strides = array<i32>} : memref<80x128xi32, #tpu.memory_space<vmem>>, vector<16xi32>,
    %get3A_477 = arith.constant 1 : i32
    %get3A_478 = arith.index_cast %get3A_477 : i32 to index
    %get3A_479 = arith.constant 80 : index
    %get3A_480 = tpu.vector_load %arg10[%get3A_478, %get3A_479] {strides = array<i32>} : memref<80x128xi32, #tpu.memory_space<vmem>>, vector<16xi32>,
    %gather3A_481 = tpu.vector_load_idx %arg11[%get3A_476] : memref<10000xf32, #tpu.memory_space<vmem>>[vector<16xi32>], vector<16xf32>,
    %gather3A_482 = tpu.vector_load_idx %arg12[%get3A_480] : memref<10000xf32, #tpu.memory_space<vmem>>[vector<16xi32>], vector<16xf32>,
    %add3A_483 = arith.addf %gather3A_481, %gather3A_482 : vector<16xf32>
    %ge3A_484 = arith.constant 0.000000e+00 : f32
    %ge3A_485 = vector.broadcast %ge3A_484 : f32 to vector<16xf32>
    %ge3A_486 = arith.cmpf oge, %add3A_483, %ge3A_485 : vector<16xf32>
    %mul3A_487 = arith.constant 2.000000e-01 : f32
    %mul3A_488 = vector.broadcast %mul3A_487 : f32 to vector<16xf32>
    %mul3A_489 = arith.mulf %mul3A_488, %add3A_483 : vector<16xf32>
    %select_n3A_490 = arith.select %ge3A_486, %add3A_483, %mul3A_489 : vector<16xi1>, vector<16xf32>
    %sub3A_491 = arith.constant 1.000000e+00 : f32
    %sub3A_492 = vector.broadcast %sub3A_491 : f32 to vector<16xf32>
    %sub3A_493 = arith.subf %select_n3A_490, %sub3A_492 : vector<16xf32>
    %exp3A_494 = math.exp %sub3A_493 : vector<16xf32>
    %add3A_495 = arith.constant 208 : i32
    %add3A_496 = vector.broadcast %add3A_495 : i32 to vector<16xi32>
    %add3A_497 = arith.addi %add3A_496, %iota3A : vector<16xi32>
    %lt3A_498 = arith.constant 10000 : i32
    %lt3A_499 = vector.broadcast %lt3A_498 : i32 to vector<16xi32>
    %lt3A_500 = arith.cmpi slt, %add3A_497, %lt3A_499 : vector<16xi32>
    %jit3A_501 = arith.constant 0.000000e+00 : f32
    %broadcast_in_dim3A_502 = vector.broadcast %jit3A_501 : f32 to vector<16xf32>
    %select_n3A_503 = arith.select %lt3A_500, %exp3A_494, %broadcast_in_dim3A_502 : vector<16xi1>, vector<16xf32>
    %swap3A_504 = arith.constant 1 : i32
    %swap3A_505 = arith.index_cast %swap3A_504 : i32 to index
    %swap3A_506 = arith.constant 80 : index
    %swap3A_507 = tpu.vector_load %arg13[%swap3A_505, %swap3A_506] {strides = array<i32>} : memref<80x128xf32, #tpu.memory_space<vmem>>, vector<16xf32>,
    tpu.vector_store %arg13[%swap3A_505, %swap3A_506], %select_n3A_503 {strides = array<i32>} : memref<80x128xf32, #tpu.memory_space<vmem>>, vector<16xf32>,
    %get3A_508 = arith.constant 1 : i32
    %get3A_509 = arith.index_cast %get3A_508 : i32 to index
    %get3A_510 = arith.constant 96 : index
    %get3A_511 = tpu.vector_load %arg9[%get3A_509, %get3A_510] {strides = array<i32>} : memref<80x128xi32, #tpu.memory_space<vmem>>, vector<16xi32>,
    %get3A_512 = arith.constant 1 : i32
    %get3A_513 = arith.index_cast %get3A_512 : i32 to index
    %get3A_514 = arith.constant 96 : index
    %get3A_515 = tpu.vector_load %arg10[%get3A_513, %get3A_514] {strides = array<i32>} : memref<80x128xi32, #tpu.memory_space<vmem>>, vector<16xi32>,
    %gather3A_516 = tpu.vector_load_idx %arg11[%get3A_511] : memref<10000xf32, #tpu.memory_space<vmem>>[vector<16xi32>], vector<16xf32>,
    %gather3A_517 = tpu.vector_load_idx %arg12[%get3A_515] : memref<10000xf32, #tpu.memory_space<vmem>>[vector<16xi32>], vector<16xf32>,
    %add3A_518 = arith.addf %gather3A_516, %gather3A_517 : vector<16xf32>
    %ge3A_519 = arith.constant 0.000000e+00 : f32
    %ge3A_520 = vector.broadcast %ge3A_519 : f32 to vector<16xf32>
    %ge3A_521 = arith.cmpf oge, %add3A_518, %ge3A_520 : vector<16xf32>
    %mul3A_522 = arith.constant 2.000000e-01 : f32
    %mul3A_523 = vector.broadcast %mul3A_522 : f32 to vector<16xf32>
    %mul3A_524 = arith.mulf %mul3A_523, %add3A_518 : vector<16xf32>
    %select_n3A_525 = arith.select %ge3A_521, %add3A_518, %mul3A_524 : vector<16xi1>, vector<16xf32>
    %sub3A_526 = arith.constant 1.000000e+00 : f32
    %sub3A_527 = vector.broadcast %sub3A_526 : f32 to vector<16xf32>
    %sub3A_528 = arith.subf %select_n3A_525, %sub3A_527 : vector<16xf32>
    %exp3A_529 = math.exp %sub3A_528 : vector<16xf32>
    %add3A_530 = arith.constant 224 : i32
    %add3A_531 = vector.broadcast %add3A_530 : i32 to vector<16xi32>
    %add3A_532 = arith.addi %add3A_531, %iota3A : vector<16xi32>
    %lt3A_533 = arith.constant 10000 : i32
    %lt3A_534 = vector.broadcast %lt3A_533 : i32 to vector<16xi32>
    %lt3A_535 = arith.cmpi slt, %add3A_532, %lt3A_534 : vector<16xi32>
    %jit3A_536 = arith.constant 0.000000e+00 : f32
    %broadcast_in_dim3A_537 = vector.broadcast %jit3A_536 : f32 to vector<16xf32>
    %select_n3A_538 = arith.select %lt3A_535, %exp3A_529, %broadcast_in_dim3A_537 : vector<16xi1>, vector<16xf32>
    %swap3A_539 = arith.constant 1 : i32
    %swap3A_540 = arith.index_cast %swap3A_539 : i32 to index
    %swap3A_541 = arith.constant 96 : index
    %swap3A_542 = tpu.vector_load %arg13[%swap3A_540, %swap3A_541] {strides = array<i32>} : memref<80x128xf32, #tpu.memory_space<vmem>>, vector<16xf32>,
    tpu.vector_store %arg13[%swap3A_540, %swap3A_541], %select_n3A_538 {strides = array<i32>} : memref<80x128xf32, #tpu.memory_space<vmem>>, vector<16xf32>,
    %get3A_543 = arith.constant 1 : i32
    %get3A_544 = arith.index_cast %get3A_543 : i32 to index
    %get3A_545 = arith.constant 112 : index
    %get3A_546 = tpu.vector_load %arg9[%get3A_544, %get3A_545] {strides = array<i32>} : memref<80x128xi32, #tpu.memory_space<vmem>>, vector<16xi32>,
    %get3A_547 = arith.constant 1 : i32
    %get3A_548 = arith.index_cast %get3A_547 : i32 to index
    %get3A_549 = arith.constant 112 : index
    %get3A_550 = tpu.vector_load %arg10[%get3A_548, %get3A_549] {strides = array<i32>} : memref<80x128xi32, #tpu.memory_space<vmem>>, vector<16xi32>,
    %gather3A_551 = tpu.vector_load_idx %arg11[%get3A_546] : memref<10000xf32, #tpu.memory_space<vmem>>[vector<16xi32>], vector<16xf32>,
    %gather3A_552 = tpu.vector_load_idx %arg12[%get3A_550] : memref<10000xf32, #tpu.memory_space<vmem>>[vector<16xi32>], vector<16xf32>,
    %add3A_553 = arith.addf %gather3A_551, %gather3A_552 : vector<16xf32>
    %ge3A_554 = arith.constant 0.000000e+00 : f32
    %ge3A_555 = vector.broadcast %ge3A_554 : f32 to vector<16xf32>
    %ge3A_556 = arith.cmpf oge, %add3A_553, %ge3A_555 : vector<16xf32>
    %mul3A_557 = arith.constant 2.000000e-01 : f32
    %mul3A_558 = vector.broadcast %mul3A_557 : f32 to vector<16xf32>
    %mul3A_559 = arith.mulf %mul3A_558, %add3A_553 : vector<16xf32>
    %select_n3A_560 = arith.select %ge3A_556, %add3A_553, %mul3A_559 : vector<16xi1>, vector<16xf32>
    %sub3A_561 = arith.constant 1.000000e+00 : f32
    %sub3A_562 = vector.broadcast %sub3A_561 : f32 to vector<16xf32>
    %sub3A_563 = arith.subf %select_n3A_560, %sub3A_562 : vector<16xf32>
    %exp3A_564 = math.exp %sub3A_563 : vector<16xf32>
    %add3A_565 = arith.constant 240 : i32
    %add3A_566 = vector.broadcast %add3A_565 : i32 to vector<16xi32>
    %add3A_567 = arith.addi %add3A_566, %iota3A : vector<16xi32>
    %lt3A_568 = arith.constant 10000 : i32
    %lt3A_569 = vector.broadcast %lt3A_568 : i32 to vector<16xi32>
    %lt3A_570 = arith.cmpi slt, %add3A_567, %lt3A_569 : vector<16xi32>
    %jit3A_571 = arith.constant 0.000000e+00 : f32
    %broadcast_in_dim3A_572 = vector.broadcast %jit3A_571 : f32 to vector<16xf32>
    %select_n3A_573 = arith.select %lt3A_570, %exp3A_564, %broadcast_in_dim3A_572 : vector<16xi1>, vector<16xf32>
    %swap3A_574 = arith.constant 1 : i32
    %swap3A_575 = arith.index_cast %swap3A_574 : i32 to index
    %swap3A_576 = arith.constant 112 : index
    %swap3A_577 = tpu.vector_load %arg13[%swap3A_575, %swap3A_576] {strides = array<i32>} : memref<80x128xf32, #tpu.memory_space<vmem>>, vector<16xf32>,
    tpu.vector_store %arg13[%swap3A_575, %swap3A_576], %select_n3A_573 {strides = array<i32>} : memref<80x128xf32, #tpu.memory_space<vmem>>, vector<16xf32>,
    %scan3A_578 = arith.constant 0 : i32
    %scan3A_579 = arith.constant 40 : i32
    %scan3A_580 = arith.addi %scan3A_578, %scan3A_579 : i32
    %scan3A_581 = arith.constant 1 : i32
    scf.for %scan3A_622 = %scan3A_578 to %scan3A_580 step %scan3A_581  : i32 {
      %mul3A_623 = arith.constant 2 : i32
      %mul3A_624 = arith.muli %scan3A_622, %mul3A_623 : i32
      %add3A_625 = arith.constant 0 : i32
      %add3A_626 = arith.addi %add3A_625, %mul3A_624 : i32
      %gt3A = arith.constant 0 : i32
      %gt3A_627 = arith.cmpi sgt, %add3A_626, %gt3A : i32
      %convert_element_type3A_628 = arith.extui %gt3A_627 : i1 to i32
      %cond3A_629 = arith.constant 0 : i32
      %cond3A_630 = arith.cmpi ne, %convert_element_type3A_628, %cond3A_629 : i32
      scf.if %cond3A_630 {
        %dma_wait3A_755 = arith.constant 0 : i32
        %dma_wait3A_756 = tpu.memref_slice %arg13[%add3A_626, %dma_wait3A_755] : memref<80x128xf32, #tpu.memory_space<vmem>> -> memref<1x128xf32, #tpu.memory_space<vmem>>
        %dma_wait3A_757 = tpu.memref_squeeze %dma_wait3A_756 : memref<1x128xf32, #tpu.memory_space<vmem>> -> memref<128xf32, #tpu.memory_space<vmem>>
        %dma_wait3A_758 = arith.constant 0 : i32
        %dma_wait3A_759 = tpu.memref_slice %arg9[%add3A_626, %dma_wait3A_758] : memref<80x128xi32, #tpu.memory_space<vmem>> -> memref<1x128xi32, #tpu.memory_space<vmem>>
        %dma_wait3A_760 = tpu.memref_squeeze %dma_wait3A_759 : memref<1x128xi32, #tpu.memory_space<vmem>> -> memref<128xi32, #tpu.memory_space<vmem>>
        %dma_wait3A_761 = arith.constant 0 : i32
        %dma_wait3A_762 = tpu.memref_slice %arg21[%dma_wait3A_761] : memref<10000xf32, #tpu.memory_space<vmem_shared>> -> memref<10000xf32, #tpu.memory_space<vmem_shared>>
        tpu.wait_indirect_dma semaphore(%arg26 : memref<!tpu.dma_semaphore, #tpu.memory_space<semaphore_mem>>) src(%dma_wait3A_757 : memref<128xf32, #tpu.memory_space<vmem>>) dst(%dma_wait3A_762 : memref<10000xf32, #tpu.memory_space<vmem_shared>>)
        %dma_wait3A_763 = arith.constant 0 : i32
        %dma_wait3A_764 = tpu.memref_slice %arg13[%add3A_626, %dma_wait3A_763] : memref<80x128xf32, #tpu.memory_space<vmem>> -> memref<1x128xf32, #tpu.memory_space<vmem>>
        %dma_wait3A_765 = tpu.memref_squeeze %dma_wait3A_764 : memref<1x128xf32, #tpu.memory_space<vmem>> -> memref<128xf32, #tpu.memory_space<vmem>>
        %dma_wait3A_766 = arith.constant 0 : i32
        %dma_wait3A_767 = tpu.memref_slice %arg9[%add3A_626, %dma_wait3A_766] : memref<80x128xi32, #tpu.memory_space<vmem>> -> memref<1x128xi32, #tpu.memory_space<vmem>>
        %dma_wait3A_768 = tpu.memref_squeeze %dma_wait3A_767 : memref<1x128xi32, #tpu.memory_space<vmem>> -> memref<128xi32, #tpu.memory_space<vmem>>
        %dma_wait3A_769 = arith.constant 0 : i32
        %dma_wait3A_770 = tpu.memref_slice %arg21[%dma_wait3A_769] : memref<10000xf32, #tpu.memory_space<vmem_shared>> -> memref<10000xf32, #tpu.memory_space<vmem_shared>>
        tpu.wait_indirect_dma semaphore(%arg26 : memref<!tpu.dma_semaphore, #tpu.memory_space<semaphore_mem>>) src(%dma_wait3A_765 : memref<128xf32, #tpu.memory_space<vmem>>) dst(%dma_wait3A_770 : memref<10000xf32, #tpu.memory_space<vmem_shared>>)
      } else {
      }
      %add3A_631 = arith.constant 0 : i32
      %add3A_632 = arith.addi %add3A_626, %add3A_631 : i32
      %add3A_633 = arith.constant 0 : i32
      %add3A_634 = arith.addi %add3A_626, %add3A_633 : i32
      %dma_start3A_635 = arith.constant 0 : i32
      %dma_start3A_636 = tpu.memref_slice %arg13[%add3A_632, %dma_start3A_635] : memref<80x128xf32, #tpu.memory_space<vmem>> -> memref<1x128xf32, #tpu.memory_space<vmem>>
      %dma_start3A_637 = tpu.memref_squeeze %dma_start3A_636 : memref<1x128xf32, #tpu.memory_space<vmem>> -> memref<128xf32, #tpu.memory_space<vmem>>
      %dma_start3A_638 = arith.constant 0 : i32
      %dma_start3A_639 = tpu.memref_slice %arg9[%add3A_634, %dma_start3A_638] : memref<80x128xi32, #tpu.memory_space<vmem>> -> memref<1x128xi32, #tpu.memory_space<vmem>>
      %dma_start3A_640 = tpu.memref_squeeze %dma_start3A_639 : memref<1x128xi32, #tpu.memory_space<vmem>> -> memref<128xi32, #tpu.memory_space<vmem>>
      %dma_start3A_641 = arith.constant 0 : i32
      %dma_start3A_642 = tpu.memref_slice %arg21[%dma_start3A_641] : memref<10000xf32, #tpu.memory_space<vmem_shared>> -> memref<10000xf32, #tpu.memory_space<vmem_shared>>
      tpu.enqueue_indirect_dma source(%dma_start3A_637 : memref<128xf32, #tpu.memory_space<vmem>>) target(%dma_start3A_642 : memref<10000xf32, #tpu.memory_space<vmem_shared>>) offsets(%dma_start3A_640 : memref<128xi32, #tpu.memory_space<vmem>>) semaphore(%arg26 : memref<!tpu.dma_semaphore, #tpu.memory_space<semaphore_mem>>) {add = true}
      %add3A_643 = arith.constant 1 : i32
      %add3A_644 = arith.addi %add3A_626, %add3A_643 : i32
      %add3A_645 = arith.constant 1 : i32
      %add3A_646 = arith.addi %add3A_626, %add3A_645 : i32
      %dma_start3A_647 = arith.constant 0 : i32
      %dma_start3A_648 = tpu.memref_slice %arg13[%add3A_644, %dma_start3A_647] : memref<80x128xf32, #tpu.memory_space<vmem>> -> memref<1x128xf32, #tpu.memory_space<vmem>>
      %dma_start3A_649 = tpu.memref_squeeze %dma_start3A_648 : memref<1x128xf32, #tpu.memory_space<vmem>> -> memref<128xf32, #tpu.memory_space<vmem>>
      %dma_start3A_650 = arith.constant 0 : i32
      %dma_start3A_651 = tpu.memref_slice %arg9[%add3A_646, %dma_start3A_650] : memref<80x128xi32, #tpu.memory_space<vmem>> -> memref<1x128xi32, #tpu.memory_space<vmem>>
      %dma_start3A_652 = tpu.memref_squeeze %dma_start3A_651 : memref<1x128xi32, #tpu.memory_space<vmem>> -> memref<128xi32, #tpu.memory_space<vmem>>
      %dma_start3A_653 = arith.constant 0 : i32
      %dma_start3A_654 = tpu.memref_slice %arg21[%dma_start3A_653] : memref<10000xf32, #tpu.memory_space<vmem_shared>> -> memref<10000xf32, #tpu.memory_space<vmem_shared>>
      tpu.enqueue_indirect_dma source(%dma_start3A_649 : memref<128xf32, #tpu.memory_space<vmem>>) target(%dma_start3A_654 : memref<10000xf32, #tpu.memory_space<vmem_shared>>) offsets(%dma_start3A_652 : memref<128xi32, #tpu.memory_space<vmem>>) semaphore(%arg26 : memref<!tpu.dma_semaphore, #tpu.memory_space<semaphore_mem>>) {add = true}
      %add3A_655 = arith.constant 0 : i32
      %add3A_656 = arith.addi %add3A_626, %add3A_655 : i32
      %dma_wait3A_657 = arith.constant 0 : i32
      %dma_wait3A_658 = tpu.memref_slice %arg10[%add3A_656, %dma_wait3A_657] : memref<80x128xi32, #tpu.memory_space<vmem>> -> memref<1x128xi32, #tpu.memory_space<vmem>>
      %dma_wait3A_659 = tpu.memref_squeeze %dma_wait3A_658 : memref<1x128xi32, #tpu.memory_space<vmem>> -> memref<128xi32, #tpu.memory_space<vmem>>
      %dma_wait3A_660 = arith.constant 0 : i32
      %dma_wait3A_661 = arith.constant 0 : i32
      %dma_wait3A_662 = tpu.memref_slice %arg6[%dma_wait3A_660, %dma_wait3A_661] : memref<10000x64xbf16, #tpu.memory_space<hbm>> -> memref<10000x64xbf16, #tpu.memory_space<hbm>>
      tpu.wait_indirect_dma semaphore(%arg22 : memref<!tpu.dma_semaphore, #tpu.memory_space<semaphore_mem>>) src(%dma_wait3A_662 : memref<10000x64xbf16, #tpu.memory_space<hbm>>) dst(%arg14 : memref<128x64xbf16, #tpu.memory_space<vmem>>)
      %gt3A_663 = arith.constant 0 : i32
      %gt3A_664 = arith.cmpi sgt, %add3A_626, %gt3A_663 : i32
      %convert_element_type3A_665 = arith.extui %gt3A_664 : i1 to i32
      %cond3A_666 = arith.constant 0 : i32
      %cond3A_667 = arith.cmpi ne, %convert_element_type3A_665, %cond3A_666 : i32
      scf.if %cond3A_667 {
        %dma_wait3A_755 = arith.constant 0 : i32
        %dma_wait3A_756 = tpu.memref_slice %arg9[%add3A_626, %dma_wait3A_755] : memref<80x128xi32, #tpu.memory_space<vmem>> -> memref<1x128xi32, #tpu.memory_space<vmem>>
        %dma_wait3A_757 = tpu.memref_squeeze %dma_wait3A_756 : memref<1x128xi32, #tpu.memory_space<vmem>> -> memref<128xi32, #tpu.memory_space<vmem>>
        %dma_wait3A_758 = arith.constant 0 : i32
        %dma_wait3A_759 = arith.constant 0 : i32
        %dma_wait3A_760 = tpu.memref_slice %arg20[%dma_wait3A_758, %dma_wait3A_759] : memref<10000x64xf32, #tpu.memory_space<vmem_shared>> -> memref<10000x64xf32, #tpu.memory_space<vmem_shared>>
        tpu.wait_indirect_dma semaphore(%arg24 : memref<!tpu.dma_semaphore, #tpu.memory_space<semaphore_mem>>) src(%arg16 : memref<128x64xf32, #tpu.memory_space<vmem>>) dst(%dma_wait3A_760 : memref<10000x64xf32, #tpu.memory_space<vmem_shared>>)
      } else {
      }
      %add3A_668 = arith.constant 0 : i32
      %add3A_669 = arith.addi %add3A_626, %add3A_668 : i32
      %add3A_670 = arith.constant 2 : i32
      %add3A_671 = arith.addi %add3A_669, %add3A_670 : i32
      %lt3A_672 = arith.constant 80 : i32
      %lt3A_673 = arith.cmpi slt, %add3A_671, %lt3A_672 : i32
      %convert_element_type3A_674 = arith.extui %lt3A_673 : i1 to i32
      %cond3A_675 = arith.constant 0 : i32
      %cond3A_676 = arith.cmpi ne, %convert_element_type3A_674, %cond3A_675 : i32
      scf.if %cond3A_676 {
        %add3A_755 = arith.constant 0 : i32
        %add3A_756 = arith.addi %add3A_626, %add3A_755 : i32
        %add3A_757 = arith.constant 2 : i32
        %add3A_758 = arith.addi %add3A_756, %add3A_757 : i32
        %get3A_759 = arith.index_cast %add3A_758 : i32 to index
        %get3A_760 = arith.constant 0 : index
        %get3A_761 = tpu.vector_load %arg9[%get3A_759, %get3A_760] {strides = array<i32>} : memref<80x128xi32, #tpu.memory_space<vmem>>, vector<16xi32>,
        %get3A_762 = arith.index_cast %add3A_758 : i32 to index
        %get3A_763 = arith.constant 0 : index
        %get3A_764 = tpu.vector_load %arg10[%get3A_762, %get3A_763] {strides = array<i32>} : memref<80x128xi32, #tpu.memory_space<vmem>>, vector<16xi32>,
        %gather3A_765 = tpu.vector_load_idx %arg11[%get3A_761] : memref<10000xf32, #tpu.memory_space<vmem>>[vector<16xi32>], vector<16xf32>,
        %gather3A_766 = tpu.vector_load_idx %arg12[%get3A_764] : memref<10000xf32, #tpu.memory_space<vmem>>[vector<16xi32>], vector<16xf32>,
        %add3A_767 = arith.addf %gather3A_765, %gather3A_766 : vector<16xf32>
        %ge3A_768 = arith.constant 0.000000e+00 : f32
        %ge3A_769 = vector.broadcast %ge3A_768 : f32 to vector<16xf32>
        %ge3A_770 = arith.cmpf oge, %add3A_767, %ge3A_769 : vector<16xf32>
        %mul3A_771 = arith.constant 2.000000e-01 : f32
        %mul3A_772 = vector.broadcast %mul3A_771 : f32 to vector<16xf32>
        %mul3A_773 = arith.mulf %mul3A_772, %add3A_767 : vector<16xf32>
        %select_n3A_774 = arith.select %ge3A_770, %add3A_767, %mul3A_773 : vector<16xi1>, vector<16xf32>
        %sub3A_775 = arith.constant 1.000000e+00 : f32
        %sub3A_776 = vector.broadcast %sub3A_775 : f32 to vector<16xf32>
        %sub3A_777 = arith.subf %select_n3A_774, %sub3A_776 : vector<16xf32>
        %exp3A_778 = math.exp %sub3A_777 : vector<16xf32>
        %mul3A_779 = arith.constant 128 : i32
        %mul3A_780 = arith.muli %add3A_758, %mul3A_779 : i32
        %add3A_781 = arith.constant 0 : i32
        %add3A_782 = arith.addi %mul3A_780, %add3A_781 : i32
        %add3A_783 = vector.broadcast %add3A_782 : i32 to vector<16xi32>
        %add3A_784 = arith.addi %add3A_783, %iota3A : vector<16xi32>
        %lt3A_785 = arith.constant 10000 : i32
        %lt3A_786 = vector.broadcast %lt3A_785 : i32 to vector<16xi32>
        %lt3A_787 = arith.cmpi slt, %add3A_784, %lt3A_786 : vector<16xi32>
        %jit3A_788 = arith.constant 0.000000e+00 : f32
        %broadcast_in_dim3A_789 = vector.broadcast %jit3A_788 : f32 to vector<16xf32>
        %select_n3A_790 = arith.select %lt3A_787, %exp3A_778, %broadcast_in_dim3A_789 : vector<16xi1>, vector<16xf32>
        %swap3A_791 = arith.index_cast %add3A_758 : i32 to index
        %swap3A_792 = arith.constant 0 : index
        %swap3A_793 = tpu.vector_load %arg13[%swap3A_791, %swap3A_792] {strides = array<i32>} : memref<80x128xf32, #tpu.memory_space<vmem>>, vector<16xf32>,
        tpu.vector_store %arg13[%swap3A_791, %swap3A_792], %select_n3A_790 {strides = array<i32>} : memref<80x128xf32, #tpu.memory_space<vmem>>, vector<16xf32>,
        %get3A_794 = arith.index_cast %add3A_758 : i32 to index
        %get3A_795 = arith.constant 16 : index
        %get3A_796 = tpu.vector_load %arg9[%get3A_794, %get3A_795] {strides = array<i32>} : memref<80x128xi32, #tpu.memory_space<vmem>>, vector<16xi32>,
        %get3A_797 = arith.index_cast %add3A_758 : i32 to index
        %get3A_798 = arith.constant 16 : index
        %get3A_799 = tpu.vector_load %arg10[%get3A_797, %get3A_798] {strides = array<i32>} : memref<80x128xi32, #tpu.memory_space<vmem>>, vector<16xi32>,
        %gather3A_800 = tpu.vector_load_idx %arg11[%get3A_796] : memref<10000xf32, #tpu.memory_space<vmem>>[vector<16xi32>], vector<16xf32>,
        %gather3A_801 = tpu.vector_load_idx %arg12[%get3A_799] : memref<10000xf32, #tpu.memory_space<vmem>>[vector<16xi32>], vector<16xf32>,
        %add3A_802 = arith.addf %gather3A_800, %gather3A_801 : vector<16xf32>
        %ge3A_803 = arith.constant 0.000000e+00 : f32
        %ge3A_804 = vector.broadcast %ge3A_803 : f32 to vector<16xf32>
        %ge3A_805 = arith.cmpf oge, %add3A_802, %ge3A_804 : vector<16xf32>
        %mul3A_806 = arith.constant 2.000000e-01 : f32
        %mul3A_807 = vector.broadcast %mul3A_806 : f32 to vector<16xf32>
        %mul3A_808 = arith.mulf %mul3A_807, %add3A_802 : vector<16xf32>
        %select_n3A_809 = arith.select %ge3A_805, %add3A_802, %mul3A_808 : vector<16xi1>, vector<16xf32>
        %sub3A_810 = arith.constant 1.000000e+00 : f32
        %sub3A_811 = vector.broadcast %sub3A_810 : f32 to vector<16xf32>
        %sub3A_812 = arith.subf %select_n3A_809, %sub3A_811 : vector<16xf32>
        %exp3A_813 = math.exp %sub3A_812 : vector<16xf32>
        %mul3A_814 = arith.constant 128 : i32
        %mul3A_815 = arith.muli %add3A_758, %mul3A_814 : i32
        %add3A_816 = arith.constant 16 : i32
        %add3A_817 = arith.addi %mul3A_815, %add3A_816 : i32
        %add3A_818 = vector.broadcast %add3A_817 : i32 to vector<16xi32>
        %add3A_819 = arith.addi %add3A_818, %iota3A : vector<16xi32>
        %lt3A_820 = arith.constant 10000 : i32
        %lt3A_821 = vector.broadcast %lt3A_820 : i32 to vector<16xi32>
        %lt3A_822 = arith.cmpi slt, %add3A_819, %lt3A_821 : vector<16xi32>
        %jit3A_823 = arith.constant 0.000000e+00 : f32
        %broadcast_in_dim3A_824 = vector.broadcast %jit3A_823 : f32 to vector<16xf32>
        %select_n3A_825 = arith.select %lt3A_822, %exp3A_813, %broadcast_in_dim3A_824 : vector<16xi1>, vector<16xf32>
        %swap3A_826 = arith.index_cast %add3A_758 : i32 to index
        %swap3A_827 = arith.constant 16 : index
        %swap3A_828 = tpu.vector_load %arg13[%swap3A_826, %swap3A_827] {strides = array<i32>} : memref<80x128xf32, #tpu.memory_space<vmem>>, vector<16xf32>,
        tpu.vector_store %arg13[%swap3A_826, %swap3A_827], %select_n3A_825 {strides = array<i32>} : memref<80x128xf32, #tpu.memory_space<vmem>>, vector<16xf32>,
        %get3A_829 = arith.index_cast %add3A_758 : i32 to index
        %get3A_830 = arith.constant 32 : index
        %get3A_831 = tpu.vector_load %arg9[%get3A_829, %get3A_830] {strides = array<i32>} : memref<80x128xi32, #tpu.memory_space<vmem>>, vector<16xi32>,
        %get3A_832 = arith.index_cast %add3A_758 : i32 to index
        %get3A_833 = arith.constant 32 : index
        %get3A_834 = tpu.vector_load %arg10[%get3A_832, %get3A_833] {strides = array<i32>} : memref<80x128xi32, #tpu.memory_space<vmem>>, vector<16xi32>,
        %gather3A_835 = tpu.vector_load_idx %arg11[%get3A_831] : memref<10000xf32, #tpu.memory_space<vmem>>[vector<16xi32>], vector<16xf32>,
        %gather3A_836 = tpu.vector_load_idx %arg12[%get3A_834] : memref<10000xf32, #tpu.memory_space<vmem>>[vector<16xi32>], vector<16xf32>,
        %add3A_837 = arith.addf %gather3A_835, %gather3A_836 : vector<16xf32>
        %ge3A_838 = arith.constant 0.000000e+00 : f32
        %ge3A_839 = vector.broadcast %ge3A_838 : f32 to vector<16xf32>
        %ge3A_840 = arith.cmpf oge, %add3A_837, %ge3A_839 : vector<16xf32>
        %mul3A_841 = arith.constant 2.000000e-01 : f32
        %mul3A_842 = vector.broadcast %mul3A_841 : f32 to vector<16xf32>
        %mul3A_843 = arith.mulf %mul3A_842, %add3A_837 : vector<16xf32>
        %select_n3A_844 = arith.select %ge3A_840, %add3A_837, %mul3A_843 : vector<16xi1>, vector<16xf32>
        %sub3A_845 = arith.constant 1.000000e+00 : f32
        %sub3A_846 = vector.broadcast %sub3A_845 : f32 to vector<16xf32>
        %sub3A_847 = arith.subf %select_n3A_844, %sub3A_846 : vector<16xf32>
        %exp3A_848 = math.exp %sub3A_847 : vector<16xf32>
        %mul3A_849 = arith.constant 128 : i32
        %mul3A_850 = arith.muli %add3A_758, %mul3A_849 : i32
        %add3A_851 = arith.constant 32 : i32
        %add3A_852 = arith.addi %mul3A_850, %add3A_851 : i32
        %add3A_853 = vector.broadcast %add3A_852 : i32 to vector<16xi32>
        %add3A_854 = arith.addi %add3A_853, %iota3A : vector<16xi32>
        %lt3A_855 = arith.constant 10000 : i32
        %lt3A_856 = vector.broadcast %lt3A_855 : i32 to vector<16xi32>
        %lt3A_857 = arith.cmpi slt, %add3A_854, %lt3A_856 : vector<16xi32>
        %jit3A_858 = arith.constant 0.000000e+00 : f32
        %broadcast_in_dim3A_859 = vector.broadcast %jit3A_858 : f32 to vector<16xf32>
        %select_n3A_860 = arith.select %lt3A_857, %exp3A_848, %broadcast_in_dim3A_859 : vector<16xi1>, vector<16xf32>
        %swap3A_861 = arith.index_cast %add3A_758 : i32 to index
        %swap3A_862 = arith.constant 32 : index
        %swap3A_863 = tpu.vector_load %arg13[%swap3A_861, %swap3A_862] {strides = array<i32>} : memref<80x128xf32, #tpu.memory_space<vmem>>, vector<16xf32>,
        tpu.vector_store %arg13[%swap3A_861, %swap3A_862], %select_n3A_860 {strides = array<i32>} : memref<80x128xf32, #tpu.memory_space<vmem>>, vector<16xf32>,
        %get3A_864 = arith.index_cast %add3A_758 : i32 to index
        %get3A_865 = arith.constant 48 : index
        %get3A_866 = tpu.vector_load %arg9[%get3A_864, %get3A_865] {strides = array<i32>} : memref<80x128xi32, #tpu.memory_space<vmem>>, vector<16xi32>,
        %get3A_867 = arith.index_cast %add3A_758 : i32 to index
        %get3A_868 = arith.constant 48 : index
        %get3A_869 = tpu.vector_load %arg10[%get3A_867, %get3A_868] {strides = array<i32>} : memref<80x128xi32, #tpu.memory_space<vmem>>, vector<16xi32>,
        %gather3A_870 = tpu.vector_load_idx %arg11[%get3A_866] : memref<10000xf32, #tpu.memory_space<vmem>>[vector<16xi32>], vector<16xf32>,
        %gather3A_871 = tpu.vector_load_idx %arg12[%get3A_869] : memref<10000xf32, #tpu.memory_space<vmem>>[vector<16xi32>], vector<16xf32>,
        %add3A_872 = arith.addf %gather3A_870, %gather3A_871 : vector<16xf32>
        %ge3A_873 = arith.constant 0.000000e+00 : f32
        %ge3A_874 = vector.broadcast %ge3A_873 : f32 to vector<16xf32>
        %ge3A_875 = arith.cmpf oge, %add3A_872, %ge3A_874 : vector<16xf32>
        %mul3A_876 = arith.constant 2.000000e-01 : f32
        %mul3A_877 = vector.broadcast %mul3A_876 : f32 to vector<16xf32>
        %mul3A_878 = arith.mulf %mul3A_877, %add3A_872 : vector<16xf32>
        %select_n3A_879 = arith.select %ge3A_875, %add3A_872, %mul3A_878 : vector<16xi1>, vector<16xf32>
        %sub3A_880 = arith.constant 1.000000e+00 : f32
        %sub3A_881 = vector.broadcast %sub3A_880 : f32 to vector<16xf32>
        %sub3A_882 = arith.subf %select_n3A_879, %sub3A_881 : vector<16xf32>
        %exp3A_883 = math.exp %sub3A_882 : vector<16xf32>
        %mul3A_884 = arith.constant 128 : i32
        %mul3A_885 = arith.muli %add3A_758, %mul3A_884 : i32
        %add3A_886 = arith.constant 48 : i32
        %add3A_887 = arith.addi %mul3A_885, %add3A_886 : i32
        %add3A_888 = vector.broadcast %add3A_887 : i32 to vector<16xi32>
        %add3A_889 = arith.addi %add3A_888, %iota3A : vector<16xi32>
        %lt3A_890 = arith.constant 10000 : i32
        %lt3A_891 = vector.broadcast %lt3A_890 : i32 to vector<16xi32>
        %lt3A_892 = arith.cmpi slt, %add3A_889, %lt3A_891 : vector<16xi32>
        %jit3A_893 = arith.constant 0.000000e+00 : f32
        %broadcast_in_dim3A_894 = vector.broadcast %jit3A_893 : f32 to vector<16xf32>
        %select_n3A_895 = arith.select %lt3A_892, %exp3A_883, %broadcast_in_dim3A_894 : vector<16xi1>, vector<16xf32>
        %swap3A_896 = arith.index_cast %add3A_758 : i32 to index
        %swap3A_897 = arith.constant 48 : index
        %swap3A_898 = tpu.vector_load %arg13[%swap3A_896, %swap3A_897] {strides = array<i32>} : memref<80x128xf32, #tpu.memory_space<vmem>>, vector<16xf32>,
        tpu.vector_store %arg13[%swap3A_896, %swap3A_897], %select_n3A_895 {strides = array<i32>} : memref<80x128xf32, #tpu.memory_space<vmem>>, vector<16xf32>,
        %get3A_899 = arith.index_cast %add3A_758 : i32 to index
        %get3A_900 = arith.constant 64 : index
        %get3A_901 = tpu.vector_load %arg9[%get3A_899, %get3A_900] {strides = array<i32>} : memref<80x128xi32, #tpu.memory_space<vmem>>, vector<16xi32>,
        %get3A_902 = arith.index_cast %add3A_758 : i32 to index
        %get3A_903 = arith.constant 64 : index
        %get3A_904 = tpu.vector_load %arg10[%get3A_902, %get3A_903] {strides = array<i32>} : memref<80x128xi32, #tpu.memory_space<vmem>>, vector<16xi32>,
        %gather3A_905 = tpu.vector_load_idx %arg11[%get3A_901] : memref<10000xf32, #tpu.memory_space<vmem>>[vector<16xi32>], vector<16xf32>,
        %gather3A_906 = tpu.vector_load_idx %arg12[%get3A_904] : memref<10000xf32, #tpu.memory_space<vmem>>[vector<16xi32>], vector<16xf32>,
        %add3A_907 = arith.addf %gather3A_905, %gather3A_906 : vector<16xf32>
        %ge3A_908 = arith.constant 0.000000e+00 : f32
        %ge3A_909 = vector.broadcast %ge3A_908 : f32 to vector<16xf32>
        %ge3A_910 = arith.cmpf oge, %add3A_907, %ge3A_909 : vector<16xf32>
        %mul3A_911 = arith.constant 2.000000e-01 : f32
        %mul3A_912 = vector.broadcast %mul3A_911 : f32 to vector<16xf32>
        %mul3A_913 = arith.mulf %mul3A_912, %add3A_907 : vector<16xf32>
        %select_n3A_914 = arith.select %ge3A_910, %add3A_907, %mul3A_913 : vector<16xi1>, vector<16xf32>
        %sub3A_915 = arith.constant 1.000000e+00 : f32
        %sub3A_916 = vector.broadcast %sub3A_915 : f32 to vector<16xf32>
        %sub3A_917 = arith.subf %select_n3A_914, %sub3A_916 : vector<16xf32>
        %exp3A_918 = math.exp %sub3A_917 : vector<16xf32>
        %mul3A_919 = arith.constant 128 : i32
        %mul3A_920 = arith.muli %add3A_758, %mul3A_919 : i32
        %add3A_921 = arith.constant 64 : i32
        %add3A_922 = arith.addi %mul3A_920, %add3A_921 : i32
        %add3A_923 = vector.broadcast %add3A_922 : i32 to vector<16xi32>
        %add3A_924 = arith.addi %add3A_923, %iota3A : vector<16xi32>
        %lt3A_925 = arith.constant 10000 : i32
        %lt3A_926 = vector.broadcast %lt3A_925 : i32 to vector<16xi32>
        %lt3A_927 = arith.cmpi slt, %add3A_924, %lt3A_926 : vector<16xi32>
        %jit3A_928 = arith.constant 0.000000e+00 : f32
        %broadcast_in_dim3A_929 = vector.broadcast %jit3A_928 : f32 to vector<16xf32>
        %select_n3A_930 = arith.select %lt3A_927, %exp3A_918, %broadcast_in_dim3A_929 : vector<16xi1>, vector<16xf32>
        %swap3A_931 = arith.index_cast %add3A_758 : i32 to index
        %swap3A_932 = arith.constant 64 : index
        %swap3A_933 = tpu.vector_load %arg13[%swap3A_931, %swap3A_932] {strides = array<i32>} : memref<80x128xf32, #tpu.memory_space<vmem>>, vector<16xf32>,
        tpu.vector_store %arg13[%swap3A_931, %swap3A_932], %select_n3A_930 {strides = array<i32>} : memref<80x128xf32, #tpu.memory_space<vmem>>, vector<16xf32>,
        %get3A_934 = arith.index_cast %add3A_758 : i32 to index
        %get3A_935 = arith.constant 80 : index
        %get3A_936 = tpu.vector_load %arg9[%get3A_934, %get3A_935] {strides = array<i32>} : memref<80x128xi32, #tpu.memory_space<vmem>>, vector<16xi32>,
        %get3A_937 = arith.index_cast %add3A_758 : i32 to index
        %get3A_938 = arith.constant 80 : index
        %get3A_939 = tpu.vector_load %arg10[%get3A_937, %get3A_938] {strides = array<i32>} : memref<80x128xi32, #tpu.memory_space<vmem>>, vector<16xi32>,
        %gather3A_940 = tpu.vector_load_idx %arg11[%get3A_936] : memref<10000xf32, #tpu.memory_space<vmem>>[vector<16xi32>], vector<16xf32>,
        %gather3A_941 = tpu.vector_load_idx %arg12[%get3A_939] : memref<10000xf32, #tpu.memory_space<vmem>>[vector<16xi32>], vector<16xf32>,
        %add3A_942 = arith.addf %gather3A_940, %gather3A_941 : vector<16xf32>
        %ge3A_943 = arith.constant 0.000000e+00 : f32
        %ge3A_944 = vector.broadcast %ge3A_943 : f32 to vector<16xf32>
        %ge3A_945 = arith.cmpf oge, %add3A_942, %ge3A_944 : vector<16xf32>
        %mul3A_946 = arith.constant 2.000000e-01 : f32
        %mul3A_947 = vector.broadcast %mul3A_946 : f32 to vector<16xf32>
        %mul3A_948 = arith.mulf %mul3A_947, %add3A_942 : vector<16xf32>
        %select_n3A_949 = arith.select %ge3A_945, %add3A_942, %mul3A_948 : vector<16xi1>, vector<16xf32>
        %sub3A_950 = arith.constant 1.000000e+00 : f32
        %sub3A_951 = vector.broadcast %sub3A_950 : f32 to vector<16xf32>
        %sub3A_952 = arith.subf %select_n3A_949, %sub3A_951 : vector<16xf32>
        %exp3A_953 = math.exp %sub3A_952 : vector<16xf32>
        %mul3A_954 = arith.constant 128 : i32
        %mul3A_955 = arith.muli %add3A_758, %mul3A_954 : i32
        %add3A_956 = arith.constant 80 : i32
        %add3A_957 = arith.addi %mul3A_955, %add3A_956 : i32
        %add3A_958 = vector.broadcast %add3A_957 : i32 to vector<16xi32>
        %add3A_959 = arith.addi %add3A_958, %iota3A : vector<16xi32>
        %lt3A_960 = arith.constant 10000 : i32
        %lt3A_961 = vector.broadcast %lt3A_960 : i32 to vector<16xi32>
        %lt3A_962 = arith.cmpi slt, %add3A_959, %lt3A_961 : vector<16xi32>
        %jit3A_963 = arith.constant 0.000000e+00 : f32
        %broadcast_in_dim3A_964 = vector.broadcast %jit3A_963 : f32 to vector<16xf32>
        %select_n3A_965 = arith.select %lt3A_962, %exp3A_953, %broadcast_in_dim3A_964 : vector<16xi1>, vector<16xf32>
        %swap3A_966 = arith.index_cast %add3A_758 : i32 to index
        %swap3A_967 = arith.constant 80 : index
        %swap3A_968 = tpu.vector_load %arg13[%swap3A_966, %swap3A_967] {strides = array<i32>} : memref<80x128xf32, #tpu.memory_space<vmem>>, vector<16xf32>,
        tpu.vector_store %arg13[%swap3A_966, %swap3A_967], %select_n3A_965 {strides = array<i32>} : memref<80x128xf32, #tpu.memory_space<vmem>>, vector<16xf32>,
        %get3A_969 = arith.index_cast %add3A_758 : i32 to index
        %get3A_970 = arith.constant 96 : index
        %get3A_971 = tpu.vector_load %arg9[%get3A_969, %get3A_970] {strides = array<i32>} : memref<80x128xi32, #tpu.memory_space<vmem>>, vector<16xi32>,
        %get3A_972 = arith.index_cast %add3A_758 : i32 to index
        %get3A_973 = arith.constant 96 : index
        %get3A_974 = tpu.vector_load %arg10[%get3A_972, %get3A_973] {strides = array<i32>} : memref<80x128xi32, #tpu.memory_space<vmem>>, vector<16xi32>,
        %gather3A_975 = tpu.vector_load_idx %arg11[%get3A_971] : memref<10000xf32, #tpu.memory_space<vmem>>[vector<16xi32>], vector<16xf32>,
        %gather3A_976 = tpu.vector_load_idx %arg12[%get3A_974] : memref<10000xf32, #tpu.memory_space<vmem>>[vector<16xi32>], vector<16xf32>,
        %add3A_977 = arith.addf %gather3A_975, %gather3A_976 : vector<16xf32>
        %ge3A_978 = arith.constant 0.000000e+00 : f32
        %ge3A_979 = vector.broadcast %ge3A_978 : f32 to vector<16xf32>
        %ge3A_980 = arith.cmpf oge, %add3A_977, %ge3A_979 : vector<16xf32>
        %mul3A_981 = arith.constant 2.000000e-01 : f32
        %mul3A_982 = vector.broadcast %mul3A_981 : f32 to vector<16xf32>
        %mul3A_983 = arith.mulf %mul3A_982, %add3A_977 : vector<16xf32>
        %select_n3A_984 = arith.select %ge3A_980, %add3A_977, %mul3A_983 : vector<16xi1>, vector<16xf32>
        %sub3A_985 = arith.constant 1.000000e+00 : f32
        %sub3A_986 = vector.broadcast %sub3A_985 : f32 to vector<16xf32>
        %sub3A_987 = arith.subf %select_n3A_984, %sub3A_986 : vector<16xf32>
        %exp3A_988 = math.exp %sub3A_987 : vector<16xf32>
        %mul3A_989 = arith.constant 128 : i32
        %mul3A_990 = arith.muli %add3A_758, %mul3A_989 : i32
        %add3A_991 = arith.constant 96 : i32
        %add3A_992 = arith.addi %mul3A_990, %add3A_991 : i32
        %add3A_993 = vector.broadcast %add3A_992 : i32 to vector<16xi32>
        %add3A_994 = arith.addi %add3A_993, %iota3A : vector<16xi32>
        %lt3A_995 = arith.constant 10000 : i32
        %lt3A_996 = vector.broadcast %lt3A_995 : i32 to vector<16xi32>
        %lt3A_997 = arith.cmpi slt, %add3A_994, %lt3A_996 : vector<16xi32>
        %jit3A_998 = arith.constant 0.000000e+00 : f32
        %broadcast_in_dim3A_999 = vector.broadcast %jit3A_998 : f32 to vector<16xf32>
        %select_n3A_1000 = arith.select %lt3A_997, %exp3A_988, %broadcast_in_dim3A_999 : vector<16xi1>, vector<16xf32>
        %swap3A_1001 = arith.index_cast %add3A_758 : i32 to index
        %swap3A_1002 = arith.constant 96 : index
        %swap3A_1003 = tpu.vector_load %arg13[%swap3A_1001, %swap3A_1002] {strides = array<i32>} : memref<80x128xf32, #tpu.memory_space<vmem>>, vector<16xf32>,
        tpu.vector_store %arg13[%swap3A_1001, %swap3A_1002], %select_n3A_1000 {strides = array<i32>} : memref<80x128xf32, #tpu.memory_space<vmem>>, vector<16xf32>,
        %get3A_1004 = arith.index_cast %add3A_758 : i32 to index
        %get3A_1005 = arith.constant 112 : index
        %get3A_1006 = tpu.vector_load %arg9[%get3A_1004, %get3A_1005] {strides = array<i32>} : memref<80x128xi32, #tpu.memory_space<vmem>>, vector<16xi32>,
        %get3A_1007 = arith.index_cast %add3A_758 : i32 to index
        %get3A_1008 = arith.constant 112 : index
        %get3A_1009 = tpu.vector_load %arg10[%get3A_1007, %get3A_1008] {strides = array<i32>} : memref<80x128xi32, #tpu.memory_space<vmem>>, vector<16xi32>,
        %gather3A_1010 = tpu.vector_load_idx %arg11[%get3A_1006] : memref<10000xf32, #tpu.memory_space<vmem>>[vector<16xi32>], vector<16xf32>,
        %gather3A_1011 = tpu.vector_load_idx %arg12[%get3A_1009] : memref<10000xf32, #tpu.memory_space<vmem>>[vector<16xi32>], vector<16xf32>,
        %add3A_1012 = arith.addf %gather3A_1010, %gather3A_1011 : vector<16xf32>
        %ge3A_1013 = arith.constant 0.000000e+00 : f32
        %ge3A_1014 = vector.broadcast %ge3A_1013 : f32 to vector<16xf32>
        %ge3A_1015 = arith.cmpf oge, %add3A_1012, %ge3A_1014 : vector<16xf32>
        %mul3A_1016 = arith.constant 2.000000e-01 : f32
        %mul3A_1017 = vector.broadcast %mul3A_1016 : f32 to vector<16xf32>
        %mul3A_1018 = arith.mulf %mul3A_1017, %add3A_1012 : vector<16xf32>
        %select_n3A_1019 = arith.select %ge3A_1015, %add3A_1012, %mul3A_1018 : vector<16xi1>, vector<16xf32>
        %sub3A_1020 = arith.constant 1.000000e+00 : f32
        %sub3A_1021 = vector.broadcast %sub3A_1020 : f32 to vector<16xf32>
        %sub3A_1022 = arith.subf %select_n3A_1019, %sub3A_1021 : vector<16xf32>
        %exp3A_1023 = math.exp %sub3A_1022 : vector<16xf32>
        %mul3A_1024 = arith.constant 128 : i32
        %mul3A_1025 = arith.muli %add3A_758, %mul3A_1024 : i32
        %add3A_1026 = arith.constant 112 : i32
        %add3A_1027 = arith.addi %mul3A_1025, %add3A_1026 : i32
        %add3A_1028 = vector.broadcast %add3A_1027 : i32 to vector<16xi32>
        %add3A_1029 = arith.addi %add3A_1028, %iota3A : vector<16xi32>
        %lt3A_1030 = arith.constant 10000 : i32
        %lt3A_1031 = vector.broadcast %lt3A_1030 : i32 to vector<16xi32>
        %lt3A_1032 = arith.cmpi slt, %add3A_1029, %lt3A_1031 : vector<16xi32>
        %jit3A_1033 = arith.constant 0.000000e+00 : f32
        %broadcast_in_dim3A_1034 = vector.broadcast %jit3A_1033 : f32 to vector<16xf32>
        %select_n3A_1035 = arith.select %lt3A_1032, %exp3A_1023, %broadcast_in_dim3A_1034 : vector<16xi1>, vector<16xf32>
        %swap3A_1036 = arith.index_cast %add3A_758 : i32 to index
        %swap3A_1037 = arith.constant 112 : index
        %swap3A_1038 = tpu.vector_load %arg13[%swap3A_1036, %swap3A_1037] {strides = array<i32>} : memref<80x128xf32, #tpu.memory_space<vmem>>, vector<16xf32>,
        tpu.vector_store %arg13[%swap3A_1036, %swap3A_1037], %select_n3A_1035 {strides = array<i32>} : memref<80x128xf32, #tpu.memory_space<vmem>>, vector<16xf32>,
      } else {
      }
      %add3A_677 = arith.constant 0 : i32
      %add3A_678 = arith.addi %add3A_626, %add3A_677 : i32
      %broadcast_in_dim3A_679 = arith.constant 0 : i32
      %broadcast_in_dim3A_680 = vector.broadcast %broadcast_in_dim3A_679 : i32 to vector<16xi32>
      %add3A_681 = vector.broadcast %add3A_678 : i32 to vector<16xi32>
      %add3A_682 = arith.addi %broadcast_in_dim3A_680, %add3A_681 : vector<16xi32>
      %scan3A_683 = arith.constant 0 : i32
      %scan3A_684 = arith.constant 128 : i32
      %scan3A_685 = arith.addi %scan3A_683, %scan3A_684 : i32
      %scan3A_686 = arith.constant 4 : i32
      scf.for %scan3A_755 = %scan3A_683 to %scan3A_685 step %scan3A_686  : i32 {
        %mul3A_756 = arith.constant 1 : i32
        %mul3A_757 = arith.muli %scan3A_755, %mul3A_756 : i32
        %add3A_758 = arith.constant 0 : i32
        %add3A_759 = arith.addi %add3A_758, %mul3A_757 : i32
        %broadcast_in_dim3A_760 = arith.constant 0 : i32
        %broadcast_in_dim3A_761 = vector.broadcast %broadcast_in_dim3A_760 : i32 to vector<16xi32>
        %add3A_762 = vector.broadcast %add3A_759 : i32 to vector<16xi32>
        %add3A_763 = arith.addi %broadcast_in_dim3A_761, %add3A_762 : vector<16xi32>
        %gather3A_764 = tpu.vector_load_idx %arg13[%add3A_682, %add3A_763] : memref<80x128xf32, #tpu.memory_space<vmem>>[vector<16xi32>, vector<16xi32>], vector<16xf32>,
        %get3A_765 = arith.index_cast %add3A_759 : i32 to index
        %get3A_766 = arith.constant 0 : index
        %get3A_767 = tpu.vector_load %arg14[%get3A_765, %get3A_766] {strides = array<i32>} : memref<128x64xbf16, #tpu.memory_space<vmem>>, vector<32xbf16>,
        %unpack3A = tpu.unpack_subelements %get3A_767, 0 {pack_format = #tpu.pack_format<interleaved>} : vector<32xbf16> -> vector<16xf32>
        %unpack3A_768 = tpu.unpack_subelements %get3A_767, 1 {pack_format = #tpu.pack_format<interleaved>} : vector<32xbf16> -> vector<16xf32>
        %mul3A_769 = arith.mulf %unpack3A, %gather3A_764 : vector<16xf32>
        %swap3A_770 = arith.index_cast %add3A_759 : i32 to index
        %swap3A_771 = arith.constant 0 : index
        %swap3A_772 = tpu.vector_load %arg16[%swap3A_770, %swap3A_771] {strides = array<i32>} : memref<128x64xf32, #tpu.memory_space<vmem>>, vector<16xf32>,
        tpu.vector_store %arg16[%swap3A_770, %swap3A_771], %mul3A_769 {strides = array<i32>} : memref<128x64xf32, #tpu.memory_space<vmem>>, vector<16xf32>,
        %mul3A_773 = arith.mulf %unpack3A_768, %gather3A_764 : vector<16xf32>
        %swap3A_774 = arith.index_cast %add3A_759 : i32 to index
        %swap3A_775 = arith.constant 16 : index
        %swap3A_776 = tpu.vector_load %arg16[%swap3A_774, %swap3A_775] {strides = array<i32>} : memref<128x64xf32, #tpu.memory_space<vmem>>, vector<16xf32>,
        tpu.vector_store %arg16[%swap3A_774, %swap3A_775], %mul3A_773 {strides = array<i32>} : memref<128x64xf32, #tpu.memory_space<vmem>>, vector<16xf32>,
        %get3A_777 = arith.index_cast %add3A_759 : i32 to index
        %get3A_778 = arith.constant 32 : index
        %get3A_779 = tpu.vector_load %arg14[%get3A_777, %get3A_778] {strides = array<i32>} : memref<128x64xbf16, #tpu.memory_space<vmem>>, vector<32xbf16>,
        %unpack3A_780 = tpu.unpack_subelements %get3A_779, 0 {pack_format = #tpu.pack_format<interleaved>} : vector<32xbf16> -> vector<16xf32>
        %unpack3A_781 = tpu.unpack_subelements %get3A_779, 1 {pack_format = #tpu.pack_format<interleaved>} : vector<32xbf16> -> vector<16xf32>
        %mul3A_782 = arith.mulf %unpack3A_780, %gather3A_764 : vector<16xf32>
        %swap3A_783 = arith.index_cast %add3A_759 : i32 to index
        %swap3A_784 = arith.constant 32 : index
        %swap3A_785 = tpu.vector_load %arg16[%swap3A_783, %swap3A_784] {strides = array<i32>} : memref<128x64xf32, #tpu.memory_space<vmem>>, vector<16xf32>,
        tpu.vector_store %arg16[%swap3A_783, %swap3A_784], %mul3A_782 {strides = array<i32>} : memref<128x64xf32, #tpu.memory_space<vmem>>, vector<16xf32>,
        %mul3A_786 = arith.mulf %unpack3A_781, %gather3A_764 : vector<16xf32>
        %swap3A_787 = arith.index_cast %add3A_759 : i32 to index
        %swap3A_788 = arith.constant 48 : index
        %swap3A_789 = tpu.vector_load %arg16[%swap3A_787, %swap3A_788] {strides = array<i32>} : memref<128x64xf32, #tpu.memory_space<vmem>>, vector<16xf32>,
        tpu.vector_store %arg16[%swap3A_787, %swap3A_788], %mul3A_786 {strides = array<i32>} : memref<128x64xf32, #tpu.memory_space<vmem>>, vector<16xf32>,
        %scan3A_790 = arith.constant 1 : i32
        %scan3A_791 = arith.addi %scan3A_755, %scan3A_790 : i32
        %mul3A_792 = arith.constant 1 : i32
        %mul3A_793 = arith.muli %scan3A_791, %mul3A_792 : i32
        %add3A_794 = arith.constant 0 : i32
        %add3A_795 = arith.addi %add3A_794, %mul3A_793 : i32
        %broadcast_in_dim3A_796 = arith.constant 0 : i32
        %broadcast_in_dim3A_797 = vector.broadcast %broadcast_in_dim3A_796 : i32 to vector<16xi32>
        %add3A_798 = vector.broadcast %add3A_795 : i32 to vector<16xi32>
        %add3A_799 = arith.addi %broadcast_in_dim3A_797, %add3A_798 : vector<16xi32>
        %gather3A_800 = tpu.vector_load_idx %arg13[%add3A_682, %add3A_799] : memref<80x128xf32, #tpu.memory_space<vmem>>[vector<16xi32>, vector<16xi32>], vector<16xf32>,
        %get3A_801 = arith.index_cast %add3A_795 : i32 to index
        %get3A_802 = arith.constant 0 : index
        %get3A_803 = tpu.vector_load %arg14[%get3A_801, %get3A_802] {strides = array<i32>} : memref<128x64xbf16, #tpu.memory_space<vmem>>, vector<32xbf16>,
        %unpack3A_804 = tpu.unpack_subelements %get3A_803, 0 {pack_format = #tpu.pack_format<interleaved>} : vector<32xbf16> -> vector<16xf32>
        %unpack3A_805 = tpu.unpack_subelements %get3A_803, 1 {pack_format = #tpu.pack_format<interleaved>} : vector<32xbf16> -> vector<16xf32>
        %mul3A_806 = arith.mulf %unpack3A_804, %gather3A_800 : vector<16xf32>
        %swap3A_807 = arith.index_cast %add3A_795 : i32 to index
        %swap3A_808 = arith.constant 0 : index
        %swap3A_809 = tpu.vector_load %arg16[%swap3A_807, %swap3A_808] {strides = array<i32>} : memref<128x64xf32, #tpu.memory_space<vmem>>, vector<16xf32>,
        tpu.vector_store %arg16[%swap3A_807, %swap3A_808], %mul3A_806 {strides = array<i32>} : memref<128x64xf32, #tpu.memory_space<vmem>>, vector<16xf32>,
        %mul3A_810 = arith.mulf %unpack3A_805, %gather3A_800 : vector<16xf32>
        %swap3A_811 = arith.index_cast %add3A_795 : i32 to index
        %swap3A_812 = arith.constant 16 : index
        %swap3A_813 = tpu.vector_load %arg16[%swap3A_811, %swap3A_812] {strides = array<i32>} : memref<128x64xf32, #tpu.memory_space<vmem>>, vector<16xf32>,
        tpu.vector_store %arg16[%swap3A_811, %swap3A_812], %mul3A_810 {strides = array<i32>} : memref<128x64xf32, #tpu.memory_space<vmem>>, vector<16xf32>,
        %get3A_814 = arith.index_cast %add3A_795 : i32 to index
        %get3A_815 = arith.constant 32 : index
        %get3A_816 = tpu.vector_load %arg14[%get3A_814, %get3A_815] {strides = array<i32>} : memref<128x64xbf16, #tpu.memory_space<vmem>>, vector<32xbf16>,
        %unpack3A_817 = tpu.unpack_subelements %get3A_816, 0 {pack_format = #tpu.pack_format<interleaved>} : vector<32xbf16> -> vector<16xf32>
        %unpack3A_818 = tpu.unpack_subelements %get3A_816, 1 {pack_format = #tpu.pack_format<interleaved>} : vector<32xbf16> -> vector<16xf32>
        %mul3A_819 = arith.mulf %unpack3A_817, %gather3A_800 : vector<16xf32>
        %swap3A_820 = arith.index_cast %add3A_795 : i32 to index
        %swap3A_821 = arith.constant 32 : index
        %swap3A_822 = tpu.vector_load %arg16[%swap3A_820, %swap3A_821] {strides = array<i32>} : memref<128x64xf32, #tpu.memory_space<vmem>>, vector<16xf32>,
        tpu.vector_store %arg16[%swap3A_820, %swap3A_821], %mul3A_819 {strides = array<i32>} : memref<128x64xf32, #tpu.memory_space<vmem>>, vector<16xf32>,
        %mul3A_823 = arith.mulf %unpack3A_818, %gather3A_800 : vector<16xf32>
        %swap3A_824 = arith.index_cast %add3A_795 : i32 to index
        %swap3A_825 = arith.constant 48 : index
        %swap3A_826 = tpu.vector_load %arg16[%swap3A_824, %swap3A_825] {strides = array<i32>} : memref<128x64xf32, #tpu.memory_space<vmem>>, vector<16xf32>,
        tpu.vector_store %arg16[%swap3A_824, %swap3A_825], %mul3A_823 {strides = array<i32>} : memref<128x64xf32, #tpu.memory_space<vmem>>, vector<16xf32>,
        %scan3A_827 = arith.constant 2 : i32
        %scan3A_828 = arith.addi %scan3A_755, %scan3A_827 : i32
        %mul3A_829 = arith.constant 1 : i32
        %mul3A_830 = arith.muli %scan3A_828, %mul3A_829 : i32
        %add3A_831 = arith.constant 0 : i32
        %add3A_832 = arith.addi %add3A_831, %mul3A_830 : i32
        %broadcast_in_dim3A_833 = arith.constant 0 : i32
        %broadcast_in_dim3A_834 = vector.broadcast %broadcast_in_dim3A_833 : i32 to vector<16xi32>
        %add3A_835 = vector.broadcast %add3A_832 : i32 to vector<16xi32>
        %add3A_836 = arith.addi %broadcast_in_dim3A_834, %add3A_835 : vector<16xi32>
        %gather3A_837 = tpu.vector_load_idx %arg13[%add3A_682, %add3A_836] : memref<80x128xf32, #tpu.memory_space<vmem>>[vector<16xi32>, vector<16xi32>], vector<16xf32>,
        %get3A_838 = arith.index_cast %add3A_832 : i32 to index
        %get3A_839 = arith.constant 0 : index
        %get3A_840 = tpu.vector_load %arg14[%get3A_838, %get3A_839] {strides = array<i32>} : memref<128x64xbf16, #tpu.memory_space<vmem>>, vector<32xbf16>,
        %unpack3A_841 = tpu.unpack_subelements %get3A_840, 0 {pack_format = #tpu.pack_format<interleaved>} : vector<32xbf16> -> vector<16xf32>
        %unpack3A_842 = tpu.unpack_subelements %get3A_840, 1 {pack_format = #tpu.pack_format<interleaved>} : vector<32xbf16> -> vector<16xf32>
        %mul3A_843 = arith.mulf %unpack3A_841, %gather3A_837 : vector<16xf32>
        %swap3A_844 = arith.index_cast %add3A_832 : i32 to index
        %swap3A_845 = arith.constant 0 : index
        %swap3A_846 = tpu.vector_load %arg16[%swap3A_844, %swap3A_845] {strides = array<i32>} : memref<128x64xf32, #tpu.memory_space<vmem>>, vector<16xf32>,
        tpu.vector_store %arg16[%swap3A_844, %swap3A_845], %mul3A_843 {strides = array<i32>} : memref<128x64xf32, #tpu.memory_space<vmem>>, vector<16xf32>,
        %mul3A_847 = arith.mulf %unpack3A_842, %gather3A_837 : vector<16xf32>
        %swap3A_848 = arith.index_cast %add3A_832 : i32 to index
        %swap3A_849 = arith.constant 16 : index
        %swap3A_850 = tpu.vector_load %arg16[%swap3A_848, %swap3A_849] {strides = array<i32>} : memref<128x64xf32, #tpu.memory_space<vmem>>, vector<16xf32>,
        tpu.vector_store %arg16[%swap3A_848, %swap3A_849], %mul3A_847 {strides = array<i32>} : memref<128x64xf32, #tpu.memory_space<vmem>>, vector<16xf32>,
        %get3A_851 = arith.index_cast %add3A_832 : i32 to index
        %get3A_852 = arith.constant 32 : index
        %get3A_853 = tpu.vector_load %arg14[%get3A_851, %get3A_852] {strides = array<i32>} : memref<128x64xbf16, #tpu.memory_space<vmem>>, vector<32xbf16>,
        %unpack3A_854 = tpu.unpack_subelements %get3A_853, 0 {pack_format = #tpu.pack_format<interleaved>} : vector<32xbf16> -> vector<16xf32>
        %unpack3A_855 = tpu.unpack_subelements %get3A_853, 1 {pack_format = #tpu.pack_format<interleaved>} : vector<32xbf16> -> vector<16xf32>
        %mul3A_856 = arith.mulf %unpack3A_854, %gather3A_837 : vector<16xf32>
        %swap3A_857 = arith.index_cast %add3A_832 : i32 to index
        %swap3A_858 = arith.constant 32 : index
        %swap3A_859 = tpu.vector_load %arg16[%swap3A_857, %swap3A_858] {strides = array<i32>} : memref<128x64xf32, #tpu.memory_space<vmem>>, vector<16xf32>,
        tpu.vector_store %arg16[%swap3A_857, %swap3A_858], %mul3A_856 {strides = array<i32>} : memref<128x64xf32, #tpu.memory_space<vmem>>, vector<16xf32>,
        %mul3A_860 = arith.mulf %unpack3A_855, %gather3A_837 : vector<16xf32>
        %swap3A_861 = arith.index_cast %add3A_832 : i32 to index
        %swap3A_862 = arith.constant 48 : index
        %swap3A_863 = tpu.vector_load %arg16[%swap3A_861, %swap3A_862] {strides = array<i32>} : memref<128x64xf32, #tpu.memory_space<vmem>>, vector<16xf32>,
        tpu.vector_store %arg16[%swap3A_861, %swap3A_862], %mul3A_860 {strides = array<i32>} : memref<128x64xf32, #tpu.memory_space<vmem>>, vector<16xf32>,
        %scan3A_864 = arith.constant 3 : i32
        %scan3A_865 = arith.addi %scan3A_755, %scan3A_864 : i32
        %mul3A_866 = arith.constant 1 : i32
        %mul3A_867 = arith.muli %scan3A_865, %mul3A_866 : i32
        %add3A_868 = arith.constant 0 : i32
        %add3A_869 = arith.addi %add3A_868, %mul3A_867 : i32
        %broadcast_in_dim3A_870 = arith.constant 0 : i32
        %broadcast_in_dim3A_871 = vector.broadcast %broadcast_in_dim3A_870 : i32 to vector<16xi32>
        %add3A_872 = vector.broadcast %add3A_869 : i32 to vector<16xi32>
        %add3A_873 = arith.addi %broadcast_in_dim3A_871, %add3A_872 : vector<16xi32>
        %gather3A_874 = tpu.vector_load_idx %arg13[%add3A_682, %add3A_873] : memref<80x128xf32, #tpu.memory_space<vmem>>[vector<16xi32>, vector<16xi32>], vector<16xf32>,
        %get3A_875 = arith.index_cast %add3A_869 : i32 to index
        %get3A_876 = arith.constant 0 : index
        %get3A_877 = tpu.vector_load %arg14[%get3A_875, %get3A_876] {strides = array<i32>} : memref<128x64xbf16, #tpu.memory_space<vmem>>, vector<32xbf16>,
        %unpack3A_878 = tpu.unpack_subelements %get3A_877, 0 {pack_format = #tpu.pack_format<interleaved>} : vector<32xbf16> -> vector<16xf32>
        %unpack3A_879 = tpu.unpack_subelements %get3A_877, 1 {pack_format = #tpu.pack_format<interleaved>} : vector<32xbf16> -> vector<16xf32>
        %mul3A_880 = arith.mulf %unpack3A_878, %gather3A_874 : vector<16xf32>
        %swap3A_881 = arith.index_cast %add3A_869 : i32 to index
        %swap3A_882 = arith.constant 0 : index
        %swap3A_883 = tpu.vector_load %arg16[%swap3A_881, %swap3A_882] {strides = array<i32>} : memref<128x64xf32, #tpu.memory_space<vmem>>, vector<16xf32>,
        tpu.vector_store %arg16[%swap3A_881, %swap3A_882], %mul3A_880 {strides = array<i32>} : memref<128x64xf32, #tpu.memory_space<vmem>>, vector<16xf32>,
        %mul3A_884 = arith.mulf %unpack3A_879, %gather3A_874 : vector<16xf32>
        %swap3A_885 = arith.index_cast %add3A_869 : i32 to index
        %swap3A_886 = arith.constant 16 : index
        %swap3A_887 = tpu.vector_load %arg16[%swap3A_885, %swap3A_886] {strides = array<i32>} : memref<128x64xf32, #tpu.memory_space<vmem>>, vector<16xf32>,
        tpu.vector_store %arg16[%swap3A_885, %swap3A_886], %mul3A_884 {strides = array<i32>} : memref<128x64xf32, #tpu.memory_space<vmem>>, vector<16xf32>,
        %get3A_888 = arith.index_cast %add3A_869 : i32 to index
        %get3A_889 = arith.constant 32 : index
        %get3A_890 = tpu.vector_load %arg14[%get3A_888, %get3A_889] {strides = array<i32>} : memref<128x64xbf16, #tpu.memory_space<vmem>>, vector<32xbf16>,
        %unpack3A_891 = tpu.unpack_subelements %get3A_890, 0 {pack_format = #tpu.pack_format<interleaved>} : vector<32xbf16> -> vector<16xf32>
        %unpack3A_892 = tpu.unpack_subelements %get3A_890, 1 {pack_format = #tpu.pack_format<interleaved>} : vector<32xbf16> -> vector<16xf32>
        %mul3A_893 = arith.mulf %unpack3A_891, %gather3A_874 : vector<16xf32>
        %swap3A_894 = arith.index_cast %add3A_869 : i32 to index
        %swap3A_895 = arith.constant 32 : index
        %swap3A_896 = tpu.vector_load %arg16[%swap3A_894, %swap3A_895] {strides = array<i32>} : memref<128x64xf32, #tpu.memory_space<vmem>>, vector<16xf32>,
        tpu.vector_store %arg16[%swap3A_894, %swap3A_895], %mul3A_893 {strides = array<i32>} : memref<128x64xf32, #tpu.memory_space<vmem>>, vector<16xf32>,
        %mul3A_897 = arith.mulf %unpack3A_892, %gather3A_874 : vector<16xf32>
        %swap3A_898 = arith.index_cast %add3A_869 : i32 to index
        %swap3A_899 = arith.constant 48 : index
        %swap3A_900 = tpu.vector_load %arg16[%swap3A_898, %swap3A_899] {strides = array<i32>} : memref<128x64xf32, #tpu.memory_space<vmem>>, vector<16xf32>,
        tpu.vector_store %arg16[%swap3A_898, %swap3A_899], %mul3A_897 {strides = array<i32>} : memref<128x64xf32, #tpu.memory_space<vmem>>, vector<16xf32>,
      }
      %scan3A_687 = arith.constant 128 : i32
      %add3A_688 = arith.constant 0 : i32
      %add3A_689 = arith.addi %add3A_626, %add3A_688 : i32
      %add3A_690 = arith.constant 2 : i32
      %add3A_691 = arith.addi %add3A_689, %add3A_690 : i32
      %lt3A_692 = arith.constant 80 : i32
      %lt3A_693 = arith.cmpi slt, %add3A_691, %lt3A_692 : i32
      %convert_element_type3A_694 = arith.extui %lt3A_693 : i1 to i32
      %cond3A_695 = arith.constant 0 : i32
      %cond3A_696 = arith.cmpi ne, %convert_element_type3A_694, %cond3A_695 : i32
      scf.if %cond3A_696 {
        %add3A_755 = arith.constant 0 : i32
        %add3A_756 = arith.addi %add3A_626, %add3A_755 : i32
        %add3A_757 = arith.constant 2 : i32
        %add3A_758 = arith.addi %add3A_756, %add3A_757 : i32
        %dma_start3A_759 = arith.constant 0 : i32
        %dma_start3A_760 = tpu.memref_slice %arg10[%add3A_758, %dma_start3A_759] : memref<80x128xi32, #tpu.memory_space<vmem>> -> memref<1x128xi32, #tpu.memory_space<vmem>>
        %dma_start3A_761 = tpu.memref_squeeze %dma_start3A_760 : memref<1x128xi32, #tpu.memory_space<vmem>> -> memref<128xi32, #tpu.memory_space<vmem>>
        %dma_start3A_762 = arith.constant 0 : i32
        %dma_start3A_763 = arith.constant 0 : i32
        %dma_start3A_764 = tpu.memref_slice %arg6[%dma_start3A_762, %dma_start3A_763] : memref<10000x64xbf16, #tpu.memory_space<hbm>> -> memref<10000x64xbf16, #tpu.memory_space<hbm>>
        tpu.enqueue_indirect_dma source(%dma_start3A_764 : memref<10000x64xbf16, #tpu.memory_space<hbm>>) target(%arg14 : memref<128x64xbf16, #tpu.memory_space<vmem>>) offsets(%dma_start3A_761 : memref<128xi32, #tpu.memory_space<vmem>>) semaphore(%arg22 : memref<!tpu.dma_semaphore, #tpu.memory_space<semaphore_mem>>)
      } else {
      }
      %add3A_697 = arith.constant 0 : i32
      %add3A_698 = arith.addi %add3A_626, %add3A_697 : i32
      %dma_start3A_699 = arith.constant 0 : i32
      %dma_start3A_700 = tpu.memref_slice %arg9[%add3A_698, %dma_start3A_699] : memref<80x128xi32, #tpu.memory_space<vmem>> -> memref<1x128xi32, #tpu.memory_space<vmem>>
      %dma_start3A_701 = tpu.memref_squeeze %dma_start3A_700 : memref<1x128xi32, #tpu.memory_space<vmem>> -> memref<128xi32, #tpu.memory_space<vmem>>
      %dma_start3A_702 = arith.constant 0 : i32
      %dma_start3A_703 = arith.constant 0 : i32
      %dma_start3A_704 = tpu.memref_slice %arg20[%dma_start3A_702, %dma_start3A_703] : memref<10000x64xf32, #tpu.memory_space<vmem_shared>> -> memref<10000x64xf32, #tpu.memory_space<vmem_shared>>
      tpu.enqueue_indirect_dma source(%arg16 : memref<128x64xf32, #tpu.memory_space<vmem>>) target(%dma_start3A_704 : memref<10000x64xf32, #tpu.memory_space<vmem_shared>>) offsets(%dma_start3A_701 : memref<128xi32, #tpu.memory_space<vmem>>) semaphore(%arg24 : memref<!tpu.dma_semaphore, #tpu.memory_space<semaphore_mem>>) {add = true}
      %add3A_705 = arith.constant 1 : i32
      %add3A_706 = arith.addi %add3A_626, %add3A_705 : i32
      %dma_wait3A_707 = arith.constant 0 : i32
      %dma_wait3A_708 = tpu.memref_slice %arg10[%add3A_706, %dma_wait3A_707] : memref<80x128xi32, #tpu.memory_space<vmem>> -> memref<1x128xi32, #tpu.memory_space<vmem>>
      %dma_wait3A_709 = tpu.memref_squeeze %dma_wait3A_708 : memref<1x128xi32, #tpu.memory_space<vmem>> -> memref<128xi32, #tpu.memory_space<vmem>>
      %dma_wait3A_710 = arith.constant 0 : i32
      %dma_wait3A_711 = arith.constant 0 : i32
      %dma_wait3A_712 = tpu.memref_slice %arg6[%dma_wait3A_710, %dma_wait3A_711] : memref<10000x64xbf16, #tpu.memory_space<hbm>> -> memref<10000x64xbf16, #tpu.memory_space<hbm>>
      tpu.wait_indirect_dma semaphore(%arg23 : memref<!tpu.dma_semaphore, #tpu.memory_space<semaphore_mem>>) src(%dma_wait3A_712 : memref<10000x64xbf16, #tpu.memory_space<hbm>>) dst(%arg15 : memref<128x64xbf16, #tpu.memory_space<vmem>>)
      %gt3A_713 = arith.constant 0 : i32
      %gt3A_714 = arith.cmpi sgt, %add3A_626, %gt3A_713 : i32
      %convert_element_type3A_715 = arith.extui %gt3A_714 : i1 to i32
      %cond3A_716 = arith.constant 0 : i32
      %cond3A_717 = arith.cmpi ne, %convert_element_type3A_715, %cond3A_716 : i32
      scf.if %cond3A_717 {
        %dma_wait3A_755 = arith.constant 0 : i32
        %dma_wait3A_756 = tpu.memref_slice %arg9[%add3A_626, %dma_wait3A_755] : memref<80x128xi32, #tpu.memory_space<vmem>> -> memref<1x128xi32, #tpu.memory_space<vmem>>
        %dma_wait3A_757 = tpu.memref_squeeze %dma_wait3A_756 : memref<1x128xi32, #tpu.memory_space<vmem>> -> memref<128xi32, #tpu.memory_space<vmem>>
        %dma_wait3A_758 = arith.constant 0 : i32
        %dma_wait3A_759 = arith.constant 0 : i32
        %dma_wait3A_760 = tpu.memref_slice %arg20[%dma_wait3A_758, %dma_wait3A_759] : memref<10000x64xf32, #tpu.memory_space<vmem_shared>> -> memref<10000x64xf32, #tpu.memory_space<vmem_shared>>
        tpu.wait_indirect_dma semaphore(%arg25 : memref<!tpu.dma_semaphore, #tpu.memory_space<semaphore_mem>>) src(%arg17 : memref<128x64xf32, #tpu.memory_space<vmem>>) dst(%dma_wait3A_760 : memref<10000x64xf32, #tpu.memory_space<vmem_shared>>)
      } else {
      }
      %add3A_718 = arith.constant 1 : i32
      %add3A_719 = arith.addi %add3A_626, %add3A_718 : i32
      %add3A_720 = arith.constant 2 : i32
      %add3A_721 = arith.addi %add3A_719, %add3A_720 : i32
      %lt3A_722 = arith.constant 80 : i32
      %lt3A_723 = arith.cmpi slt, %add3A_721, %lt3A_722 : i32
      %convert_element_type3A_724 = arith.extui %lt3A_723 : i1 to i32
      %cond3A_725 = arith.constant 0 : i32
      %cond3A_726 = arith.cmpi ne, %convert_element_type3A_724, %cond3A_725 : i32
      scf.if %cond3A_726 {
        %add3A_755 = arith.constant 1 : i32
        %add3A_756 = arith.addi %add3A_626, %add3A_755 : i32
        %add3A_757 = arith.constant 2 : i32
        %add3A_758 = arith.addi %add3A_756, %add3A_757 : i32
        %get3A_759 = arith.index_cast %add3A_758 : i32 to index
        %get3A_760 = arith.constant 0 : index
        %get3A_761 = tpu.vector_load %arg9[%get3A_759, %get3A_760] {strides = array<i32>} : memref<80x128xi32, #tpu.memory_space<vmem>>, vector<16xi32>,
        %get3A_762 = arith.index_cast %add3A_758 : i32 to index
        %get3A_763 = arith.constant 0 : index
        %get3A_764 = tpu.vector_load %arg10[%get3A_762, %get3A_763] {strides = array<i32>} : memref<80x128xi32, #tpu.memory_space<vmem>>, vector<16xi32>,
        %gather3A_765 = tpu.vector_load_idx %arg11[%get3A_761] : memref<10000xf32, #tpu.memory_space<vmem>>[vector<16xi32>], vector<16xf32>,
        %gather3A_766 = tpu.vector_load_idx %arg12[%get3A_764] : memref<10000xf32, #tpu.memory_space<vmem>>[vector<16xi32>], vector<16xf32>,
        %add3A_767 = arith.addf %gather3A_765, %gather3A_766 : vector<16xf32>
        %ge3A_768 = arith.constant 0.000000e+00 : f32
        %ge3A_769 = vector.broadcast %ge3A_768 : f32 to vector<16xf32>
        %ge3A_770 = arith.cmpf oge, %add3A_767, %ge3A_769 : vector<16xf32>
        %mul3A_771 = arith.constant 2.000000e-01 : f32
        %mul3A_772 = vector.broadcast %mul3A_771 : f32 to vector<16xf32>
        %mul3A_773 = arith.mulf %mul3A_772, %add3A_767 : vector<16xf32>
        %select_n3A_774 = arith.select %ge3A_770, %add3A_767, %mul3A_773 : vector<16xi1>, vector<16xf32>
        %sub3A_775 = arith.constant 1.000000e+00 : f32
        %sub3A_776 = vector.broadcast %sub3A_775 : f32 to vector<16xf32>
        %sub3A_777 = arith.subf %select_n3A_774, %sub3A_776 : vector<16xf32>
        %exp3A_778 = math.exp %sub3A_777 : vector<16xf32>
        %mul3A_779 = arith.constant 128 : i32
        %mul3A_780 = arith.muli %add3A_758, %mul3A_779 : i32
        %add3A_781 = arith.constant 0 : i32
        %add3A_782 = arith.addi %mul3A_780, %add3A_781 : i32
        %add3A_783 = vector.broadcast %add3A_782 : i32 to vector<16xi32>
        %add3A_784 = arith.addi %add3A_783, %iota3A : vector<16xi32>
        %lt3A_785 = arith.constant 10000 : i32
        %lt3A_786 = vector.broadcast %lt3A_785 : i32 to vector<16xi32>
        %lt3A_787 = arith.cmpi slt, %add3A_784, %lt3A_786 : vector<16xi32>
        %jit3A_788 = arith.constant 0.000000e+00 : f32
        %broadcast_in_dim3A_789 = vector.broadcast %jit3A_788 : f32 to vector<16xf32>
        %select_n3A_790 = arith.select %lt3A_787, %exp3A_778, %broadcast_in_dim3A_789 : vector<16xi1>, vector<16xf32>
        %swap3A_791 = arith.index_cast %add3A_758 : i32 to index
        %swap3A_792 = arith.constant 0 : index
        %swap3A_793 = tpu.vector_load %arg13[%swap3A_791, %swap3A_792] {strides = array<i32>} : memref<80x128xf32, #tpu.memory_space<vmem>>, vector<16xf32>,
        tpu.vector_store %arg13[%swap3A_791, %swap3A_792], %select_n3A_790 {strides = array<i32>} : memref<80x128xf32, #tpu.memory_space<vmem>>, vector<16xf32>,
        %get3A_794 = arith.index_cast %add3A_758 : i32 to index
        %get3A_795 = arith.constant 16 : index
        %get3A_796 = tpu.vector_load %arg9[%get3A_794, %get3A_795] {strides = array<i32>} : memref<80x128xi32, #tpu.memory_space<vmem>>, vector<16xi32>,
        %get3A_797 = arith.index_cast %add3A_758 : i32 to index
        %get3A_798 = arith.constant 16 : index
        %get3A_799 = tpu.vector_load %arg10[%get3A_797, %get3A_798] {strides = array<i32>} : memref<80x128xi32, #tpu.memory_space<vmem>>, vector<16xi32>,
        %gather3A_800 = tpu.vector_load_idx %arg11[%get3A_796] : memref<10000xf32, #tpu.memory_space<vmem>>[vector<16xi32>], vector<16xf32>,
        %gather3A_801 = tpu.vector_load_idx %arg12[%get3A_799] : memref<10000xf32, #tpu.memory_space<vmem>>[vector<16xi32>], vector<16xf32>,
        %add3A_802 = arith.addf %gather3A_800, %gather3A_801 : vector<16xf32>
        %ge3A_803 = arith.constant 0.000000e+00 : f32
        %ge3A_804 = vector.broadcast %ge3A_803 : f32 to vector<16xf32>
        %ge3A_805 = arith.cmpf oge, %add3A_802, %ge3A_804 : vector<16xf32>
        %mul3A_806 = arith.constant 2.000000e-01 : f32
        %mul3A_807 = vector.broadcast %mul3A_806 : f32 to vector<16xf32>
        %mul3A_808 = arith.mulf %mul3A_807, %add3A_802 : vector<16xf32>
        %select_n3A_809 = arith.select %ge3A_805, %add3A_802, %mul3A_808 : vector<16xi1>, vector<16xf32>
        %sub3A_810 = arith.constant 1.000000e+00 : f32
        %sub3A_811 = vector.broadcast %sub3A_810 : f32 to vector<16xf32>
        %sub3A_812 = arith.subf %select_n3A_809, %sub3A_811 : vector<16xf32>
        %exp3A_813 = math.exp %sub3A_812 : vector<16xf32>
        %mul3A_814 = arith.constant 128 : i32
        %mul3A_815 = arith.muli %add3A_758, %mul3A_814 : i32
        %add3A_816 = arith.constant 16 : i32
        %add3A_817 = arith.addi %mul3A_815, %add3A_816 : i32
        %add3A_818 = vector.broadcast %add3A_817 : i32 to vector<16xi32>
        %add3A_819 = arith.addi %add3A_818, %iota3A : vector<16xi32>
        %lt3A_820 = arith.constant 10000 : i32
        %lt3A_821 = vector.broadcast %lt3A_820 : i32 to vector<16xi32>
        %lt3A_822 = arith.cmpi slt, %add3A_819, %lt3A_821 : vector<16xi32>
        %jit3A_823 = arith.constant 0.000000e+00 : f32
        %broadcast_in_dim3A_824 = vector.broadcast %jit3A_823 : f32 to vector<16xf32>
        %select_n3A_825 = arith.select %lt3A_822, %exp3A_813, %broadcast_in_dim3A_824 : vector<16xi1>, vector<16xf32>
        %swap3A_826 = arith.index_cast %add3A_758 : i32 to index
        %swap3A_827 = arith.constant 16 : index
        %swap3A_828 = tpu.vector_load %arg13[%swap3A_826, %swap3A_827] {strides = array<i32>} : memref<80x128xf32, #tpu.memory_space<vmem>>, vector<16xf32>,
        tpu.vector_store %arg13[%swap3A_826, %swap3A_827], %select_n3A_825 {strides = array<i32>} : memref<80x128xf32, #tpu.memory_space<vmem>>, vector<16xf32>,
        %get3A_829 = arith.index_cast %add3A_758 : i32 to index
        %get3A_830 = arith.constant 32 : index
        %get3A_831 = tpu.vector_load %arg9[%get3A_829, %get3A_830] {strides = array<i32>} : memref<80x128xi32, #tpu.memory_space<vmem>>, vector<16xi32>,
        %get3A_832 = arith.index_cast %add3A_758 : i32 to index
        %get3A_833 = arith.constant 32 : index
        %get3A_834 = tpu.vector_load %arg10[%get3A_832, %get3A_833] {strides = array<i32>} : memref<80x128xi32, #tpu.memory_space<vmem>>, vector<16xi32>,
        %gather3A_835 = tpu.vector_load_idx %arg11[%get3A_831] : memref<10000xf32, #tpu.memory_space<vmem>>[vector<16xi32>], vector<16xf32>,
        %gather3A_836 = tpu.vector_load_idx %arg12[%get3A_834] : memref<10000xf32, #tpu.memory_space<vmem>>[vector<16xi32>], vector<16xf32>,
        %add3A_837 = arith.addf %gather3A_835, %gather3A_836 : vector<16xf32>
        %ge3A_838 = arith.constant 0.000000e+00 : f32
        %ge3A_839 = vector.broadcast %ge3A_838 : f32 to vector<16xf32>
        %ge3A_840 = arith.cmpf oge, %add3A_837, %ge3A_839 : vector<16xf32>
        %mul3A_841 = arith.constant 2.000000e-01 : f32
        %mul3A_842 = vector.broadcast %mul3A_841 : f32 to vector<16xf32>
        %mul3A_843 = arith.mulf %mul3A_842, %add3A_837 : vector<16xf32>
        %select_n3A_844 = arith.select %ge3A_840, %add3A_837, %mul3A_843 : vector<16xi1>, vector<16xf32>
        %sub3A_845 = arith.constant 1.000000e+00 : f32
        %sub3A_846 = vector.broadcast %sub3A_845 : f32 to vector<16xf32>
        %sub3A_847 = arith.subf %select_n3A_844, %sub3A_846 : vector<16xf32>
        %exp3A_848 = math.exp %sub3A_847 : vector<16xf32>
        %mul3A_849 = arith.constant 128 : i32
        %mul3A_850 = arith.muli %add3A_758, %mul3A_849 : i32
        %add3A_851 = arith.constant 32 : i32
        %add3A_852 = arith.addi %mul3A_850, %add3A_851 : i32
        %add3A_853 = vector.broadcast %add3A_852 : i32 to vector<16xi32>
        %add3A_854 = arith.addi %add3A_853, %iota3A : vector<16xi32>
        %lt3A_855 = arith.constant 10000 : i32
        %lt3A_856 = vector.broadcast %lt3A_855 : i32 to vector<16xi32>
        %lt3A_857 = arith.cmpi slt, %add3A_854, %lt3A_856 : vector<16xi32>
        %jit3A_858 = arith.constant 0.000000e+00 : f32
        %broadcast_in_dim3A_859 = vector.broadcast %jit3A_858 : f32 to vector<16xf32>
        %select_n3A_860 = arith.select %lt3A_857, %exp3A_848, %broadcast_in_dim3A_859 : vector<16xi1>, vector<16xf32>
        %swap3A_861 = arith.index_cast %add3A_758 : i32 to index
        %swap3A_862 = arith.constant 32 : index
        %swap3A_863 = tpu.vector_load %arg13[%swap3A_861, %swap3A_862] {strides = array<i32>} : memref<80x128xf32, #tpu.memory_space<vmem>>, vector<16xf32>,
        tpu.vector_store %arg13[%swap3A_861, %swap3A_862], %select_n3A_860 {strides = array<i32>} : memref<80x128xf32, #tpu.memory_space<vmem>>, vector<16xf32>,
        %get3A_864 = arith.index_cast %add3A_758 : i32 to index
        %get3A_865 = arith.constant 48 : index
        %get3A_866 = tpu.vector_load %arg9[%get3A_864, %get3A_865] {strides = array<i32>} : memref<80x128xi32, #tpu.memory_space<vmem>>, vector<16xi32>,
        %get3A_867 = arith.index_cast %add3A_758 : i32 to index
        %get3A_868 = arith.constant 48 : index
        %get3A_869 = tpu.vector_load %arg10[%get3A_867, %get3A_868] {strides = array<i32>} : memref<80x128xi32, #tpu.memory_space<vmem>>, vector<16xi32>,
        %gather3A_870 = tpu.vector_load_idx %arg11[%get3A_866] : memref<10000xf32, #tpu.memory_space<vmem>>[vector<16xi32>], vector<16xf32>,
        %gather3A_871 = tpu.vector_load_idx %arg12[%get3A_869] : memref<10000xf32, #tpu.memory_space<vmem>>[vector<16xi32>], vector<16xf32>,
        %add3A_872 = arith.addf %gather3A_870, %gather3A_871 : vector<16xf32>
        %ge3A_873 = arith.constant 0.000000e+00 : f32
        %ge3A_874 = vector.broadcast %ge3A_873 : f32 to vector<16xf32>
        %ge3A_875 = arith.cmpf oge, %add3A_872, %ge3A_874 : vector<16xf32>
        %mul3A_876 = arith.constant 2.000000e-01 : f32
        %mul3A_877 = vector.broadcast %mul3A_876 : f32 to vector<16xf32>
        %mul3A_878 = arith.mulf %mul3A_877, %add3A_872 : vector<16xf32>
        %select_n3A_879 = arith.select %ge3A_875, %add3A_872, %mul3A_878 : vector<16xi1>, vector<16xf32>
        %sub3A_880 = arith.constant 1.000000e+00 : f32
        %sub3A_881 = vector.broadcast %sub3A_880 : f32 to vector<16xf32>
        %sub3A_882 = arith.subf %select_n3A_879, %sub3A_881 : vector<16xf32>
        %exp3A_883 = math.exp %sub3A_882 : vector<16xf32>
        %mul3A_884 = arith.constant 128 : i32
        %mul3A_885 = arith.muli %add3A_758, %mul3A_884 : i32
        %add3A_886 = arith.constant 48 : i32
        %add3A_887 = arith.addi %mul3A_885, %add3A_886 : i32
        %add3A_888 = vector.broadcast %add3A_887 : i32 to vector<16xi32>
        %add3A_889 = arith.addi %add3A_888, %iota3A : vector<16xi32>
        %lt3A_890 = arith.constant 10000 : i32
        %lt3A_891 = vector.broadcast %lt3A_890 : i32 to vector<16xi32>
        %lt3A_892 = arith.cmpi slt, %add3A_889, %lt3A_891 : vector<16xi32>
        %jit3A_893 = arith.constant 0.000000e+00 : f32
        %broadcast_in_dim3A_894 = vector.broadcast %jit3A_893 : f32 to vector<16xf32>
        %select_n3A_895 = arith.select %lt3A_892, %exp3A_883, %broadcast_in_dim3A_894 : vector<16xi1>, vector<16xf32>
        %swap3A_896 = arith.index_cast %add3A_758 : i32 to index
        %swap3A_897 = arith.constant 48 : index
        %swap3A_898 = tpu.vector_load %arg13[%swap3A_896, %swap3A_897] {strides = array<i32>} : memref<80x128xf32, #tpu.memory_space<vmem>>, vector<16xf32>,
        tpu.vector_store %arg13[%swap3A_896, %swap3A_897], %select_n3A_895 {strides = array<i32>} : memref<80x128xf32, #tpu.memory_space<vmem>>, vector<16xf32>,
        %get3A_899 = arith.index_cast %add3A_758 : i32 to index
        %get3A_900 = arith.constant 64 : index
        %get3A_901 = tpu.vector_load %arg9[%get3A_899, %get3A_900] {strides = array<i32>} : memref<80x128xi32, #tpu.memory_space<vmem>>, vector<16xi32>,
        %get3A_902 = arith.index_cast %add3A_758 : i32 to index
        %get3A_903 = arith.constant 64 : index
        %get3A_904 = tpu.vector_load %arg10[%get3A_902, %get3A_903] {strides = array<i32>} : memref<80x128xi32, #tpu.memory_space<vmem>>, vector<16xi32>,
        %gather3A_905 = tpu.vector_load_idx %arg11[%get3A_901] : memref<10000xf32, #tpu.memory_space<vmem>>[vector<16xi32>], vector<16xf32>,
        %gather3A_906 = tpu.vector_load_idx %arg12[%get3A_904] : memref<10000xf32, #tpu.memory_space<vmem>>[vector<16xi32>], vector<16xf32>,
        %add3A_907 = arith.addf %gather3A_905, %gather3A_906 : vector<16xf32>
        %ge3A_908 = arith.constant 0.000000e+00 : f32
        %ge3A_909 = vector.broadcast %ge3A_908 : f32 to vector<16xf32>
        %ge3A_910 = arith.cmpf oge, %add3A_907, %ge3A_909 : vector<16xf32>
        %mul3A_911 = arith.constant 2.000000e-01 : f32
        %mul3A_912 = vector.broadcast %mul3A_911 : f32 to vector<16xf32>
        %mul3A_913 = arith.mulf %mul3A_912, %add3A_907 : vector<16xf32>
        %select_n3A_914 = arith.select %ge3A_910, %add3A_907, %mul3A_913 : vector<16xi1>, vector<16xf32>
        %sub3A_915 = arith.constant 1.000000e+00 : f32
        %sub3A_916 = vector.broadcast %sub3A_915 : f32 to vector<16xf32>
        %sub3A_917 = arith.subf %select_n3A_914, %sub3A_916 : vector<16xf32>
        %exp3A_918 = math.exp %sub3A_917 : vector<16xf32>
        %mul3A_919 = arith.constant 128 : i32
        %mul3A_920 = arith.muli %add3A_758, %mul3A_919 : i32
        %add3A_921 = arith.constant 64 : i32
        %add3A_922 = arith.addi %mul3A_920, %add3A_921 : i32
        %add3A_923 = vector.broadcast %add3A_922 : i32 to vector<16xi32>
        %add3A_924 = arith.addi %add3A_923, %iota3A : vector<16xi32>
        %lt3A_925 = arith.constant 10000 : i32
        %lt3A_926 = vector.broadcast %lt3A_925 : i32 to vector<16xi32>
        %lt3A_927 = arith.cmpi slt, %add3A_924, %lt3A_926 : vector<16xi32>
        %jit3A_928 = arith.constant 0.000000e+00 : f32
        %broadcast_in_dim3A_929 = vector.broadcast %jit3A_928 : f32 to vector<16xf32>
        %select_n3A_930 = arith.select %lt3A_927, %exp3A_918, %broadcast_in_dim3A_929 : vector<16xi1>, vector<16xf32>
        %swap3A_931 = arith.index_cast %add3A_758 : i32 to index
        %swap3A_932 = arith.constant 64 : index
        %swap3A_933 = tpu.vector_load %arg13[%swap3A_931, %swap3A_932] {strides = array<i32>} : memref<80x128xf32, #tpu.memory_space<vmem>>, vector<16xf32>,
        tpu.vector_store %arg13[%swap3A_931, %swap3A_932], %select_n3A_930 {strides = array<i32>} : memref<80x128xf32, #tpu.memory_space<vmem>>, vector<16xf32>,
        %get3A_934 = arith.index_cast %add3A_758 : i32 to index
        %get3A_935 = arith.constant 80 : index
        %get3A_936 = tpu.vector_load %arg9[%get3A_934, %get3A_935] {strides = array<i32>} : memref<80x128xi32, #tpu.memory_space<vmem>>, vector<16xi32>,
        %get3A_937 = arith.index_cast %add3A_758 : i32 to index
        %get3A_938 = arith.constant 80 : index
        %get3A_939 = tpu.vector_load %arg10[%get3A_937, %get3A_938] {strides = array<i32>} : memref<80x128xi32, #tpu.memory_space<vmem>>, vector<16xi32>,
        %gather3A_940 = tpu.vector_load_idx %arg11[%get3A_936] : memref<10000xf32, #tpu.memory_space<vmem>>[vector<16xi32>], vector<16xf32>,
        %gather3A_941 = tpu.vector_load_idx %arg12[%get3A_939] : memref<10000xf32, #tpu.memory_space<vmem>>[vector<16xi32>], vector<16xf32>,
        %add3A_942 = arith.addf %gather3A_940, %gather3A_941 : vector<16xf32>
        %ge3A_943 = arith.constant 0.000000e+00 : f32
        %ge3A_944 = vector.broadcast %ge3A_943 : f32 to vector<16xf32>
        %ge3A_945 = arith.cmpf oge, %add3A_942, %ge3A_944 : vector<16xf32>
        %mul3A_946 = arith.constant 2.000000e-01 : f32
        %mul3A_947 = vector.broadcast %mul3A_946 : f32 to vector<16xf32>
        %mul3A_948 = arith.mulf %mul3A_947, %add3A_942 : vector<16xf32>
        %select_n3A_949 = arith.select %ge3A_945, %add3A_942, %mul3A_948 : vector<16xi1>, vector<16xf32>
        %sub3A_950 = arith.constant 1.000000e+00 : f32
        %sub3A_951 = vector.broadcast %sub3A_950 : f32 to vector<16xf32>
        %sub3A_952 = arith.subf %select_n3A_949, %sub3A_951 : vector<16xf32>
        %exp3A_953 = math.exp %sub3A_952 : vector<16xf32>
        %mul3A_954 = arith.constant 128 : i32
        %mul3A_955 = arith.muli %add3A_758, %mul3A_954 : i32
        %add3A_956 = arith.constant 80 : i32
        %add3A_957 = arith.addi %mul3A_955, %add3A_956 : i32
        %add3A_958 = vector.broadcast %add3A_957 : i32 to vector<16xi32>
        %add3A_959 = arith.addi %add3A_958, %iota3A : vector<16xi32>
        %lt3A_960 = arith.constant 10000 : i32
        %lt3A_961 = vector.broadcast %lt3A_960 : i32 to vector<16xi32>
        %lt3A_962 = arith.cmpi slt, %add3A_959, %lt3A_961 : vector<16xi32>
        %jit3A_963 = arith.constant 0.000000e+00 : f32
        %broadcast_in_dim3A_964 = vector.broadcast %jit3A_963 : f32 to vector<16xf32>
        %select_n3A_965 = arith.select %lt3A_962, %exp3A_953, %broadcast_in_dim3A_964 : vector<16xi1>, vector<16xf32>
        %swap3A_966 = arith.index_cast %add3A_758 : i32 to index
        %swap3A_967 = arith.constant 80 : index
        %swap3A_968 = tpu.vector_load %arg13[%swap3A_966, %swap3A_967] {strides = array<i32>} : memref<80x128xf32, #tpu.memory_space<vmem>>, vector<16xf32>,
        tpu.vector_store %arg13[%swap3A_966, %swap3A_967], %select_n3A_965 {strides = array<i32>} : memref<80x128xf32, #tpu.memory_space<vmem>>, vector<16xf32>,
        %get3A_969 = arith.index_cast %add3A_758 : i32 to index
        %get3A_970 = arith.constant 96 : index
        %get3A_971 = tpu.vector_load %arg9[%get3A_969, %get3A_970] {strides = array<i32>} : memref<80x128xi32, #tpu.memory_space<vmem>>, vector<16xi32>,
        %get3A_972 = arith.index_cast %add3A_758 : i32 to index
        %get3A_973 = arith.constant 96 : index
        %get3A_974 = tpu.vector_load %arg10[%get3A_972, %get3A_973] {strides = array<i32>} : memref<80x128xi32, #tpu.memory_space<vmem>>, vector<16xi32>,
        %gather3A_975 = tpu.vector_load_idx %arg11[%get3A_971] : memref<10000xf32, #tpu.memory_space<vmem>>[vector<16xi32>], vector<16xf32>,
        %gather3A_976 = tpu.vector_load_idx %arg12[%get3A_974] : memref<10000xf32, #tpu.memory_space<vmem>>[vector<16xi32>], vector<16xf32>,
        %add3A_977 = arith.addf %gather3A_975, %gather3A_976 : vector<16xf32>
        %ge3A_978 = arith.constant 0.000000e+00 : f32
        %ge3A_979 = vector.broadcast %ge3A_978 : f32 to vector<16xf32>
        %ge3A_980 = arith.cmpf oge, %add3A_977, %ge3A_979 : vector<16xf32>
        %mul3A_981 = arith.constant 2.000000e-01 : f32
        %mul3A_982 = vector.broadcast %mul3A_981 : f32 to vector<16xf32>
        %mul3A_983 = arith.mulf %mul3A_982, %add3A_977 : vector<16xf32>
        %select_n3A_984 = arith.select %ge3A_980, %add3A_977, %mul3A_983 : vector<16xi1>, vector<16xf32>
        %sub3A_985 = arith.constant 1.000000e+00 : f32
        %sub3A_986 = vector.broadcast %sub3A_985 : f32 to vector<16xf32>
        %sub3A_987 = arith.subf %select_n3A_984, %sub3A_986 : vector<16xf32>
        %exp3A_988 = math.exp %sub3A_987 : vector<16xf32>
        %mul3A_989 = arith.constant 128 : i32
        %mul3A_990 = arith.muli %add3A_758, %mul3A_989 : i32
        %add3A_991 = arith.constant 96 : i32
        %add3A_992 = arith.addi %mul3A_990, %add3A_991 : i32
        %add3A_993 = vector.broadcast %add3A_992 : i32 to vector<16xi32>
        %add3A_994 = arith.addi %add3A_993, %iota3A : vector<16xi32>
        %lt3A_995 = arith.constant 10000 : i32
        %lt3A_996 = vector.broadcast %lt3A_995 : i32 to vector<16xi32>
        %lt3A_997 = arith.cmpi slt, %add3A_994, %lt3A_996 : vector<16xi32>
        %jit3A_998 = arith.constant 0.000000e+00 : f32
        %broadcast_in_dim3A_999 = vector.broadcast %jit3A_998 : f32 to vector<16xf32>
        %select_n3A_1000 = arith.select %lt3A_997, %exp3A_988, %broadcast_in_dim3A_999 : vector<16xi1>, vector<16xf32>
        %swap3A_1001 = arith.index_cast %add3A_758 : i32 to index
        %swap3A_1002 = arith.constant 96 : index
        %swap3A_1003 = tpu.vector_load %arg13[%swap3A_1001, %swap3A_1002] {strides = array<i32>} : memref<80x128xf32, #tpu.memory_space<vmem>>, vector<16xf32>,
        tpu.vector_store %arg13[%swap3A_1001, %swap3A_1002], %select_n3A_1000 {strides = array<i32>} : memref<80x128xf32, #tpu.memory_space<vmem>>, vector<16xf32>,
        %get3A_1004 = arith.index_cast %add3A_758 : i32 to index
        %get3A_1005 = arith.constant 112 : index
        %get3A_1006 = tpu.vector_load %arg9[%get3A_1004, %get3A_1005] {strides = array<i32>} : memref<80x128xi32, #tpu.memory_space<vmem>>, vector<16xi32>,
        %get3A_1007 = arith.index_cast %add3A_758 : i32 to index
        %get3A_1008 = arith.constant 112 : index
        %get3A_1009 = tpu.vector_load %arg10[%get3A_1007, %get3A_1008] {strides = array<i32>} : memref<80x128xi32, #tpu.memory_space<vmem>>, vector<16xi32>,
        %gather3A_1010 = tpu.vector_load_idx %arg11[%get3A_1006] : memref<10000xf32, #tpu.memory_space<vmem>>[vector<16xi32>], vector<16xf32>,
        %gather3A_1011 = tpu.vector_load_idx %arg12[%get3A_1009] : memref<10000xf32, #tpu.memory_space<vmem>>[vector<16xi32>], vector<16xf32>,
        %add3A_1012 = arith.addf %gather3A_1010, %gather3A_1011 : vector<16xf32>
        %ge3A_1013 = arith.constant 0.000000e+00 : f32
        %ge3A_1014 = vector.broadcast %ge3A_1013 : f32 to vector<16xf32>
        %ge3A_1015 = arith.cmpf oge, %add3A_1012, %ge3A_1014 : vector<16xf32>
        %mul3A_1016 = arith.constant 2.000000e-01 : f32
        %mul3A_1017 = vector.broadcast %mul3A_1016 : f32 to vector<16xf32>
        %mul3A_1018 = arith.mulf %mul3A_1017, %add3A_1012 : vector<16xf32>
        %select_n3A_1019 = arith.select %ge3A_1015, %add3A_1012, %mul3A_1018 : vector<16xi1>, vector<16xf32>
        %sub3A_1020 = arith.constant 1.000000e+00 : f32
        %sub3A_1021 = vector.broadcast %sub3A_1020 : f32 to vector<16xf32>
        %sub3A_1022 = arith.subf %select_n3A_1019, %sub3A_1021 : vector<16xf32>
        %exp3A_1023 = math.exp %sub3A_1022 : vector<16xf32>
        %mul3A_1024 = arith.constant 128 : i32
        %mul3A_1025 = arith.muli %add3A_758, %mul3A_1024 : i32
        %add3A_1026 = arith.constant 112 : i32
        %add3A_1027 = arith.addi %mul3A_1025, %add3A_1026 : i32
        %add3A_1028 = vector.broadcast %add3A_1027 : i32 to vector<16xi32>
        %add3A_1029 = arith.addi %add3A_1028, %iota3A : vector<16xi32>
        %lt3A_1030 = arith.constant 10000 : i32
        %lt3A_1031 = vector.broadcast %lt3A_1030 : i32 to vector<16xi32>
        %lt3A_1032 = arith.cmpi slt, %add3A_1029, %lt3A_1031 : vector<16xi32>
        %jit3A_1033 = arith.constant 0.000000e+00 : f32
        %broadcast_in_dim3A_1034 = vector.broadcast %jit3A_1033 : f32 to vector<16xf32>
        %select_n3A_1035 = arith.select %lt3A_1032, %exp3A_1023, %broadcast_in_dim3A_1034 : vector<16xi1>, vector<16xf32>
        %swap3A_1036 = arith.index_cast %add3A_758 : i32 to index
        %swap3A_1037 = arith.constant 112 : index
        %swap3A_1038 = tpu.vector_load %arg13[%swap3A_1036, %swap3A_1037] {strides = array<i32>} : memref<80x128xf32, #tpu.memory_space<vmem>>, vector<16xf32>,
        tpu.vector_store %arg13[%swap3A_1036, %swap3A_1037], %select_n3A_1035 {strides = array<i32>} : memref<80x128xf32, #tpu.memory_space<vmem>>, vector<16xf32>,
      } else {
      }
      %add3A_727 = arith.constant 1 : i32
      %add3A_728 = arith.addi %add3A_626, %add3A_727 : i32
      %broadcast_in_dim3A_729 = arith.constant 0 : i32
      %broadcast_in_dim3A_730 = vector.broadcast %broadcast_in_dim3A_729 : i32 to vector<16xi32>
      %add3A_731 = vector.broadcast %add3A_728 : i32 to vector<16xi32>
      %add3A_732 = arith.addi %broadcast_in_dim3A_730, %add3A_731 : vector<16xi32>
      %scan3A_733 = arith.constant 0 : i32
      %scan3A_734 = arith.constant 128 : i32
      %scan3A_735 = arith.addi %scan3A_733, %scan3A_734 : i32
      %scan3A_736 = arith.constant 4 : i32
      scf.for %scan3A_755 = %scan3A_733 to %scan3A_735 step %scan3A_736  : i32 {
        %mul3A_756 = arith.constant 1 : i32
        %mul3A_757 = arith.muli %scan3A_755, %mul3A_756 : i32
        %add3A_758 = arith.constant 0 : i32
        %add3A_759 = arith.addi %add3A_758, %mul3A_757 : i32
        %broadcast_in_dim3A_760 = arith.constant 0 : i32
        %broadcast_in_dim3A_761 = vector.broadcast %broadcast_in_dim3A_760 : i32 to vector<16xi32>
        %add3A_762 = vector.broadcast %add3A_759 : i32 to vector<16xi32>
        %add3A_763 = arith.addi %broadcast_in_dim3A_761, %add3A_762 : vector<16xi32>
        %gather3A_764 = tpu.vector_load_idx %arg13[%add3A_732, %add3A_763] : memref<80x128xf32, #tpu.memory_space<vmem>>[vector<16xi32>, vector<16xi32>], vector<16xf32>,
        %get3A_765 = arith.index_cast %add3A_759 : i32 to index
        %get3A_766 = arith.constant 0 : index
        %get3A_767 = tpu.vector_load %arg15[%get3A_765, %get3A_766] {strides = array<i32>} : memref<128x64xbf16, #tpu.memory_space<vmem>>, vector<32xbf16>,
        %unpack3A = tpu.unpack_subelements %get3A_767, 0 {pack_format = #tpu.pack_format<interleaved>} : vector<32xbf16> -> vector<16xf32>
        %unpack3A_768 = tpu.unpack_subelements %get3A_767, 1 {pack_format = #tpu.pack_format<interleaved>} : vector<32xbf16> -> vector<16xf32>
        %mul3A_769 = arith.mulf %unpack3A, %gather3A_764 : vector<16xf32>
        %swap3A_770 = arith.index_cast %add3A_759 : i32 to index
        %swap3A_771 = arith.constant 0 : index
        %swap3A_772 = tpu.vector_load %arg17[%swap3A_770, %swap3A_771] {strides = array<i32>} : memref<128x64xf32, #tpu.memory_space<vmem>>, vector<16xf32>,
        tpu.vector_store %arg17[%swap3A_770, %swap3A_771], %mul3A_769 {strides = array<i32>} : memref<128x64xf32, #tpu.memory_space<vmem>>, vector<16xf32>,
        %mul3A_773 = arith.mulf %unpack3A_768, %gather3A_764 : vector<16xf32>
        %swap3A_774 = arith.index_cast %add3A_759 : i32 to index
        %swap3A_775 = arith.constant 16 : index
        %swap3A_776 = tpu.vector_load %arg17[%swap3A_774, %swap3A_775] {strides = array<i32>} : memref<128x64xf32, #tpu.memory_space<vmem>>, vector<16xf32>,
        tpu.vector_store %arg17[%swap3A_774, %swap3A_775], %mul3A_773 {strides = array<i32>} : memref<128x64xf32, #tpu.memory_space<vmem>>, vector<16xf32>,
        %get3A_777 = arith.index_cast %add3A_759 : i32 to index
        %get3A_778 = arith.constant 32 : index
        %get3A_779 = tpu.vector_load %arg15[%get3A_777, %get3A_778] {strides = array<i32>} : memref<128x64xbf16, #tpu.memory_space<vmem>>, vector<32xbf16>,
        %unpack3A_780 = tpu.unpack_subelements %get3A_779, 0 {pack_format = #tpu.pack_format<interleaved>} : vector<32xbf16> -> vector<16xf32>
        %unpack3A_781 = tpu.unpack_subelements %get3A_779, 1 {pack_format = #tpu.pack_format<interleaved>} : vector<32xbf16> -> vector<16xf32>
        %mul3A_782 = arith.mulf %unpack3A_780, %gather3A_764 : vector<16xf32>
        %swap3A_783 = arith.index_cast %add3A_759 : i32 to index
        %swap3A_784 = arith.constant 32 : index
        %swap3A_785 = tpu.vector_load %arg17[%swap3A_783, %swap3A_784] {strides = array<i32>} : memref<128x64xf32, #tpu.memory_space<vmem>>, vector<16xf32>,
        tpu.vector_store %arg17[%swap3A_783, %swap3A_784], %mul3A_782 {strides = array<i32>} : memref<128x64xf32, #tpu.memory_space<vmem>>, vector<16xf32>,
        %mul3A_786 = arith.mulf %unpack3A_781, %gather3A_764 : vector<16xf32>
        %swap3A_787 = arith.index_cast %add3A_759 : i32 to index
        %swap3A_788 = arith.constant 48 : index
        %swap3A_789 = tpu.vector_load %arg17[%swap3A_787, %swap3A_788] {strides = array<i32>} : memref<128x64xf32, #tpu.memory_space<vmem>>, vector<16xf32>,
        tpu.vector_store %arg17[%swap3A_787, %swap3A_788], %mul3A_786 {strides = array<i32>} : memref<128x64xf32, #tpu.memory_space<vmem>>, vector<16xf32>,
        %scan3A_790 = arith.constant 1 : i32
        %scan3A_791 = arith.addi %scan3A_755, %scan3A_790 : i32
        %mul3A_792 = arith.constant 1 : i32
        %mul3A_793 = arith.muli %scan3A_791, %mul3A_792 : i32
        %add3A_794 = arith.constant 0 : i32
        %add3A_795 = arith.addi %add3A_794, %mul3A_793 : i32
        %broadcast_in_dim3A_796 = arith.constant 0 : i32
        %broadcast_in_dim3A_797 = vector.broadcast %broadcast_in_dim3A_796 : i32 to vector<16xi32>
        %add3A_798 = vector.broadcast %add3A_795 : i32 to vector<16xi32>
        %add3A_799 = arith.addi %broadcast_in_dim3A_797, %add3A_798 : vector<16xi32>
        %gather3A_800 = tpu.vector_load_idx %arg13[%add3A_732, %add3A_799] : memref<80x128xf32, #tpu.memory_space<vmem>>[vector<16xi32>, vector<16xi32>], vector<16xf32>,
        %get3A_801 = arith.index_cast %add3A_795 : i32 to index
        %get3A_802 = arith.constant 0 : index
        %get3A_803 = tpu.vector_load %arg15[%get3A_801, %get3A_802] {strides = array<i32>} : memref<128x64xbf16, #tpu.memory_space<vmem>>, vector<32xbf16>,
        %unpack3A_804 = tpu.unpack_subelements %get3A_803, 0 {pack_format = #tpu.pack_format<interleaved>} : vector<32xbf16> -> vector<16xf32>
        %unpack3A_805 = tpu.unpack_subelements %get3A_803, 1 {pack_format = #tpu.pack_format<interleaved>} : vector<32xbf16> -> vector<16xf32>
        %mul3A_806 = arith.mulf %unpack3A_804, %gather3A_800 : vector<16xf32>
        %swap3A_807 = arith.index_cast %add3A_795 : i32 to index
        %swap3A_808 = arith.constant 0 : index
        %swap3A_809 = tpu.vector_load %arg17[%swap3A_807, %swap3A_808] {strides = array<i32>} : memref<128x64xf32, #tpu.memory_space<vmem>>, vector<16xf32>,
        tpu.vector_store %arg17[%swap3A_807, %swap3A_808], %mul3A_806 {strides = array<i32>} : memref<128x64xf32, #tpu.memory_space<vmem>>, vector<16xf32>,
        %mul3A_810 = arith.mulf %unpack3A_805, %gather3A_800 : vector<16xf32>
        %swap3A_811 = arith.index_cast %add3A_795 : i32 to index
        %swap3A_812 = arith.constant 16 : index
        %swap3A_813 = tpu.vector_load %arg17[%swap3A_811, %swap3A_812] {strides = array<i32>} : memref<128x64xf32, #tpu.memory_space<vmem>>, vector<16xf32>,
        tpu.vector_store %arg17[%swap3A_811, %swap3A_812], %mul3A_810 {strides = array<i32>} : memref<128x64xf32, #tpu.memory_space<vmem>>, vector<16xf32>,
        %get3A_814 = arith.index_cast %add3A_795 : i32 to index
        %get3A_815 = arith.constant 32 : index
        %get3A_816 = tpu.vector_load %arg15[%get3A_814, %get3A_815] {strides = array<i32>} : memref<128x64xbf16, #tpu.memory_space<vmem>>, vector<32xbf16>,
        %unpack3A_817 = tpu.unpack_subelements %get3A_816, 0 {pack_format = #tpu.pack_format<interleaved>} : vector<32xbf16> -> vector<16xf32>
        %unpack3A_818 = tpu.unpack_subelements %get3A_816, 1 {pack_format = #tpu.pack_format<interleaved>} : vector<32xbf16> -> vector<16xf32>
        %mul3A_819 = arith.mulf %unpack3A_817, %gather3A_800 : vector<16xf32>
        %swap3A_820 = arith.index_cast %add3A_795 : i32 to index
        %swap3A_821 = arith.constant 32 : index
        %swap3A_822 = tpu.vector_load %arg17[%swap3A_820, %swap3A_821] {strides = array<i32>} : memref<128x64xf32, #tpu.memory_space<vmem>>, vector<16xf32>,
        tpu.vector_store %arg17[%swap3A_820, %swap3A_821], %mul3A_819 {strides = array<i32>} : memref<128x64xf32, #tpu.memory_space<vmem>>, vector<16xf32>,
        %mul3A_823 = arith.mulf %unpack3A_818, %gather3A_800 : vector<16xf32>
        %swap3A_824 = arith.index_cast %add3A_795 : i32 to index
        %swap3A_825 = arith.constant 48 : index
        %swap3A_826 = tpu.vector_load %arg17[%swap3A_824, %swap3A_825] {strides = array<i32>} : memref<128x64xf32, #tpu.memory_space<vmem>>, vector<16xf32>,
        tpu.vector_store %arg17[%swap3A_824, %swap3A_825], %mul3A_823 {strides = array<i32>} : memref<128x64xf32, #tpu.memory_space<vmem>>, vector<16xf32>,
        %scan3A_827 = arith.constant 2 : i32
        %scan3A_828 = arith.addi %scan3A_755, %scan3A_827 : i32
        %mul3A_829 = arith.constant 1 : i32
        %mul3A_830 = arith.muli %scan3A_828, %mul3A_829 : i32
        %add3A_831 = arith.constant 0 : i32
        %add3A_832 = arith.addi %add3A_831, %mul3A_830 : i32
        %broadcast_in_dim3A_833 = arith.constant 0 : i32
        %broadcast_in_dim3A_834 = vector.broadcast %broadcast_in_dim3A_833 : i32 to vector<16xi32>
        %add3A_835 = vector.broadcast %add3A_832 : i32 to vector<16xi32>
        %add3A_836 = arith.addi %broadcast_in_dim3A_834, %add3A_835 : vector<16xi32>
        %gather3A_837 = tpu.vector_load_idx %arg13[%add3A_732, %add3A_836] : memref<80x128xf32, #tpu.memory_space<vmem>>[vector<16xi32>, vector<16xi32>], vector<16xf32>,
        %get3A_838 = arith.index_cast %add3A_832 : i32 to index
        %get3A_839 = arith.constant 0 : index
        %get3A_840 = tpu.vector_load %arg15[%get3A_838, %get3A_839] {strides = array<i32>} : memref<128x64xbf16, #tpu.memory_space<vmem>>, vector<32xbf16>,
        %unpack3A_841 = tpu.unpack_subelements %get3A_840, 0 {pack_format = #tpu.pack_format<interleaved>} : vector<32xbf16> -> vector<16xf32>
        %unpack3A_842 = tpu.unpack_subelements %get3A_840, 1 {pack_format = #tpu.pack_format<interleaved>} : vector<32xbf16> -> vector<16xf32>
        %mul3A_843 = arith.mulf %unpack3A_841, %gather3A_837 : vector<16xf32>
        %swap3A_844 = arith.index_cast %add3A_832 : i32 to index
        %swap3A_845 = arith.constant 0 : index
        %swap3A_846 = tpu.vector_load %arg17[%swap3A_844, %swap3A_845] {strides = array<i32>} : memref<128x64xf32, #tpu.memory_space<vmem>>, vector<16xf32>,
        tpu.vector_store %arg17[%swap3A_844, %swap3A_845], %mul3A_843 {strides = array<i32>} : memref<128x64xf32, #tpu.memory_space<vmem>>, vector<16xf32>,
        %mul3A_847 = arith.mulf %unpack3A_842, %gather3A_837 : vector<16xf32>
        %swap3A_848 = arith.index_cast %add3A_832 : i32 to index
        %swap3A_849 = arith.constant 16 : index
        %swap3A_850 = tpu.vector_load %arg17[%swap3A_848, %swap3A_849] {strides = array<i32>} : memref<128x64xf32, #tpu.memory_space<vmem>>, vector<16xf32>,
        tpu.vector_store %arg17[%swap3A_848, %swap3A_849], %mul3A_847 {strides = array<i32>} : memref<128x64xf32, #tpu.memory_space<vmem>>, vector<16xf32>,
        %get3A_851 = arith.index_cast %add3A_832 : i32 to index
        %get3A_852 = arith.constant 32 : index
        %get3A_853 = tpu.vector_load %arg15[%get3A_851, %get3A_852] {strides = array<i32>} : memref<128x64xbf16, #tpu.memory_space<vmem>>, vector<32xbf16>,
        %unpack3A_854 = tpu.unpack_subelements %get3A_853, 0 {pack_format = #tpu.pack_format<interleaved>} : vector<32xbf16> -> vector<16xf32>
        %unpack3A_855 = tpu.unpack_subelements %get3A_853, 1 {pack_format = #tpu.pack_format<interleaved>} : vector<32xbf16> -> vector<16xf32>
        %mul3A_856 = arith.mulf %unpack3A_854, %gather3A_837 : vector<16xf32>
        %swap3A_857 = arith.index_cast %add3A_832 : i32 to index
        %swap3A_858 = arith.constant 32 : index
        %swap3A_859 = tpu.vector_load %arg17[%swap3A_857, %swap3A_858] {strides = array<i32>} : memref<128x64xf32, #tpu.memory_space<vmem>>, vector<16xf32>,
        tpu.vector_store %arg17[%swap3A_857, %swap3A_858], %mul3A_856 {strides = array<i32>} : memref<128x64xf32, #tpu.memory_space<vmem>>, vector<16xf32>,
        %mul3A_860 = arith.mulf %unpack3A_855, %gather3A_837 : vector<16xf32>
        %swap3A_861 = arith.index_cast %add3A_832 : i32 to index
        %swap3A_862 = arith.constant 48 : index
        %swap3A_863 = tpu.vector_load %arg17[%swap3A_861, %swap3A_862] {strides = array<i32>} : memref<128x64xf32, #tpu.memory_space<vmem>>, vector<16xf32>,
        tpu.vector_store %arg17[%swap3A_861, %swap3A_862], %mul3A_860 {strides = array<i32>} : memref<128x64xf32, #tpu.memory_space<vmem>>, vector<16xf32>,
        %scan3A_864 = arith.constant 3 : i32
        %scan3A_865 = arith.addi %scan3A_755, %scan3A_864 : i32
        %mul3A_866 = arith.constant 1 : i32
        %mul3A_867 = arith.muli %scan3A_865, %mul3A_866 : i32
        %add3A_868 = arith.constant 0 : i32
        %add3A_869 = arith.addi %add3A_868, %mul3A_867 : i32
        %broadcast_in_dim3A_870 = arith.constant 0 : i32
        %broadcast_in_dim3A_871 = vector.broadcast %broadcast_in_dim3A_870 : i32 to vector<16xi32>
        %add3A_872 = vector.broadcast %add3A_869 : i32 to vector<16xi32>
        %add3A_873 = arith.addi %broadcast_in_dim3A_871, %add3A_872 : vector<16xi32>
        %gather3A_874 = tpu.vector_load_idx %arg13[%add3A_732, %add3A_873] : memref<80x128xf32, #tpu.memory_space<vmem>>[vector<16xi32>, vector<16xi32>], vector<16xf32>,
        %get3A_875 = arith.index_cast %add3A_869 : i32 to index
        %get3A_876 = arith.constant 0 : index
        %get3A_877 = tpu.vector_load %arg15[%get3A_875, %get3A_876] {strides = array<i32>} : memref<128x64xbf16, #tpu.memory_space<vmem>>, vector<32xbf16>,
        %unpack3A_878 = tpu.unpack_subelements %get3A_877, 0 {pack_format = #tpu.pack_format<interleaved>} : vector<32xbf16> -> vector<16xf32>
        %unpack3A_879 = tpu.unpack_subelements %get3A_877, 1 {pack_format = #tpu.pack_format<interleaved>} : vector<32xbf16> -> vector<16xf32>
        %mul3A_880 = arith.mulf %unpack3A_878, %gather3A_874 : vector<16xf32>
        %swap3A_881 = arith.index_cast %add3A_869 : i32 to index
        %swap3A_882 = arith.constant 0 : index
        %swap3A_883 = tpu.vector_load %arg17[%swap3A_881, %swap3A_882] {strides = array<i32>} : memref<128x64xf32, #tpu.memory_space<vmem>>, vector<16xf32>,
        tpu.vector_store %arg17[%swap3A_881, %swap3A_882], %mul3A_880 {strides = array<i32>} : memref<128x64xf32, #tpu.memory_space<vmem>>, vector<16xf32>,
        %mul3A_884 = arith.mulf %unpack3A_879, %gather3A_874 : vector<16xf32>
        %swap3A_885 = arith.index_cast %add3A_869 : i32 to index
        %swap3A_886 = arith.constant 16 : index
        %swap3A_887 = tpu.vector_load %arg17[%swap3A_885, %swap3A_886] {strides = array<i32>} : memref<128x64xf32, #tpu.memory_space<vmem>>, vector<16xf32>,
        tpu.vector_store %arg17[%swap3A_885, %swap3A_886], %mul3A_884 {strides = array<i32>} : memref<128x64xf32, #tpu.memory_space<vmem>>, vector<16xf32>,
        %get3A_888 = arith.index_cast %add3A_869 : i32 to index
        %get3A_889 = arith.constant 32 : index
        %get3A_890 = tpu.vector_load %arg15[%get3A_888, %get3A_889] {strides = array<i32>} : memref<128x64xbf16, #tpu.memory_space<vmem>>, vector<32xbf16>,
        %unpack3A_891 = tpu.unpack_subelements %get3A_890, 0 {pack_format = #tpu.pack_format<interleaved>} : vector<32xbf16> -> vector<16xf32>
        %unpack3A_892 = tpu.unpack_subelements %get3A_890, 1 {pack_format = #tpu.pack_format<interleaved>} : vector<32xbf16> -> vector<16xf32>
        %mul3A_893 = arith.mulf %unpack3A_891, %gather3A_874 : vector<16xf32>
        %swap3A_894 = arith.index_cast %add3A_869 : i32 to index
        %swap3A_895 = arith.constant 32 : index
        %swap3A_896 = tpu.vector_load %arg17[%swap3A_894, %swap3A_895] {strides = array<i32>} : memref<128x64xf32, #tpu.memory_space<vmem>>, vector<16xf32>,
        tpu.vector_store %arg17[%swap3A_894, %swap3A_895], %mul3A_893 {strides = array<i32>} : memref<128x64xf32, #tpu.memory_space<vmem>>, vector<16xf32>,
        %mul3A_897 = arith.mulf %unpack3A_892, %gather3A_874 : vector<16xf32>
        %swap3A_898 = arith.index_cast %add3A_869 : i32 to index
        %swap3A_899 = arith.constant 48 : index
        %swap3A_900 = tpu.vector_load %arg17[%swap3A_898, %swap3A_899] {strides = array<i32>} : memref<128x64xf32, #tpu.memory_space<vmem>>, vector<16xf32>,
        tpu.vector_store %arg17[%swap3A_898, %swap3A_899], %mul3A_897 {strides = array<i32>} : memref<128x64xf32, #tpu.memory_space<vmem>>, vector<16xf32>,
      }
      %scan3A_737 = arith.constant 128 : i32
      %add3A_738 = arith.constant 1 : i32
      %add3A_739 = arith.addi %add3A_626, %add3A_738 : i32
      %add3A_740 = arith.constant 2 : i32
      %add3A_741 = arith.addi %add3A_739, %add3A_740 : i32
      %lt3A_742 = arith.constant 80 : i32
      %lt3A_743 = arith.cmpi slt, %add3A_741, %lt3A_742 : i32
      %convert_element_type3A_744 = arith.extui %lt3A_743 : i1 to i32
      %cond3A_745 = arith.constant 0 : i32
      %cond3A_746 = arith.cmpi ne, %convert_element_type3A_744, %cond3A_745 : i32
      scf.if %cond3A_746 {
        %add3A_755 = arith.constant 1 : i32
        %add3A_756 = arith.addi %add3A_626, %add3A_755 : i32
        %add3A_757 = arith.constant 2 : i32
        %add3A_758 = arith.addi %add3A_756, %add3A_757 : i32
        %dma_start3A_759 = arith.constant 0 : i32
        %dma_start3A_760 = tpu.memref_slice %arg10[%add3A_758, %dma_start3A_759] : memref<80x128xi32, #tpu.memory_space<vmem>> -> memref<1x128xi32, #tpu.memory_space<vmem>>
        %dma_start3A_761 = tpu.memref_squeeze %dma_start3A_760 : memref<1x128xi32, #tpu.memory_space<vmem>> -> memref<128xi32, #tpu.memory_space<vmem>>
        %dma_start3A_762 = arith.constant 0 : i32
        %dma_start3A_763 = arith.constant 0 : i32
        %dma_start3A_764 = tpu.memref_slice %arg6[%dma_start3A_762, %dma_start3A_763] : memref<10000x64xbf16, #tpu.memory_space<hbm>> -> memref<10000x64xbf16, #tpu.memory_space<hbm>>
        tpu.enqueue_indirect_dma source(%dma_start3A_764 : memref<10000x64xbf16, #tpu.memory_space<hbm>>) target(%arg15 : memref<128x64xbf16, #tpu.memory_space<vmem>>) offsets(%dma_start3A_761 : memref<128xi32, #tpu.memory_space<vmem>>) semaphore(%arg23 : memref<!tpu.dma_semaphore, #tpu.memory_space<semaphore_mem>>)
      } else {
      }
      %add3A_747 = arith.constant 1 : i32
      %add3A_748 = arith.addi %add3A_626, %add3A_747 : i32
      %dma_start3A_749 = arith.constant 0 : i32
      %dma_start3A_750 = tpu.memref_slice %arg9[%add3A_748, %dma_start3A_749] : memref<80x128xi32, #tpu.memory_space<vmem>> -> memref<1x128xi32, #tpu.memory_space<vmem>>
      %dma_start3A_751 = tpu.memref_squeeze %dma_start3A_750 : memref<1x128xi32, #tpu.memory_space<vmem>> -> memref<128xi32, #tpu.memory_space<vmem>>
      %dma_start3A_752 = arith.constant 0 : i32
      %dma_start3A_753 = arith.constant 0 : i32
      %dma_start3A_754 = tpu.memref_slice %arg20[%dma_start3A_752, %dma_start3A_753] : memref<10000x64xf32, #tpu.memory_space<vmem_shared>> -> memref<10000x64xf32, #tpu.memory_space<vmem_shared>>
      tpu.enqueue_indirect_dma source(%arg17 : memref<128x64xf32, #tpu.memory_space<vmem>>) target(%dma_start3A_754 : memref<10000x64xf32, #tpu.memory_space<vmem_shared>>) offsets(%dma_start3A_751 : memref<128xi32, #tpu.memory_space<vmem>>) semaphore(%arg25 : memref<!tpu.dma_semaphore, #tpu.memory_space<semaphore_mem>>) {add = true}
    }
    %scan3A_582 = arith.constant 40 : i32
    %dma_wait3A = arith.constant 0 : i32
    %dma_wait3A_583 = arith.constant 0 : i32
    %dma_wait3A_584 = tpu.memref_slice %arg9[%dma_wait3A, %dma_wait3A_583] : memref<80x128xi32, #tpu.memory_space<vmem>> -> memref<1x128xi32, #tpu.memory_space<vmem>>
    %dma_wait3A_585 = tpu.memref_squeeze %dma_wait3A_584 : memref<1x128xi32, #tpu.memory_space<vmem>> -> memref<128xi32, #tpu.memory_space<vmem>>
    %dma_wait3A_586 = arith.constant 0 : i32
    %dma_wait3A_587 = arith.constant 0 : i32
    %dma_wait3A_588 = tpu.memref_slice %arg20[%dma_wait3A_586, %dma_wait3A_587] : memref<10000x64xf32, #tpu.memory_space<vmem_shared>> -> memref<10000x64xf32, #tpu.memory_space<vmem_shared>>
    tpu.wait_indirect_dma semaphore(%arg24 : memref<!tpu.dma_semaphore, #tpu.memory_space<semaphore_mem>>) src(%arg16 : memref<128x64xf32, #tpu.memory_space<vmem>>) dst(%dma_wait3A_588 : memref<10000x64xf32, #tpu.memory_space<vmem_shared>>)
    %dma_wait3A_589 = arith.constant 0 : i32
    %dma_wait3A_590 = arith.constant 0 : i32
    %dma_wait3A_591 = tpu.memref_slice %arg9[%dma_wait3A_589, %dma_wait3A_590] : memref<80x128xi32, #tpu.memory_space<vmem>> -> memref<1x128xi32, #tpu.memory_space<vmem>>
    %dma_wait3A_592 = tpu.memref_squeeze %dma_wait3A_591 : memref<1x128xi32, #tpu.memory_space<vmem>> -> memref<128xi32, #tpu.memory_space<vmem>>
    %dma_wait3A_593 = arith.constant 0 : i32
    %dma_wait3A_594 = arith.constant 0 : i32
    %dma_wait3A_595 = tpu.memref_slice %arg20[%dma_wait3A_593, %dma_wait3A_594] : memref<10000x64xf32, #tpu.memory_space<vmem_shared>> -> memref<10000x64xf32, #tpu.memory_space<vmem_shared>>
    tpu.wait_indirect_dma semaphore(%arg25 : memref<!tpu.dma_semaphore, #tpu.memory_space<semaphore_mem>>) src(%arg17 : memref<128x64xf32, #tpu.memory_space<vmem>>) dst(%dma_wait3A_595 : memref<10000x64xf32, #tpu.memory_space<vmem_shared>>)
    %dma_wait3A_596 = arith.constant 0 : i32
    %dma_wait3A_597 = arith.constant 0 : i32
    %dma_wait3A_598 = arith.constant 0 : i32
    %dma_wait3A_599 = tpu.memref_slice %arg13[%dma_wait3A_596, %dma_wait3A_598] : memref<80x128xf32, #tpu.memory_space<vmem>> -> memref<1x128xf32, #tpu.memory_space<vmem>>
    %dma_wait3A_600 = tpu.memref_squeeze %dma_wait3A_599 : memref<1x128xf32, #tpu.memory_space<vmem>> -> memref<128xf32, #tpu.memory_space<vmem>>
    %dma_wait3A_601 = arith.constant 0 : i32
    %dma_wait3A_602 = tpu.memref_slice %arg9[%dma_wait3A_597, %dma_wait3A_601] : memref<80x128xi32, #tpu.memory_space<vmem>> -> memref<1x128xi32, #tpu.memory_space<vmem>>
    %dma_wait3A_603 = tpu.memref_squeeze %dma_wait3A_602 : memref<1x128xi32, #tpu.memory_space<vmem>> -> memref<128xi32, #tpu.memory_space<vmem>>
    %dma_wait3A_604 = arith.constant 0 : i32
    %dma_wait3A_605 = tpu.memref_slice %arg21[%dma_wait3A_604] : memref<10000xf32, #tpu.memory_space<vmem_shared>> -> memref<10000xf32, #tpu.memory_space<vmem_shared>>
    tpu.wait_indirect_dma semaphore(%arg26 : memref<!tpu.dma_semaphore, #tpu.memory_space<semaphore_mem>>) src(%dma_wait3A_600 : memref<128xf32, #tpu.memory_space<vmem>>) dst(%dma_wait3A_605 : memref<10000xf32, #tpu.memory_space<vmem_shared>>)
    %dma_wait3A_606 = arith.constant 0 : i32
    %dma_wait3A_607 = arith.constant 0 : i32
    %dma_wait3A_608 = arith.constant 0 : i32
    %dma_wait3A_609 = tpu.memref_slice %arg13[%dma_wait3A_606, %dma_wait3A_608] : memref<80x128xf32, #tpu.memory_space<vmem>> -> memref<1x128xf32, #tpu.memory_space<vmem>>
    %dma_wait3A_610 = tpu.memref_squeeze %dma_wait3A_609 : memref<1x128xf32, #tpu.memory_space<vmem>> -> memref<128xf32, #tpu.memory_space<vmem>>
    %dma_wait3A_611 = arith.constant 0 : i32
    %dma_wait3A_612 = tpu.memref_slice %arg9[%dma_wait3A_607, %dma_wait3A_611] : memref<80x128xi32, #tpu.memory_space<vmem>> -> memref<1x128xi32, #tpu.memory_space<vmem>>
    %dma_wait3A_613 = tpu.memref_squeeze %dma_wait3A_612 : memref<1x128xi32, #tpu.memory_space<vmem>> -> memref<128xi32, #tpu.memory_space<vmem>>
    %dma_wait3A_614 = arith.constant 0 : i32
    %dma_wait3A_615 = tpu.memref_slice %arg21[%dma_wait3A_614] : memref<10000xf32, #tpu.memory_space<vmem_shared>> -> memref<10000xf32, #tpu.memory_space<vmem_shared>>
    tpu.wait_indirect_dma semaphore(%arg26 : memref<!tpu.dma_semaphore, #tpu.memory_space<semaphore_mem>>) src(%dma_wait3A_610 : memref<128xf32, #tpu.memory_space<vmem>>) dst(%dma_wait3A_615 : memref<10000xf32, #tpu.memory_space<vmem_shared>>)
    %barrier3A_616 = arith.constant 0 : index
    tpu.barrier barrier_id(%barrier3A_616)
    %lt3A_617 = arith.constant 10 : i32
    %lt3A_618 = arith.cmpi slt, %arg1, %lt3A_617 : i32
    %convert_element_type3A_619 = arith.extui %lt3A_618 : i1 to i32
    %cond3A_620 = arith.constant 0 : i32
    %cond3A_621 = arith.cmpi ne, %convert_element_type3A_619, %cond3A_620 : i32
    scf.if %cond3A_621 {
      %mul3A_622 = arith.constant 1000 : i32
      %mul3A_623 = arith.muli %arg1, %mul3A_622 : i32
      %mul3A_624 = arith.constant 1000 : i32
      %mul3A_625 = arith.muli %arg1, %mul3A_624 : i32
      "tpu.region"() ({
        %run_scoped3A = tpu.sem_alloc : memref<!tpu.dma_semaphore, #tpu.memory_space<semaphore_mem>>
        %dma_start3A_633 = arith.constant 0 : i32
        %dma_start3A_634 = tpu.memref_slice %arg7[%arg0, %mul3A_625, %dma_start3A_633] : memref<2x10000x64xf32, #tpu.memory_space<hbm>> -> memref<1x1000x64xf32, #tpu.memory_space<hbm>>
        %dma_start3A_635 = tpu.memref_squeeze %dma_start3A_634 : memref<1x1000x64xf32, #tpu.memory_space<hbm>> -> memref<1000x64xf32, #tpu.memory_space<hbm>>
        %dma_start3A_636 = arith.constant 0 : i32
        %dma_start3A_637 = tpu.memref_slice %arg20[%mul3A_623, %dma_start3A_636] : memref<10000x64xf32, #tpu.memory_space<vmem_shared>> -> memref<1000x64xf32, #tpu.memory_space<vmem_shared>>
        tpu.enqueue_dma source(%dma_start3A_637 : memref<1000x64xf32, #tpu.memory_space<vmem_shared>>) target(%dma_start3A_635 : memref<1000x64xf32, #tpu.memory_space<hbm>>) target_semaphore(%run_scoped3A : memref<!tpu.dma_semaphore, #tpu.memory_space<semaphore_mem>>)
        %dma_wait3A_638 = arith.constant 0 : i32
        %dma_wait3A_639 = tpu.memref_slice %arg7[%arg0, %mul3A_625, %dma_wait3A_638] : memref<2x10000x64xf32, #tpu.memory_space<hbm>> -> memref<1x1000x64xf32, #tpu.memory_space<hbm>>
        %dma_wait3A_640 = tpu.memref_squeeze %dma_wait3A_639 : memref<1x1000x64xf32, #tpu.memory_space<hbm>> -> memref<1000x64xf32, #tpu.memory_space<hbm>>
        %dma_wait3A_641 = arith.constant 0 : i32
        %dma_wait3A_642 = tpu.memref_slice %arg20[%mul3A_623, %dma_wait3A_641] : memref<10000x64xf32, #tpu.memory_space<vmem_shared>> -> memref<1000x64xf32, #tpu.memory_space<vmem_shared>>
        tpu.wait_dma2 semaphore(%run_scoped3A : memref<!tpu.dma_semaphore, #tpu.memory_space<semaphore_mem>>) src(%dma_wait3A_642 : memref<1000x64xf32, #tpu.memory_space<vmem_shared>>) dst(%dma_wait3A_640 : memref<1000x64xf32, #tpu.memory_space<hbm>>)
        tpu.yield
      }) : () -> ()
      %mul3A_626 = arith.constant 1000 : i32
      %mul3A_627 = arith.muli %arg1, %mul3A_626 : i32
      %mul3A_628 = arith.constant 10000 : i32
      %mul3A_629 = arith.muli %arg0, %mul3A_628 : i32
      %mul3A_630 = arith.constant 1000 : i32
      %mul3A_631 = arith.muli %arg1, %mul3A_630 : i32
      %add3A_632 = arith.addi %mul3A_629, %mul3A_631 : i32
      "tpu.region"() ({
        %run_scoped3A = tpu.sem_alloc : memref<!tpu.dma_semaphore, #tpu.memory_space<semaphore_mem>>
        %dma_start3A_633 = tpu.memref_slice %arg8[%add3A_632] : memref<20000xf32, #tpu.memory_space<hbm>> -> memref<1000xf32, #tpu.memory_space<hbm>>
        %dma_start3A_634 = tpu.memref_slice %arg21[%mul3A_627] : memref<10000xf32, #tpu.memory_space<vmem_shared>> -> memref<1000xf32, #tpu.memory_space<vmem_shared>>
        tpu.enqueue_dma source(%dma_start3A_634 : memref<1000xf32, #tpu.memory_space<vmem_shared>>) target(%dma_start3A_633 : memref<1000xf32, #tpu.memory_space<hbm>>) target_semaphore(%run_scoped3A : memref<!tpu.dma_semaphore, #tpu.memory_space<semaphore_mem>>)
        %dma_wait3A_635 = tpu.memref_slice %arg8[%add3A_632] : memref<20000xf32, #tpu.memory_space<hbm>> -> memref<1000xf32, #tpu.memory_space<hbm>>
        %dma_wait3A_636 = tpu.memref_slice %arg21[%mul3A_627] : memref<10000xf32, #tpu.memory_space<vmem_shared>> -> memref<1000xf32, #tpu.memory_space<vmem_shared>>
        tpu.wait_dma2 semaphore(%run_scoped3A : memref<!tpu.dma_semaphore, #tpu.memory_space<semaphore_mem>>) src(%dma_wait3A_636 : memref<1000xf32, #tpu.memory_space<vmem_shared>>) dst(%dma_wait3A_635 : memref<1000xf32, #tpu.memory_space<hbm>>)
        tpu.yield
      }) : () -> ()
    } else {
    }
    return
  }
}

module attributes {stable_mosaic.version = 14 : i64} {
  func.func @_dense_front_body(%arg0: i32, %arg1: memref<1000x128xf32, #tpu.memory_space<vmem>>, %arg2: memref<128x64xf32, #tpu.memory_space<vmem>>, %arg3: memref<1x64xf32, #tpu.memory_space<vmem>>, %arg4: memref<64x1xf32, #tpu.memory_space<vmem>>, %arg5: memref<64x1xf32, #tpu.memory_space<vmem>>, %arg6: memref<1x1xf32, #tpu.memory_space<vmem>>, %arg7: memref<1000x64xf32, #tpu.memory_space<vmem>>, %arg8: memref<1000x1xf32, #tpu.memory_space<vmem>>, %arg9: memref<1000x1xf32, #tpu.memory_space<vmem>>) attributes {dimension_semantics = [#tpu.dimension_semantics<arbitrary>], iteration_bounds = array<i64: 10>, scalar_prefetch = 0 : i64, scratch_operands = 0 : i64, tpu.core_type = #tpu.core_type<tc>, window_params = [{transform_indices = @transform_0, window_bounds = array<i64: 1000, 128>}, {pipeline_mode = #tpu.pipeline_mode<synchronous>, transform_indices = @transform_1, window_bounds = array<i64: 128, 64>}, {pipeline_mode = #tpu.pipeline_mode<synchronous>, transform_indices = @transform_2, window_bounds = array<i64: 1, 64>}, {pipeline_mode = #tpu.pipeline_mode<synchronous>, transform_indices = @transform_3, window_bounds = array<i64: 64, 1>}, {pipeline_mode = #tpu.pipeline_mode<synchronous>, transform_indices = @transform_4, window_bounds = array<i64: 64, 1>}, {pipeline_mode = #tpu.pipeline_mode<synchronous>, transform_indices = @transform_5, window_bounds = array<i64: 1, 1>}, {transform_indices = @transform_6, window_bounds = array<i64: 1000, 64>}, {transform_indices = @transform_7, window_bounds = array<i64: 1000, 1>}, {transform_indices = @transform_8, window_bounds = array<i64: 1000, 1>}]} {
    %get3A = arith.constant 0 : index
    %get3A_0 = arith.constant 0 : index
    %get3A_1 = vector.load %arg1[%get3A, %get3A_0] : memref<1000x128xf32, #tpu.memory_space<vmem>>, vector<1000x128xf32>
    %get3A_2 = arith.constant 0 : index
    %get3A_3 = arith.constant 0 : index
    %get3A_4 = vector.load %arg2[%get3A_2, %get3A_3] : memref<128x64xf32, #tpu.memory_space<vmem>>, vector<128x64xf32>
    %dot_general3A = arith.constant dense<0.000000e+00> : vector<1000x64xf32>
    %dot_general3A_5 = tpu.matmul %get3A_1, %get3A_4, %dot_general3A {dimension_numbers = #tpu.dot_dimension_numbers<[1], [0], [0], [1], [0, 0, 1, 1], [], []>, transpose_lhs_hint = false} : vector<1000x128xf32>, vector<128x64xf32>, vector<1000x64xf32> -> vector<1000x64xf32>
    %get3A_6 = arith.constant 0 : index
    %get3A_7 = arith.constant 0 : index
    %get3A_8 = vector.load %arg3[%get3A_6, %get3A_7] : memref<1x64xf32, #tpu.memory_space<vmem>>, vector<1x64xf32>
    %add3A = vector.broadcast %get3A_8 : vector<1x64xf32> to vector<1000x64xf32>
    %add3A_9 = arith.addf %dot_general3A_5, %add3A : vector<1000x64xf32>
    %swap3A = arith.constant 0 : index
    %swap3A_10 = arith.constant 0 : index
    %swap3A_11 = vector.load %arg7[%swap3A, %swap3A_10] : memref<1000x64xf32, #tpu.memory_space<vmem>>, vector<1000x64xf32>
    tpu.vector_store %arg7[%swap3A, %swap3A_10], %add3A_9 {strides = array<i32>} : memref<1000x64xf32, #tpu.memory_space<vmem>>, vector<1000x64xf32>,
    %get3A_12 = arith.constant 0 : index
    %get3A_13 = arith.constant 0 : index
    %get3A_14 = vector.load %arg4[%get3A_12, %get3A_13] : memref<64x1xf32, #tpu.memory_space<vmem>>, vector<64x1xf32>
    %dot_general3A_15 = arith.constant dense<0.000000e+00> : vector<1000x1xf32>
    %dot_general3A_16 = tpu.matmul %add3A_9, %get3A_14, %dot_general3A_15 {dimension_numbers = #tpu.dot_dimension_numbers<[1], [0], [0], [1], [0, 0, 1, 1], [], []>, transpose_lhs_hint = false} : vector<1000x64xf32>, vector<64x1xf32>, vector<1000x1xf32> -> vector<1000x1xf32>
    %get3A_17 = arith.constant 0 : index
    %get3A_18 = arith.constant 0 : index
    %get3A_19 = vector.load %arg6[%get3A_17, %get3A_18] : memref<1x1xf32, #tpu.memory_space<vmem>>, vector<1x1xf32>
    %add3A_20 = vector.broadcast %get3A_19 : vector<1x1xf32> to vector<1000x1xf32>
    %add3A_21 = arith.addf %dot_general3A_16, %add3A_20 : vector<1000x1xf32>
    %swap3A_22 = arith.constant 0 : index
    %swap3A_23 = arith.constant 0 : index
    %swap3A_24 = vector.load %arg8[%swap3A_22, %swap3A_23] : memref<1000x1xf32, #tpu.memory_space<vmem>>, vector<1000x1xf32>
    tpu.vector_store %arg8[%swap3A_22, %swap3A_23], %add3A_21 {strides = array<i32>} : memref<1000x1xf32, #tpu.memory_space<vmem>>, vector<1000x1xf32>,
    %get3A_25 = arith.constant 0 : index
    %get3A_26 = arith.constant 0 : index
    %get3A_27 = vector.load %arg5[%get3A_25, %get3A_26] : memref<64x1xf32, #tpu.memory_space<vmem>>, vector<64x1xf32>
    %dot_general3A_28 = arith.constant dense<0.000000e+00> : vector<1000x1xf32>
    %dot_general3A_29 = tpu.matmul %add3A_9, %get3A_27, %dot_general3A_28 {dimension_numbers = #tpu.dot_dimension_numbers<[1], [0], [0], [1], [0, 0, 1, 1], [], []>, transpose_lhs_hint = false} : vector<1000x64xf32>, vector<64x1xf32>, vector<1000x1xf32> -> vector<1000x1xf32>
    %swap3A_30 = arith.constant 0 : index
    %swap3A_31 = arith.constant 0 : index
    %swap3A_32 = vector.load %arg9[%swap3A_30, %swap3A_31] : memref<1000x1xf32, #tpu.memory_space<vmem>>, vector<1000x1xf32>
    tpu.vector_store %arg9[%swap3A_30, %swap3A_31], %dot_general3A_29 {strides = array<i32>} : memref<1000x1xf32, #tpu.memory_space<vmem>>, vector<1000x1xf32>,
    return
  }
  func.func @transform_0(%arg0: i32) -> (i32, i32) {
    %c0_i32 = arith.constant 0 : i32
    %c0_i32_0 = arith.constant 0 : i32
    return %arg0, %c0_i32 : i32, i32
  }
  func.func @transform_1(%arg0: i32) -> (i32, i32) {
    %c0_i32 = arith.constant 0 : i32
    %c0_i32_0 = arith.constant 0 : i32
    %c0_i32_1 = arith.constant 0 : i32
    return %c0_i32, %c0_i32_0 : i32, i32
  }
  func.func @transform_2(%arg0: i32) -> (i32, i32) {
    %c0_i32 = arith.constant 0 : i32
    %c0_i32_0 = arith.constant 0 : i32
    %c0_i32_1 = arith.constant 0 : i32
    return %c0_i32, %c0_i32_0 : i32, i32
  }
  func.func @transform_3(%arg0: i32) -> (i32, i32) {
    %c0_i32 = arith.constant 0 : i32
    %c0_i32_0 = arith.constant 0 : i32
    %c0_i32_1 = arith.constant 0 : i32
    return %c0_i32, %c0_i32_0 : i32, i32
  }
  func.func @transform_4(%arg0: i32) -> (i32, i32) {
    %c0_i32 = arith.constant 0 : i32
    %c0_i32_0 = arith.constant 0 : i32
    %c0_i32_1 = arith.constant 0 : i32
    return %c0_i32, %c0_i32_0 : i32, i32
  }
  func.func @transform_5(%arg0: i32) -> (i32, i32) {
    %c0_i32 = arith.constant 0 : i32
    %c0_i32_0 = arith.constant 0 : i32
    %c0_i32_1 = arith.constant 0 : i32
    return %c0_i32, %c0_i32_0 : i32, i32
  }
  func.func @transform_6(%arg0: i32) -> (i32, i32) {
    %c0_i32 = arith.constant 0 : i32
    %c0_i32_0 = arith.constant 0 : i32
    return %arg0, %c0_i32 : i32, i32
  }
  func.func @transform_7(%arg0: i32) -> (i32, i32) {
    %c0_i32 = arith.constant 0 : i32
    %c0_i32_0 = arith.constant 0 : i32
    return %arg0, %c0_i32 : i32, i32
  }
  func.func @transform_8(%arg0: i32) -> (i32, i32) {
    %c0_i32 = arith.constant 0 : i32
    %c0_i32_0 = arith.constant 0 : i32
    return %arg0, %c0_i32 : i32, i32
  }
}

module attributes {stable_mosaic.version = 14 : i64} {
  func.func @_final_body(%arg0: i32, %arg1: memref<1000x64xf32, #tpu.memory_space<vmem>>, %arg2: memref<1000x64xf32, #tpu.memory_space<vmem>>, %arg3: memref<1000x2xf32, #tpu.memory_space<vmem>>, %arg4: memref<1000x64xf32, #tpu.memory_space<vmem>>) attributes {dimension_semantics = [#tpu.dimension_semantics<arbitrary>], iteration_bounds = array<i64: 10>, scalar_prefetch = 0 : i64, scratch_operands = 0 : i64, tpu.core_type = #tpu.core_type<tc>, window_params = [{transform_indices = @transform_0, window_bounds = array<i64: 1000, 64>}, {transform_indices = @transform_1, window_bounds = array<i64: 1000, 64>}, {transform_indices = @transform_2, window_bounds = array<i64: 1000, 2>}, {transform_indices = @transform_3, window_bounds = array<i64: 1000, 64>}]} {
    %get3A = arith.constant 0 : index
    %get3A_0 = arith.constant 0 : index
    %get3A_1 = vector.load %arg1[%get3A, %get3A_0] : memref<1000x64xf32, #tpu.memory_space<vmem>>, vector<1000x64xf32>
    %get3A_2 = arith.constant 0 : index
    %get3A_3 = arith.constant 0 : index
    %get3A_4 = vector.load %arg2[%get3A_2, %get3A_3] : memref<1000x64xf32, #tpu.memory_space<vmem>>, vector<1000x64xf32>
    %add3A = arith.addf %get3A_1, %get3A_4 : vector<1000x64xf32>
    %get3A_5 = arith.constant 0 : index
    %get3A_6 = arith.constant 0 : index
    %get3A_7 = vector.load %arg3[%get3A_5, %get3A_6] : memref<1000x2xf32, #tpu.memory_space<vmem>>, vector<1000x1xf32>
    %get3A_8 = arith.constant 0 : index
    %get3A_9 = arith.constant 1 : index
    %get3A_10 = vector.load %arg3[%get3A_8, %get3A_9] : memref<1000x2xf32, #tpu.memory_space<vmem>>, vector<1000x1xf32>
    %add3A_11 = arith.addf %get3A_7, %get3A_10 : vector<1000x1xf32>
    %eq3A = arith.constant 0.000000e+00 : f32
    %eq3A_12 = vector.broadcast %eq3A : f32 to vector<1000x1xf32>
    %eq3A_13 = arith.cmpf oeq, %add3A_11, %eq3A_12 : vector<1000x1xf32>
    %jit3A = arith.constant 1.000000e+00 : f32
    %broadcast_in_dim3A = vector.broadcast %jit3A : f32 to vector<1000x1xf32>
    %select_n3A = arith.select %eq3A_13, %broadcast_in_dim3A, %add3A_11 : vector<1000x1xi1>, vector<1000x1xf32>
    %div3A = vector.broadcast %select_n3A : vector<1000x1xf32> to vector<1000x64xf32>
    %div3A_14 = arith.divf %add3A, %div3A : vector<1000x64xf32>
    %neg3A = arith.constant 0.000000e+00 : f32
    %neg3A_15 = vector.broadcast %neg3A : f32 to vector<1000x64xf32>
    %neg3A_16 = arith.subf %neg3A_15, %div3A_14 : vector<1000x64xf32>
    %exp3A = math.exp %neg3A_16 : vector<1000x64xf32>
    %add3A_17 = arith.constant 1.000000e+00 : f32
    %add3A_18 = vector.broadcast %add3A_17 : f32 to vector<1000x64xf32>
    %add3A_19 = arith.addf %add3A_18, %exp3A : vector<1000x64xf32>
    %div3A_20 = arith.constant 1.000000e+00 : f32
    %div3A_21 = vector.broadcast %div3A_20 : f32 to vector<1000x64xf32>
    %div3A_22 = arith.divf %div3A_21, %add3A_19 : vector<1000x64xf32>
    %swap3A = arith.constant 0 : index
    %swap3A_23 = arith.constant 0 : index
    %swap3A_24 = vector.load %arg4[%swap3A, %swap3A_23] : memref<1000x64xf32, #tpu.memory_space<vmem>>, vector<1000x64xf32>
    tpu.vector_store %arg4[%swap3A, %swap3A_23], %div3A_22 {strides = array<i32>} : memref<1000x64xf32, #tpu.memory_space<vmem>>, vector<1000x64xf32>,
    return
  }
  func.func @transform_0(%arg0: i32) -> (i32, i32) {
    %c0_i32 = arith.constant 0 : i32
    %c0_i32_0 = arith.constant 0 : i32
    return %arg0, %c0_i32 : i32, i32
  }
  func.func @transform_1(%arg0: i32) -> (i32, i32) {
    %c0_i32 = arith.constant 0 : i32
    %c0_i32_0 = arith.constant 0 : i32
    return %arg0, %c0_i32 : i32, i32
  }
  func.func @transform_2(%arg0: i32) -> (i32, i32) {
    %c0_i32 = arith.constant 0 : i32
    %c0_i32_0 = arith.constant 0 : i32
    return %arg0, %c0_i32 : i32, i32
  }
  func.func @transform_3(%arg0: i32) -> (i32, i32) {
    %c0_i32 = arith.constant 0 : i32
    %c0_i32_0 = arith.constant 0 : i32
    return %arg0, %c0_i32 : i32, i32
  }
}

</mosaic_0001>

<sc_bundles>
// kernel: kernel.5.cloned.1.call-start
scs
__scs_entry_jumppad:
0x0: {  	(pc) =	sbr.rel $0x88, $3  }
0x1: {  	(tag) =	ssettag $0x0;
	lr =	simm.s32 $0x1  }
0x2: {  	[smem:$0x3F9B] =	sst lr;
	_ =	strace $0xD0000000  }
0x3: {  	_ = 	snop  }
0x4: {  	_ = 	snop  }
0x5: {  	_ = 	snop  }
0x6: {  	_ = 	snop  }
0x7: {  	_ = 	snop  }
__scs_overlays_trampoline_lowered:
0x8: {  	[smem:$0x3FAA] =	sst s0  }
0x9: {  	[smem:$0x3FAB] =	sst s1  }
0xa: {  	[smem:$0x3FAC] =	sst s2  }
0xb: {  	[smem:$0x3FAD] =	sst s3  }
0xc: {  	[smem:$0x3FAE] =	sst s4  }
0xd: {  	[smem:$0x3FAF] =	sst s5  }
0xe: {  	[smem:$0x3FB0] =	sst s6  }
0xf: {  	[smem:$0x3FB1] =	sst s7  }
0x10: {  	[smem:$0x3FB2] =	sst s8  }
0x11: {  	[smem:$0x3FB3] =	sst s9;
	s0 =	simm.s32 @!p0 $0x0  }
0x12: {  	s1 =	sld [smem:$0x3F99];
	s0 =	simm.s32 @p0 $0x1  }
0x13: {  	[smem:$0x3FB4] =	sst s0;
	s0 =	simm.s32 @!p1 $0x0  }
0x14: {  	s2 =	sld [smem:$0x3F98];
	s0 =	simm.s32 @p1 $0x1  }
0x15: {  	[smem:$0x3FB5] =	sst s0;
	s0 =	simm.s32 @!p2 $0x0  }
0x16: {  	s3 =	sld [smem:$0x3FDB];
	s0 =	simm.s32 @p2 $0x1  }
0x17: {  	s4 =	simm.s32 $0x1BF5;
	[smem:$0x3FB7] =	sst s0  }
0x18: {  	s0 =	sld [smem:$0x3F9A];
	_ =	swait.ge [sflag:s4], $0x0  }
0x19: {  	s7 =	sld [smem:$0x3F9B]  }
0x1a: {  	s8 =	sadd.s32 $0xFFFFE003, lr  }
0x1b: {  	s9 =	sadd.s32 $0xFFFFFEF7, lr;
	s5 =	simm.s32 $0xFFFFFFFF;
	p2 =	slt.u32 s8, $0xFFFFF086  }
0x1c: {  	p1 =	slt.u32 s9, $0xF7A;
	s5 =	simm.s32 @!p2 $0x0  }
0x1d: {  	s5 =	simm.s32 @p1 $0x1;
	p0 =	seq.s32 s7, s2  }
0x1e: {  	s7 =	smul.u32 @!p0 $0xF7A, s2;
	p2 =	seq.s32 @!p0 s5, $0x0  }
0x1f: {  	s9 =	smul.u32 $0xF7A, s1;
	s8 =	simm.s32 @!p0 $0x1BF5;
	p2 =	por !p2, p0  }
0x20: {  	[sflag:s8] =	ssyncset.s32 @!p0 $0xFFFFF086;
	s6 =	sadd.s32 @!p0 s3, s7;
	s7 =	simm.s32 @!p0 $0x108  }
0x21: {  	s3 =	sadd.s32 s3, s9;
	s6 =	sadd.s32 @!p0 $0x88, s6;
	s7 =	simm.s32 @p2 $0x1082  }
0x22: {  	[simem:s7], [sflag:s8] =	dma.local @!p0 [hbm:s6], $0xF7A  }
0x23: {  	s9 =	sor.u32 $0xD0000000, s2;
	s6 =	simm.s32 $0x108;
	_ =	swait.ge @!p0 [sflag:s8], $0x0  }
0x24: {  	s3 =	sadd.s32 $0x88, s3;
	s6 =	simm.s32 @!p1 $0x1082;
	[sflag:s4] =	ssyncset.s32 $0xFFFFF086  }
0x25: {  	[simem:s6], [sflag:s4] =	dma.local [hbm:s3], $0xF7A  }
0x26: {  	[smem:$0x3F9B] =	sst s1;
	(tag) =	ssettag s2;
	_ =	strace s9  }
0x27: {  	s1 =	sld [smem:$0x3FAB]  }
0x28: {  	s2 =	sld [smem:$0x3FAC]  }
0x29: {  	s4 =	sld [smem:$0x3FAE]  }
0x2a: {  	p0 =	seq.s32 s5, $0x0;
	s5 =	sld [smem:$0x3FAF]  }
0x2b: {  	s6 =	sld [smem:$0x3FB0]  }
0x2c: {  	s7 =	sld [smem:$0x3FB1]  }
0x2d: {  	s3 =	simm.s32 $0x108;
	s8 =	sld [smem:$0x3FB2]  }
0x2e: {  	s3 =	simm.s32 @!p0 $0x1082;
	s9 =	sld [smem:$0x3FB3]  }
0x2f: {  	lr =	sadd.s32 s0, s3;
	s0 =	sld [smem:$0x3FAA]  }
0x30: {  	s3 =	sld [smem:$0x3FAD]  }
0x31: {  	[smem:$0x3FB6] =	sst s10  }
0x32: {  	s10 =	sld [smem:$0x3FB4];
	_ =	sdelay $0x3  }
0x33: {  	p0 =	seq.s32 s10, $0x1;
	s10 =	sld [smem:$0x3FB6];
	_ =	sdelay $0x3  }
0x34: {  	[smem:$0x3FB6] =	sst s10  }
0x35: {  	s10 =	sld [smem:$0x3FB5];
	_ =	sdelay $0x3  }
0x36: {  	p1 =	seq.s32 s10, $0x1;
	s10 =	sld [smem:$0x3FB6];
	_ =	sdelay $0x3  }
0x37: {  	[smem:$0x3FB6] =	sst s10  }
0x38: {  	s10 =	sld [smem:$0x3FB7]  }
0x39: {  	_ = 	snop;
	(pc) =	sbr.ind lr, $3  }
0x3a: {  	_ = 	snop  }
0x3b: {  	_ = 	snop  }
0x3c: {  	p2 =	seq.s32 s10, $0x1;
	s10 =	sld [smem:$0x3FB6]  }
0x3d: {  	_ =	shalt  }
0x3e: {  	_ =	shalt  }
0x3f: {  	_ =	shalt  }
0x40: {  	_ =	shalt  }
0x41: {  	_ =	shalt  }
0x42: {  	_ =	shalt  }
0x43: {  	_ =	shalt  }
0x44: {  	_ =	shalt  }
0x45: {  	_ =	shalt  }
0x46: {  	_ =	shalt  }
0x47: {  	_ =	shalt  }
0x48: {  	_ =	shalt  }
0x49: {  	_ =	shalt  }
0x4a: {  	_ =	shalt  }
0x4b: {  	_ =	shalt  }
0x4c: {  	_ =	shalt  }
0x4d: {  	_ =	shalt  }
0x4e: {  	_ =	shalt  }
0x4f: {  	_ =	shalt  }
0x50: {  	_ =	shalt  }
0x51: {  	_ =	shalt  }
0x52: {  	_ =	shalt  }
0x53: {  	_ =	shalt  }
0x54: {  	_ =	shalt  }
0x55: {  	_ =	shalt  }
0x56: {  	_ =	shalt  }
0x57: {  	_ =	shalt  }
0x58: {  	_ =	shalt  }
0x59: {  	_ =	shalt  }
0x5a: {  	_ =	shalt  }
0x5b: {  	_ =	shalt  }
0x5c: {  	_ =	shalt  }
0x5d: {  	_ =	shalt  }
0x5e: {  	_ =	shalt  }
0x5f: {  	_ =	shalt  }
0x60: {  	_ =	shalt  }
0x61: {  	_ =	shalt  }
0x62: {  	_ =	shalt  }
0x63: {  	_ =	shalt  }
0x64: {  	_ =	shalt  }
0x65: {  	_ =	shalt  }
0x66: {  	_ =	shalt  }
0x67: {  	_ =	shalt  }
0x68: {  	_ =	shalt  }
0x69: {  	_ =	shalt  }
0x6a: {  	_ =	shalt  }
0x6b: {  	_ =	shalt  }
0x6c: {  	_ =	shalt  }
0x6d: {  	_ =	shalt  }
0x6e: {  	_ =	shalt  }
0x6f: {  	_ =	shalt  }
0x70: {  	_ =	shalt  }
0x71: {  	_ =	shalt  }
0x72: {  	_ =	shalt  }
0x73: {  	_ =	shalt  }
0x74: {  	_ =	shalt  }
0x75: {  	_ =	shalt  }
0x76: {  	_ =	shalt  }
0x77: {  	_ =	shalt  }
0x78: {  	_ =	shalt  }
0x79: {  	_ =	shalt  }
0x7a: {  	_ =	shalt  }
0x7b: {  	_ =	shalt  }
0x7c: {  	_ =	shalt  }
0x7d: {  	_ =	shalt  }
0x7e: {  	_ =	shalt  }
0x7f: {  	_ =	shalt  }
0x80: {  	_ =	shalt  }
0x81: {  	_ =	shalt  }
0x82: {  	_ =	shalt  }
0x83: {  	_ =	shalt  }
0x84: {  	_ =	shalt  }
0x85: {  	_ =	shalt  }
0x86: {  	_ =	shalt  }
0x87: {  	_ =	shalt  }
.Lfunc_end0:
.L_simem_size_0:
called_computation_lowered:
.L_overlay_start_0:
0x88: {  	s2 =	sld [smem:$0x3FD9]  }
0x89: {  	s3 =	sld [smem:$0x3FFE];
	_ =	sdelay $0x1  }
0x8a: {  	s1 =	srdreg.scid  }
0x8b: {  	s0 =	sand.u32 $0x1, s1  }
0x8c: {  	s17 =	sshll.u32 s0, $0xA;
	s2 =	sadd.s32 s3, s2  }
0x8d: {  	s2 =	sadd.s32 s2, s17  }
0x8e: {  	[smem:$0x3FC2] =	sst s2  }
0x8f: {  	_ = 	snop  }
0x90: {  	s2 =	sld [smem:$0x3FD0];
	(tm) =	ssettm $0x1  }
0x91: {  	s18 =	sld [smem:$0x3FFB];
	_ =	sdelay $0x3  }
0x92: {  	_ =	strace s18  }
0x93: {  	s3 =	sld [smem:$0x3FFC];
	_ =	sdelay $0x3  }
0x94: {  	_ =	strace s3  }
0x95: {  	s3 =	sld [smem:$0x3FFD];
	_ =	sdelay $0x3  }
0x96: {  	_ =	strace s3  }
0x97: {  	_ =	strace $0x8FFFFFFF  }
0x98: {  	s19 =	sld [smem:$0x3FDB];
	_ =	sdelay $0x1  }
0x99: {  	s4 =	simm.s32 $_scs_section_size  }
0x9a: {  	s5 =	simm.s32 $_size__tile_overlayer_lowered;
	s6 =	simm.s32 $_tile_overlayer_lowered  }
0x9b: {  	s22 =	simm.s32 $0x1BFF;
	s21 =	sshll.u32 s6, $0x1;
	s3 =	sadd.s32 s4, s19  }
0x9c: {  	s7 =	simm.s32 $0x0;
	s20 =	sshll.u32 s5, $0x1;
	s5 =	sadd.s32 s21, s3  }
0x9d: {  	[timem:s7], [sflag:s22] =	dma.local [hbm:s5], s20  }
0x9e: {  	_ =	swait.ge [sflag:s22], s20  }
0x9f: {  	s4 =	ssub.s32 $0x0, s20;
	[sflag:s22] =	ssyncset.done $0x0  }
0xa0: {  	[sflag:s22] =	ssyncadd.s32 s4;
	_ =	sdelay $0x1  }
0xa1: {  	s23 =	simm.s32 $0x1B8B  }
0xa2: {  	_ =	swait.ge [sflag:s23], $0x1  }
0xa3: {  	[sflag:s23] =	ssyncset.done $0x0  }
0xa4: {  	s25 =	simm.s32 $0x1B8E;
	s24 =	sld [smem:$0x3FFE];
	[sflag:s23] =	ssyncadd.s32 $0xFFFFFFFF  }
0xa5: {  	s26 =	simm.s32 $execute0_lowered;
	[smem:$0x3FD2] =	sst s25  }
0xa6: {  	s5 =	sshll.u32 s26, $0x1;
	_ =	strace $0x80000046;
	[dreg:$0x1] =	wrdreg $0xFFFFFFFF  }
0xa7: {  	s28 =	simm.s32 $_size_execute0_lowered;
	s3 =	sadd.s32 s3, s5;
	[dreg:$0x0] =	wrdreg $0x0  }
0xa8: {  	s5 =	sshll.u32 s28, $0x1;
	[dreg:$0x2] =	wrdreg s3  }
0xa9: {  	[dreg:$0x3] =	wrdreg s5  }
0xaa: {  	[dreg:$0x4] =	wrdreg $0xC0  }
0xab: {  	_ =	task [dreg:s7], $0x5FFFF  }
0xac: {  	[dreg:$0x1] =	wrdreg $0xFFFFFFFF  }
0xad: {  	[dreg:$0x0] =	wrdreg $0x60  }
0xae: {  	[dreg:$0x2] =	wrdreg s2  }
0xaf: {  	[dreg:$0x3] =	wrdreg s24  }
0xb0: {  	[dreg:$0x4] =	wrdreg $0x149600  }
0xb1: {  	[dreg:$0x5] =	wrdreg $0x1E5A00  }
0xb2: {  	[dreg:$0x6] =	wrdreg $0x9  }
0xb3: {  	_ =	task.clear_ibuf [dreg:s7], $0x7FFFF;
	_ =	strace $0x90000046  }
0xb4: {  	s29 =	simm.s32 $0x9;
	_ =	strace $0x80000048  }
0xb5: {  	_ =	swait.ge [sflag:s29], $0x1  }
0xb6: {  	[sflag:s29] =	ssyncadd.s32 $0xFFFFFFFF  }
0xb7: {  	_ =	strace $0x90000048  }
0xb8: {  	_ =	sfence  }
0xb9: {  	s30 =	sld [smem:$0x0];
	_ =	sdelay $0x2  }
0xba: {  	s31 =	sshll.u32 s1, $0xD;
	s1 =	sshrl.u32 s1, $0x2  }
0xbb: {  	s3 =	sand.u32 $0x4000, s31;
	s1 =	sadd.s32 s1, s30  }
0xbc: {  	s0 =	sor.u32 s3, s0;
	s1 =	sshll.u32 s1, $0x11  }
0xbd: {  	s0 =	sor.u32 s1, s0  }
0xbe: {  	s0 =	sadd.s32 $0x8F2B, s0  }
0xbf: {  	[sflag:s0] =	ssyncadd.remote.s32 $0x1  }
0xc0: {  	_ =	sfence.sel $0xFFFF  }
0xc1: {  	[dreg:$0x0] =	wrdreg $0xFFFFFFFF;
	(pc) =	sbr.abs _section_cstart, $3  }
0xc2: {  	[dreg:$0x1] =	wrdreg $0xFFFFFFFF  }
0xc3: {  	_ =	task.clear_ibuf [dreg:s7], $0x2FFFF;
	_ =	strace $0x9FFFFFFF  }
0xc4: {  	(tm) =	ssettm $0x7FFFFFFF  }
0xc5: {  	_ =	shalt  }
tec
execute0_lowered:
.L_overlay_start_1:
0x0: {  	(tag) =	ssettag $0x1  }
0x1: {  	s0 =	srdreg.scid;
	s1 =	rddreg [dreg:$0x0]  }
0x2: {  	s14 =	stileid.u32;
	s5 =	rddreg [dreg:$0x1];
	s4 =	simm.s32 $0x0  }
0x3: {  	s28 =	simm.s32 $0x7710;
	s29 =	simm.s32 $0x80;
	s30 =	simm.s32 $0x1  }
0x4: {  	s31 =	simm.s32 $0x2;
	s0 =	sand.u32 $0x1, s0;
	s8 =	smul.u32 $0xFA00, s14  }
0x5: {  	s2 =	sshll.u32 s14, $0x1;
	[smem:$0x7FF] =	sst s4;
	s9 =	smul.u32 $0x3E8, s14  }
0x6: {  	s12 =	sadd.s32 $0xA600, s5;
	s24 =	sadd.s32 $0xA000, s5;
	s13 =	smul.u32 $0xFA0, s14  }
0x7: {  	s16 =	smul.u32 $0x3E800, s14;
	s3 =	sor.u32 s0, s2;
	s2 =	rddreg [dreg:$0x2]  }
0x8: {  	p0 =	sgt.u32 s14, $0x9;
	s6 =	smul.u32 $0x500, s3;
	s3 =	rddreg [dreg:$0x3]  }
0x9: {  	s7 =	smul.u32 $0x9C400, s0;
	_ =	strace $0x80000047;
	[dreg:$0x5] =	wrdreg s12  }
0xa: {  	s11 =	smul.u32 $0x2710, s0;
	s0 =	ssub.s32 $0x2, s0;
	[dreg:$0x6] =	wrdreg s24  }
0xb: {  	s26 =	sshrl.u32 s0, $0x1;
	s15 =	sshrl.u32 s13, $0x2;
	s19 =	sshrl.u32 s16, $0x2  }
0xc: {  	s25 =	sadd.s32 s8, s7;
	s7 =	sadd.s32 $0x200, s5;
	s11 =	sadd.s32 s9, s11  }
0xd: {  	s0 =	ssub.s32 s0, s26;
	s13 =	sadd.s32 s19, s2;
	s1 =	sadd.s32 s1, s6  }
0xe: {  	s10 =	sadd.s32 s6, s5;
	s0 =	smax.u32 s0, $0x1;
	[dreg:$0x8] =	wrdreg s1  }
0xf: {  	s12 =	sshrl.u32 s25, $0x3;
	s20 =	sadd.s32 $0x1F40, s13;
	[dreg:$0xc] =	wrdreg s0  }
0x10: {  	s11 =	sshrl.u32 s11, $0x3;
	s21 =	sadd.s32 $0x3E80, s13;
	[dreg:$0xd] =	wrdreg s20  }
0x11: {  	s22 =	sadd.s32 $0x5DC0, s13;
	s23 =	sadd.s32 $0x7D00, s13;
	[dreg:$0xe] =	wrdreg s21  }
0x12: {  	s24 =	sadd.s32 $0x9C40, s13;
	s25 =	sadd.s32 $0xBB80, s13;
	[dreg:$0xf] =	wrdreg s22  }
0x13: {  	s26 =	sadd.s32 $0xDAC0, s13;
	s6 =	simm.s32 $0x3;
	[dreg:$0x10] =	wrdreg s23  }
0x14: {  	s12 =	sadd.s32 s12, s5;
	s5 =	sadd.s32 s11, s5;
	[dreg:$0x11] =	wrdreg s24  }
0x15: {  	s11 =	sadd.s32 s15, s3;
	s17 =	sadd.s32 $0xAC00, s10;
	[dreg:$0x12] =	wrdreg s25  }
0x16: {  	s1 =	sadd.s32 s8, s2;
	[dreg:$0x13] =	wrdreg s26;
	s22 =	simm.s32 $0x6  }
0x17: {  	s26 =	simm.s32 $0x5000;
	s0 =	simm.s32 $0xE620;
	[dreg:$0x7] =	wrdreg s11  }
0x18: {  	s8 =	simm.s32 $0x4;
	s23 =	simm.s32 $0x5;
	[dreg:$0x9] =	wrdreg s17  }
0x19: {  	s18 =	sadd.s32 $0x14C00, s12;
	s5 =	sadd.s32 $0x3BE00, s5;
	s24 =	sshrl.u32 @!p0 s1, $0x3  }
0x1a: {  	s1 =	simm.s32 $0x9E20;
	[dreg:$0xb] =	wrdreg s5;
	s5 =	sadd.s32 s9, s3  }
0x1b: {  	v0 =	vimm.f32 $0.0e+00;
	[dreg:$0xa] =	wrdreg s18;
	s25 =	sshrl.u32 @!p0 s5, $0x3;
	s5 =	simm.s32 $0x10620  }
.LBB2_1:
0x1c: {  	s9 =	simm.s32 $0x0;
	s10 =	simm.s32 $0x0  }
.LBB2_2:
0x1d: {  	p1 =	sne.s32 s10, $0x7CC0  }
.Ltmp0:
0x1e: {  	_ = 	snop;
	(pc) =	sbr.rel @p1 .LBB2_2-.Ltmp0, $4  }
0x1f: {  	s11 =	sand.u32 $0x7F00, s10  }
0x20: {  	s12 =	sand.u32 $0x30, s9;
	s11 =	sshrl.u32 s11, $0x2  }
0x21: {  	s11 =	sor.u32 s12, s11  }
0x22: {  	s9 =	sadd.s32 $0x10, s9;
	s10 =	sadd.s32 $0x40, s10;
	[tilespmem:s11+$0x12620] =	vst v0  }
0x23: {  	s9 =	simm.s32 $0x40;
	s10 =	simm.s32 $0x0  }
.LBB2_4:
0x24: {  	p1 =	sne.s32 s9, $0xFC0;
	[tilespmem:s10+$0x14560] =	vst v0;
	s10 =	smov.u32 s9;
	s9 =	sadd.s32 $0x40, s9  }
.Ltmp1:
0x25: {  	(pc) =	sbr.rel @p1 .LBB2_4-.Ltmp1, $2  }
0x26: {  	_ =	sdelay $0x2  }
0x27: {  	s10 =	sshra.s32 s10, $0x2  }
0x28: {  	[tilespmem:s10+$0x14560] =	vst v0;
	s9 =	simm.s32 @!p0 $0x12620;
	s10 =	simm.s32 @!p0 $0x6  }
0x29: {  	[spmem:s13] =	stream.linear.scatter @!p0 [tilespmem:s9], [sflag:$0x6], $0x1F40, $0x38;
	[tilespmem:$0x1E818] =	vst v63  }
0x2a: {  	_ =	swait.ge @!p0 [sflag:s10], $0x1F40  }
0x2b: {  	[sflag:s10] =	ssyncset.done @!p0 $0x0  }
0x2c: {  	s11 =	rddreg [dreg:$0xd];
	[sflag:s10] =	ssyncadd.s32 @!p0 $0xFFFFE0C0  }
0x2d: {  	[spmem:s11] =	stream.linear.scatter @!p0 [tilespmem:s9], [sflag:$0x6], $0x1F40, $0x38;
	[tilespmem:$0x1E818] =	vst v63  }
0x2e: {  	_ =	swait.ge @!p0 [sflag:s10], $0x1F40  }
0x2f: {  	[sflag:s10] =	ssyncset.done @!p0 $0x0  }
0x30: {  	s11 =	rddreg [dreg:$0xe];
	[sflag:s10] =	ssyncadd.s32 @!p0 $0xFFFFE0C0  }
0x31: {  	[spmem:s11] =	stream.linear.scatter @!p0 [tilespmem:s9], [sflag:$0x6], $0x1F40, $0x38;
	[tilespmem:$0x1E818] =	vst v63  }
0x32: {  	_ =	swait.ge @!p0 [sflag:s10], $0x1F40  }
0x33: {  	[sflag:s10] =	ssyncset.done @!p0 $0x0  }
0x34: {  	s11 =	rddreg [dreg:$0xf];
	[sflag:s10] =	ssyncadd.s32 @!p0 $0xFFFFE0C0  }
0x35: {  	[spmem:s11] =	stream.linear.scatter @!p0 [tilespmem:s9], [sflag:$0x6], $0x1F40, $0x38;
	[tilespmem:$0x1E818] =	vst v63  }
0x36: {  	_ =	swait.ge @!p0 [sflag:s10], $0x1F40  }
0x37: {  	[sflag:s10] =	ssyncset.done @!p0 $0x0  }
0x38: {  	s11 =	rddreg [dreg:$0x10];
	[sflag:s10] =	ssyncadd.s32 @!p0 $0xFFFFE0C0  }
0x39: {  	[spmem:s11] =	stream.linear.scatter @!p0 [tilespmem:s9], [sflag:$0x6], $0x1F40, $0x38;
	[tilespmem:$0x1E818] =	vst v63  }
0x3a: {  	_ =	swait.ge @!p0 [sflag:s10], $0x1F40  }
0x3b: {  	[sflag:s10] =	ssyncset.done @!p0 $0x0  }
0x3c: {  	s11 =	rddreg [dreg:$0x11];
	[sflag:s10] =	ssyncadd.s32 @!p0 $0xFFFFE0C0  }
0x3d: {  	[spmem:s11] =	stream.linear.scatter @!p0 [tilespmem:s9], [sflag:$0x6], $0x1F40, $0x38;
	[tilespmem:$0x1E818] =	vst v63  }
0x3e: {  	_ =	swait.ge @!p0 [sflag:s10], $0x1F40  }
0x3f: {  	[sflag:s10] =	ssyncset.done @!p0 $0x0  }
0x40: {  	s11 =	rddreg [dreg:$0x12];
	[sflag:s10] =	ssyncadd.s32 @!p0 $0xFFFFE0C0  }
0x41: {  	[spmem:s11] =	stream.linear.scatter @!p0 [tilespmem:s9], [sflag:$0x6], $0x1F40, $0x38;
	[tilespmem:$0x1E818] =	vst v63  }
0x42: {  	_ =	swait.ge @!p0 [sflag:s10], $0x1F40  }
0x43: {  	[sflag:s10] =	ssyncset.done @!p0 $0x0  }
0x44: {  	s11 =	rddreg [dreg:$0x13];
	[sflag:s10] =	ssyncadd.s32 @!p0 $0xFFFFE0C0  }
0x45: {  	[spmem:s11] =	stream.linear.scatter @!p0 [tilespmem:s9], [sflag:$0x6], $0x1F40, $0x38;
	[tilespmem:$0x1E818] =	vst v63  }
0x46: {  	_ =	swait.ge @!p0 [sflag:s10], $0x1F40  }
0x47: {  	[sflag:s10] =	ssyncset.done @!p0 $0x0  }
0x48: {  	s9 =	simm.s32 @!p0 $0x14560;
	s11 =	rddreg [dreg:$0x7];
	[sflag:s10] =	ssyncadd.s32 @!p0 $0xFFFFE0C0  }
0x49: {  	[spmem:s11] =	stream.linear.scatter @!p0 [tilespmem:s9], [sflag:$0x6], $0x3E8, $0x38;
	[tilespmem:$0x1E818] =	vst v63  }
0x4a: {  	_ =	swait.ge @!p0 [sflag:s10], $0x3E8  }
0x4b: {  	[sflag:s10] =	ssyncset.done @!p0 $0x0  }
0x4c: {  	s9 =	simm.s32 $0x0;
	s14 =	rddreg [dreg:$0x8];
	[sflag:s10] =	ssyncadd.s32 @!p0 $0xFFFFFC18  }
0x4d: {  	[tilespmem:s9], [sflag:$0x6] =	stream.linear.gather [hbm4b:s14+s9], $0x2800, $0x38;
	[tilespmem:$0x1E818] =	vst v63  }
0x4e: {  	_ =	swait.ge [sflag:s22], $0x2800  }
0x4f: {  	[sflag:s22] =	ssyncset.done $0x0  }
0x50: {  	s16 =	simm.s32 $0x2800;
	s15 =	rddreg [dreg:$0x9];
	[sflag:s22] =	ssyncadd.s32 $0xFFFFD800  }
0x51: {  	[tilespmem:s16], [sflag:$0x6] =	stream.linear.gather [hbm4b:s15+s9], $0x2800, $0x38;
	[tilespmem:$0x1E818] =	vst v63  }
0x52: {  	_ =	swait.ge [sflag:s22], $0x2800  }
0x53: {  	[sflag:s22] =	ssyncset.done $0x0  }
0x54: {  	s17 =	rddreg [dreg:$0x5];
	[sflag:s22] =	ssyncadd.s32 $0xFFFFD800  }
0x55: {  	[tilespmem:s26], [sflag:$0x6] =	stream.linear.gather [hbm4b:s17+s9], $0x2710, $0x38;
	[tilespmem:$0x1E818] =	vst v63  }
0x56: {  	_ =	swait.ge [sflag:s22], $0x2710  }
0x57: {  	[sflag:s22] =	ssyncset.done $0x0  }
0x58: {  	s18 =	rddreg [dreg:$0x6];
	[sflag:s22] =	ssyncadd.s32 $0xFFFFD8F0  }
0x59: {  	[tilespmem:s28], [sflag:$0x6] =	stream.linear.gather [hbm4b:s18+s9], $0x2710, $0x38;
	[tilespmem:$0x1E818] =	vst v63  }
0x5a: {  	_ =	swait.ge [sflag:s22], $0x2710  }
0x5b: {  	[sflag:s22] =	ssyncset.done $0x0  }
0x5c: {  	[sflag:s22] =	ssyncadd.s32 $0xFFFFD8F0  }
0x5d: {  	s19 =	simm.s32 $0xC620;
	[bflag:$0x0] =	sbarrier.arrive $0xFFFF  }
0x5e: {  	[tilespmem:s19], [sflag:$0x1] =	stream.indirect.gather [hbm4b:s7+s29], $0x20, s16, s29, $0xb8;
	[tilespmem:$0x1E818] =	vst v63  }
0x5f: {  	v1 =	vld [tilespmem:$0x0]  }
0x60: {  	v2 =	vld [tilespmem:$0x2800];
	_ =	sdelay $0x6  }
0x61: {  	v1 =	vld.idx.msk [tilespmem:v1+s26+$0x0], $0xffff  }
0x62: {  	v2 =	vld.idx.msk [tilespmem:v2+s28+$0x0], $0xffff;
	_ =	sdelay $0x4  }
0x63: {  	v1 =	vadd.f32 v2, v1;
	_ =	sdelay $0x1  }
0x64: {  	v2 =	vmul.f32 $2.000000030e-01, v1  }
0x65: {  	vm0 =	vge.f32 v1, $0.0e+00  }
0x66: {  	v1 =	vsel vm0, v1, v2  }
0x67: {  	v1 =	vadd.f32 $-1.000000000e+00, v1;
	_ =	sdelay $0x1  }
0x68: {  	v1 =	vmul.f32 $1.442695020e+00, v1;
	_ =	sdelay $0x1  }
0x69: {  	(erf) = vpow2.f32 v1;
	_ =	sdelay $0x2  }
0x6a: {  	v1 =	vld [tilespmem:$0x10]  }
0x6b: {  	v2 =	vld [tilespmem:$0x2810];
	_ =	sdelay $0x4  }
0x6c: {  	v3 =	vpop (erf)  }
0x6d: {  	[tilespmem:$0x9E20] =	vst v3  }
0x6e: {  	v1 =	vld.idx.msk [tilespmem:v1+s26+$0x0], $0xffff  }
0x6f: {  	v2 =	vld.idx.msk [tilespmem:v2+s28+$0x0], $0xffff;
	_ =	sdelay $0x4  }
0x70: {  	v1 =	vadd.f32 v2, v1;
	_ =	sdelay $0x1  }
0x71: {  	v2 =	vmul.f32 $2.000000030e-01, v1  }
0x72: {  	vm13 =	vge.f32 v1, $0.0e+00  }
0x73: {  	v1 =	vsel vm13, v1, v2  }
0x74: {  	v1 =	vadd.f32 $-1.000000000e+00, v1;
	_ =	sdelay $0x1  }
0x75: {  	v1 =	vmul.f32 $1.442695020e+00, v1;
	_ =	sdelay $0x1  }
0x76: {  	(erf) = vpow2.f32 v1;
	_ =	sdelay $0x2  }
0x77: {  	v1 =	vld [tilespmem:$0x20]  }
0x78: {  	v2 =	vld [tilespmem:$0x2820];
	_ =	sdelay $0x4  }
0x79: {  	v3 =	vpop (erf)  }
0x7a: {  	[tilespmem:$0x9E30] =	vst v3  }
0x7b: {  	v1 =	vld.idx.msk [tilespmem:v1+s26+$0x0], $0xffff  }
0x7c: {  	v2 =	vld.idx.msk [tilespmem:v2+s28+$0x0], $0xffff;
	_ =	sdelay $0x4  }
0x7d: {  	v1 =	vadd.f32 v2, v1;
	_ =	sdelay $0x1  }
0x7e: {  	v2 =	vmul.f32 $2.000000030e-01, v1  }
0x7f: {  	vm14 =	vge.f32 v1, $0.0e+00  }
0x80: {  	v1 =	vsel vm14, v1, v2  }
0x81: {  	v1 =	vadd.f32 $-1.000000000e+00, v1;
	_ =	sdelay $0x1  }
0x82: {  	v1 =	vmul.f32 $1.442695020e+00, v1;
	_ =	sdelay $0x1  }
0x83: {  	(erf) = vpow2.f32 v1;
	_ =	sdelay $0x2  }
0x84: {  	v1 =	vld [tilespmem:$0x30]  }
0x85: {  	v2 =	vld [tilespmem:$0x2830];
	_ =	sdelay $0x4  }
0x86: {  	v3 =	vpop (erf)  }
0x87: {  	[tilespmem:$0x9E40] =	vst v3  }
0x88: {  	v1 =	vld.idx.msk [tilespmem:v1+s26+$0x0], $0xffff  }
0x89: {  	v2 =	vld.idx.msk [tilespmem:v2+s28+$0x0], $0xffff;
	_ =	sdelay $0x4  }
0x8a: {  	v1 =	vadd.f32 v2, v1;
	_ =	sdelay $0x1  }
0x8b: {  	v2 =	vmul.f32 $2.000000030e-01, v1  }
0x8c: {  	vm15 =	vge.f32 v1, $0.0e+00  }
0x8d: {  	v1 =	vsel vm15, v1, v2  }
0x8e: {  	v1 =	vadd.f32 $-1.000000000e+00, v1;
	_ =	sdelay $0x1  }
0x8f: {  	v1 =	vmul.f32 $1.442695020e+00, v1;
	_ =	sdelay $0x1  }
0x90: {  	(erf) = vpow2.f32 v1;
	_ =	sdelay $0x2  }
0x91: {  	v1 =	vld [tilespmem:$0x40]  }
0x92: {  	v2 =	vld [tilespmem:$0x2840];
	_ =	sdelay $0x4  }
0x93: {  	v3 =	vpop (erf)  }
0x94: {  	[tilespmem:$0x9E50] =	vst v3  }
0x95: {  	v1 =	vld.idx.msk [tilespmem:v1+s26+$0x0], $0xffff  }
0x96: {  	v2 =	vld.idx.msk [tilespmem:v2+s28+$0x0], $0xffff;
	_ =	sdelay $0x4  }
0x97: {  	v1 =	vadd.f32 v2, v1;
	_ =	sdelay $0x1  }
0x98: {  	v2 =	vmul.f32 $2.000000030e-01, v1  }
0x99: {  	vm4 =	vge.f32 v1, $0.0e+00  }
0x9a: {  	v1 =	vsel vm4, v1, v2  }
0x9b: {  	v1 =	vadd.f32 $-1.000000000e+00, v1;
	_ =	sdelay $0x1  }
0x9c: {  	v1 =	vmul.f32 $1.442695020e+00, v1;
	_ =	sdelay $0x1  }
0x9d: {  	(erf) = vpow2.f32 v1;
	_ =	sdelay $0x2  }
0x9e: {  	v1 =	vld [tilespmem:$0x50]  }
0x9f: {  	v2 =	vld [tilespmem:$0x2850];
	_ =	sdelay $0x4  }
0xa0: {  	v3 =	vpop (erf)  }
0xa1: {  	[tilespmem:$0x9E60] =	vst v3  }
0xa2: {  	v1 =	vld.idx.msk [tilespmem:v1+s26+$0x0], $0xffff  }
0xa3: {  	v2 =	vld.idx.msk [tilespmem:v2+s28+$0x0], $0xffff;
	_ =	sdelay $0x4  }
0xa4: {  	v1 =	vadd.f32 v2, v1;
	_ =	sdelay $0x1  }
0xa5: {  	v2 =	vmul.f32 $2.000000030e-01, v1  }
0xa6: {  	vm5 =	vge.f32 v1, $0.0e+00  }
0xa7: {  	v1 =	vsel vm5, v1, v2  }
0xa8: {  	v1 =	vadd.f32 $-1.000000000e+00, v1;
	_ =	sdelay $0x1  }
0xa9: {  	v1 =	vmul.f32 $1.442695020e+00, v1;
	_ =	sdelay $0x1  }
0xaa: {  	(erf) = vpow2.f32 v1;
	_ =	sdelay $0x2  }
0xab: {  	v1 =	vld [tilespmem:$0x60]  }
0xac: {  	v2 =	vld [tilespmem:$0x2860];
	_ =	sdelay $0x4  }
0xad: {  	v3 =	vpop (erf)  }
0xae: {  	[tilespmem:$0x9E70] =	vst v3  }
0xaf: {  	v1 =	vld.idx.msk [tilespmem:v1+s26+$0x0], $0xffff  }
0xb0: {  	v2 =	vld.idx.msk [tilespmem:v2+s28+$0x0], $0xffff;
	_ =	sdelay $0x4  }
0xb1: {  	v1 =	vadd.f32 v2, v1;
	_ =	sdelay $0x1  }
0xb2: {  	v2 =	vmul.f32 $2.000000030e-01, v1  }
0xb3: {  	vm6 =	vge.f32 v1, $0.0e+00  }
0xb4: {  	v1 =	vsel vm6, v1, v2  }
0xb5: {  	v1 =	vadd.f32 $-1.000000000e+00, v1;
	_ =	sdelay $0x1  }
0xb6: {  	v1 =	vmul.f32 $1.442695020e+00, v1;
	_ =	sdelay $0x1  }
0xb7: {  	(erf) = vpow2.f32 v1;
	_ =	sdelay $0x2  }
0xb8: {  	v1 =	vld [tilespmem:$0x70]  }
0xb9: {  	v2 =	vld [tilespmem:$0x2870];
	_ =	sdelay $0x4  }
0xba: {  	v3 =	vpop (erf)  }
0xbb: {  	[tilespmem:$0x9E80] =	vst v3  }
0xbc: {  	v1 =	vld.idx.msk [tilespmem:v1+s26+$0x0], $0xffff  }
0xbd: {  	v2 =	vld.idx.msk [tilespmem:v2+s28+$0x0], $0xffff;
	_ =	sdelay $0x4  }
0xbe: {  	v1 =	vadd.f32 v2, v1;
	_ =	sdelay $0x1  }
0xbf: {  	v2 =	vmul.f32 $2.000000030e-01, v1  }
0xc0: {  	vm7 =	vge.f32 v1, $0.0e+00  }
0xc1: {  	v1 =	vsel vm7, v1, v2  }
0xc2: {  	v1 =	vadd.f32 $-1.000000000e+00, v1;
	_ =	sdelay $0x1  }
0xc3: {  	v1 =	vmul.f32 $1.442695020e+00, v1;
	_ =	sdelay $0x1  }
0xc4: {  	(erf) = vpow2.f32 v1;
	_ =	sdelay $0x8  }
0xc5: {  	v1 =	vpop (erf)  }
0xc6: {  	s20 =	simm.s32 $0x2880;
	s21 =	simm.s32 $0xD620;
	[tilespmem:$0x9E90] =	vst v1  }
0xc7: {  	[tilespmem:s21], [sflag:$0x2] =	stream.indirect.gather [hbm4b:s7+s29], $0x20, s20, s29, $0xb8;
	[tilespmem:$0x1E818] =	vst v63  }
0xc8: {  	v1 =	vld [tilespmem:$0x80]  }
0xc9: {  	v2 =	vld [tilespmem:$0x2880];
	_ =	sdelay $0x6  }
0xca: {  	v1 =	vld.idx.msk [tilespmem:v1+s26+$0x0], $0xffff  }
0xcb: {  	v2 =	vld.idx.msk [tilespmem:v2+s28+$0x0], $0xffff;
	_ =	sdelay $0x4  }
0xcc: {  	v1 =	vadd.f32 v2, v1;
	_ =	sdelay $0x1  }
0xcd: {  	v2 =	vmul.f32 $2.000000030e-01, v1  }
0xce: {  	vm8 =	vge.f32 v1, $0.0e+00  }
0xcf: {  	v1 =	vsel vm8, v1, v2  }
0xd0: {  	v1 =	vadd.f32 $-1.000000000e+00, v1;
	_ =	sdelay $0x1  }
0xd1: {  	v1 =	vmul.f32 $1.442695020e+00, v1;
	_ =	sdelay $0x1  }
0xd2: {  	(erf) = vpow2.f32 v1;
	_ =	sdelay $0x2  }
0xd3: {  	v1 =	vld [tilespmem:$0x90]  }
0xd4: {  	v2 =	vld [tilespmem:$0x2890];
	_ =	sdelay $0x4  }
0xd5: {  	v3 =	vpop (erf)  }
0xd6: {  	[tilespmem:$0x9EA0] =	vst v3  }
0xd7: {  	v1 =	vld.idx.msk [tilespmem:v1+s26+$0x0], $0xffff  }
0xd8: {  	v2 =	vld.idx.msk [tilespmem:v2+s28+$0x0], $0xffff;
	_ =	sdelay $0x4  }
0xd9: {  	v1 =	vadd.f32 v2, v1;
	_ =	sdelay $0x1  }
0xda: {  	v2 =	vmul.f32 $2.000000030e-01, v1  }
0xdb: {  	vm9 =	vge.f32 v1, $0.0e+00  }
0xdc: {  	v1 =	vsel vm9, v1, v2  }
0xdd: {  	v1 =	vadd.f32 $-1.000000000e+00, v1;
	_ =	sdelay $0x1  }
0xde: {  	v1 =	vmul.f32 $1.442695020e+00, v1;
	_ =	sdelay $0x1  }
0xdf: {  	(erf) = vpow2.f32 v1;
	_ =	sdelay $0x2  }
0xe0: {  	v1 =	vld [tilespmem:$0xA0]  }
0xe1: {  	v2 =	vld [tilespmem:$0x28A0];
	_ =	sdelay $0x4  }
0xe2: {  	v3 =	vpop (erf)  }
0xe3: {  	[tilespmem:$0x9EB0] =	vst v3  }
0xe4: {  	v1 =	vld.idx.msk [tilespmem:v1+s26+$0x0], $0xffff  }
0xe5: {  	v2 =	vld.idx.msk [tilespmem:v2+s28+$0x0], $0xffff;
	_ =	sdelay $0x4  }
0xe6: {  	v1 =	vadd.f32 v2, v1;
	_ =	sdelay $0x1  }
0xe7: {  	v2 =	vmul.f32 $2.000000030e-01, v1  }
0xe8: {  	vm10 =	vge.f32 v1, $0.0e+00  }
0xe9: {  	v1 =	vsel vm10, v1, v2  }
0xea: {  	v1 =	vadd.f32 $-1.000000000e+00, v1;
	_ =	sdelay $0x1  }
0xeb: {  	v1 =	vmul.f32 $1.442695020e+00, v1;
	_ =	sdelay $0x1  }
0xec: {  	(erf) = vpow2.f32 v1;
	_ =	sdelay $0x2  }
0xed: {  	v1 =	vld [tilespmem:$0xB0]  }
0xee: {  	v2 =	vld [tilespmem:$0x28B0];
	_ =	sdelay $0x4  }
0xef: {  	v3 =	vpop (erf)  }
0xf0: {  	[tilespmem:$0x9EC0] =	vst v3  }
0xf1: {  	v1 =	vld.idx.msk [tilespmem:v1+s26+$0x0], $0xffff  }
0xf2: {  	v2 =	vld.idx.msk [tilespmem:v2+s28+$0x0], $0xffff;
	_ =	sdelay $0x4  }
0xf3: {  	v1 =	vadd.f32 v2, v1;
	_ =	sdelay $0x1  }
0xf4: {  	v2 =	vmul.f32 $2.000000030e-01, v1  }
0xf5: {  	vm11 =	vge.f32 v1, $0.0e+00  }
0xf6: {  	v1 =	vsel vm11, v1, v2  }
0xf7: {  	v1 =	vadd.f32 $-1.000000000e+00, v1;
	_ =	sdelay $0x1  }
0xf8: {  	v1 =	vmul.f32 $1.442695020e+00, v1;
	_ =	sdelay $0x1  }
0xf9: {  	(erf) = vpow2.f32 v1;
	_ =	sdelay $0x2  }
0xfa: {  	v1 =	vld [tilespmem:$0xC0]  }
0xfb: {  	v2 =	vld [tilespmem:$0x28C0];
	_ =	sdelay $0x4  }
0xfc: {  	v3 =	vpop (erf)  }
0xfd: {  	[tilespmem:$0x9ED0] =	vst v3  }
0xfe: {  	v1 =	vld.idx.msk [tilespmem:v1+s26+$0x0], $0xffff  }
0xff: {  	v2 =	vld.idx.msk [tilespmem:v2+s28+$0x0], $0xffff;
	_ =	sdelay $0x4  }
0x100: {  	v1 =	vadd.f32 v2, v1;
	_ =	sdelay $0x1  }
0x101: {  	v2 =	vmul.f32 $2.000000030e-01, v1  }
0x102: {  	vm12 =	vge.f32 v1, $0.0e+00  }
0x103: {  	v1 =	vsel vm12, v1, v2  }
0x104: {  	v1 =	vadd.f32 $-1.000000000e+00, v1;
	_ =	sdelay $0x1  }
0x105: {  	v1 =	vmul.f32 $1.442695020e+00, v1;
	_ =	sdelay $0x1  }
0x106: {  	(erf) = vpow2.f32 v1;
	_ =	sdelay $0x2  }
0x107: {  	v1 =	vld [tilespmem:$0xD0]  }
0x108: {  	v2 =	vld [tilespmem:$0x28D0];
	_ =	sdelay $0x4  }
0x109: {  	v3 =	vpop (erf)  }
0x10a: {  	[tilespmem:$0x9EE0] =	vst v3  }
0x10b: {  	v1 =	vld.idx.msk [tilespmem:v1+s26+$0x0], $0xffff  }
0x10c: {  	v2 =	vld.idx.msk [tilespmem:v2+s28+$0x0], $0xffff;
	_ =	sdelay $0x4  }
0x10d: {  	v1 =	vadd.f32 v2, v1;
	_ =	sdelay $0x1  }
0x10e: {  	v2 =	vmul.f32 $2.000000030e-01, v1  }
0x10f: {  	vm13 =	vge.f32 v1, $0.0e+00  }
0x110: {  	v1 =	vsel vm13, v1, v2  }
0x111: {  	v1 =	vadd.f32 $-1.000000000e+00, v1;
	_ =	sdelay $0x1  }
0x112: {  	v1 =	vmul.f32 $1.442695020e+00, v1;
	_ =	sdelay $0x1  }
0x113: {  	(erf) = vpow2.f32 v1;
	_ =	sdelay $0x2  }
0x114: {  	v1 =	vld [tilespmem:$0xE0]  }
0x115: {  	v2 =	vld [tilespmem:$0x28E0];
	_ =	sdelay $0x4  }
0x116: {  	v3 =	vpop (erf)  }
0x117: {  	[tilespmem:$0x9EF0] =	vst v3  }
0x118: {  	v1 =	vld.idx.msk [tilespmem:v1+s26+$0x0], $0xffff  }
0x119: {  	v2 =	vld.idx.msk [tilespmem:v2+s28+$0x0], $0xffff;
	_ =	sdelay $0x4  }
0x11a: {  	v1 =	vadd.f32 v2, v1;
	_ =	sdelay $0x1  }
0x11b: {  	v2 =	vmul.f32 $2.000000030e-01, v1  }
0x11c: {  	vm14 =	vge.f32 v1, $0.0e+00  }
0x11d: {  	v1 =	vsel vm14, v1, v2  }
0x11e: {  	v1 =	vadd.f32 $-1.000000000e+00, v1;
	_ =	sdelay $0x1  }
0x11f: {  	v1 =	vmul.f32 $1.442695020e+00, v1;
	_ =	sdelay $0x1  }
0x120: {  	(erf) = vpow2.f32 v1;
	_ =	sdelay $0x2  }
0x121: {  	v1 =	vld [tilespmem:$0xF0]  }
0x122: {  	v2 =	vld [tilespmem:$0x28F0];
	_ =	sdelay $0x4  }
0x123: {  	v3 =	vpop (erf)  }
0x124: {  	[tilespmem:$0x9F00] =	vst v3  }
0x125: {  	v1 =	vld.idx.msk [tilespmem:v1+s26+$0x0], $0xffff  }
0x126: {  	v2 =	vld.idx.msk [tilespmem:v2+s28+$0x0], $0xffff;
	_ =	sdelay $0x4  }
0x127: {  	v1 =	vadd.f32 v2, v1;
	_ =	sdelay $0x1  }
0x128: {  	v2 =	vmul.f32 $2.000000030e-01, v1  }
0x129: {  	vm15 =	vge.f32 v1, $0.0e+00  }
0x12a: {  	v1 =	vsel vm15, v1, v2  }
0x12b: {  	v1 =	vadd.f32 $-1.000000000e+00, v1;
	_ =	sdelay $0x1  }
0x12c: {  	v1 =	vmul.f32 $1.442695020e+00, v1;
	_ =	sdelay $0x1  }
0x12d: {  	(erf) = vpow2.f32 v1;
	_ =	sdelay $0x8  }
0x12e: {  	v1 =	vpop (erf)  }
0x12f: {  	[tilespmem:$0x9F10] =	vst v1  }
.LBB2_6:
0x130: {  	p2 =	seq.s32 s9, $0x0  }
0x131: {  	s10 =	simm.s32 @!p2 $0x5  }
0x132: {  	_ =	swait.ge @!p2 [sflag:s10], $0x80  }
0x133: {  	[sflag:s10] =	ssyncset.done @!p2 $0x0  }
0x134: {  	[sflag:s10] =	ssyncadd.s32 @!p2 $0xFFFFFF80  }
0x135: {  	s11 =	sshll.u32 s9, $0x1;
	_ =	swait.ge @!p2 [sflag:s10], $0x80  }
0x136: {  	s12 =	sshll.u32 s9, $0x8;
	s21 =	sor.u32 $0x1, s11;
	[sflag:s10] =	ssyncset.done @!p2 $0x0  }
0x137: {  	s20 =	sadd.s32 $0x9E20, s12;
	[sflag:s10] =	ssyncadd.s32 @!p2 $0xFFFFFF80;
	s10 =	sshll.u32 s21, $0x7  }
0x138: {  	[spmem:s3] =	stream.indirect.scatter.add.f32 [tilespmem:s20], [sflag:$0x5], $0x1, s12, s29, $0xb8;
	[tilespmem:$0x1E818] =	vst v63  }
0x139: {  	p1 =	seq.s32 @!p2 s9, $0x27;
	s14 =	sadd.s32 $0x9E20, s10  }
0x13a: {  	[spmem:s3] =	stream.indirect.scatter.add.f32 [tilespmem:s14], [sflag:$0x5], $0x1, s10, s29, $0xb8;
	[tilespmem:$0x1E818] =	vst v63  }
0x13b: {  	p3 =	por p2, !p1;
	_ =	swait.ge [sflag:s30], $0x1000  }
.Ltmp2:
0x13c: {  	[sflag:s30] =	ssyncset.done $0x0;
	(pc) =	sbr.rel @!p3 .LBB2_8-.Ltmp2, $4  }
0x13d: {  	s14 =	simm.s32 @!p2 $0x3;
	[sflag:s30] =	ssyncadd.s32 $0xFFFFF000  }
0x13e: {  	_ =	swait.ge @!p2 [sflag:s14], $0x2000  }
0x13f: {  	[sflag:s14] =	ssyncset.done @!p2 $0x0  }
0x140: {  	p1 =	por @!p2 $0x1, $0x1;
	[sflag:s14] =	ssyncadd.s32 @!p2 $0xFFFFE000;
	s14 =	sadd.s32 @!p2 $0x2, s11  }
0x141: {  	s14 =	simm.s32 @p2 $0x2  }
0x142: {  	s15 =	sshll.u32 s14, $0x7  }
0x143: {  	v1 =	vld [tilespmem:s15+$0x0]  }
0x144: {  	v2 =	vld [tilespmem:s15+$0x2800];
	_ =	sdelay $0x6  }
0x145: {  	v1 =	vld.idx.msk [tilespmem:v1+s26+$0x0], $0xffff  }
0x146: {  	v2 =	vld.idx.msk [tilespmem:v2+s28+$0x0], $0xffff;
	_ =	sdelay $0x4  }
0x147: {  	v1 =	vadd.f32 v2, v1;
	_ =	sdelay $0x1  }
0x148: {  	v2 =	vmul.f32 $2.000000030e-01, v1  }
0x149: {  	vm0 =	vge.f32 v1, $0.0e+00  }
0x14a: {  	v1 =	vsel vm0, v1, v2  }
0x14b: {  	v1 =	vadd.f32 $-1.000000000e+00, v1;
	_ =	sdelay $0x1  }
0x14c: {  	v1 =	vmul.f32 $1.442695020e+00, v1;
	_ =	sdelay $0x1  }
0x14d: {  	(erf) = vpow2.f32 v1;
	_ =	sdelay $0x3  }
0x14e: {  	v1 =	vld [tilespmem:s15+$0x10]  }
0x14f: {  	v2 =	vld [tilespmem:s15+$0x2810];
	_ =	sdelay $0x3  }
0x150: {  	p1 =	slt.u32 s15, $0x2710;
	v3 =	vpop (erf)  }
0x151: {  	v3 =	vpsel !p1, $0x0, v3  }
0x152: {  	[tilespmem:s15+$0x9E20] =	vst v3  }
0x153: {  	v1 =	vld.idx.msk [tilespmem:v1+s26+$0x0], $0xffff  }
0x154: {  	v2 =	vld.idx.msk [tilespmem:v2+s28+$0x0], $0xffff;
	_ =	sdelay $0x4  }
0x155: {  	v1 =	vadd.f32 v2, v1;
	_ =	sdelay $0x1  }
0x156: {  	v2 =	vmul.f32 $2.000000030e-01, v1  }
0x157: {  	vm9 =	vge.f32 v1, $0.0e+00  }
0x158: {  	v1 =	vsel vm9, v1, v2  }
0x159: {  	v1 =	vadd.f32 $-1.000000000e+00, v1;
	_ =	sdelay $0x1  }
0x15a: {  	v1 =	vmul.f32 $1.442695020e+00, v1;
	_ =	sdelay $0x1  }
0x15b: {  	(erf) = vpow2.f32 v1;
	_ =	sdelay $0x3  }
0x15c: {  	v1 =	vld [tilespmem:s15+$0x20]  }
0x15d: {  	v2 =	vld [tilespmem:s15+$0x2820];
	_ =	sdelay $0x2  }
0x15e: {  	s16 =	sor.u32 $0x10, s15  }
0x15f: {  	p4 =	slt.u32 s16, $0x2710;
	v3 =	vpop (erf)  }
0x160: {  	v3 =	vpsel !p4, $0x0, v3  }
0x161: {  	[tilespmem:s15+$0x9E30] =	vst v3  }
0x162: {  	v1 =	vld.idx.msk [tilespmem:v1+s26+$0x0], $0xffff  }
0x163: {  	v2 =	vld.idx.msk [tilespmem:v2+s28+$0x0], $0xffff;
	_ =	sdelay $0x4  }
0x164: {  	v1 =	vadd.f32 v2, v1;
	_ =	sdelay $0x1  }
0x165: {  	v2 =	vmul.f32 $2.000000030e-01, v1  }
0x166: {  	vm10 =	vge.f32 v1, $0.0e+00  }
0x167: {  	v1 =	vsel vm10, v1, v2  }
0x168: {  	v1 =	vadd.f32 $-1.000000000e+00, v1;
	_ =	sdelay $0x1  }
0x169: {  	v1 =	vmul.f32 $1.442695020e+00, v1;
	_ =	sdelay $0x1  }
0x16a: {  	(erf) = vpow2.f32 v1;
	_ =	sdelay $0x3  }
0x16b: {  	v1 =	vld [tilespmem:s15+$0x30]  }
0x16c: {  	v2 =	vld [tilespmem:s15+$0x2830];
	_ =	sdelay $0x2  }
0x16d: {  	s21 =	sor.u32 $0x20, s15  }
0x16e: {  	p5 =	slt.u32 s21, $0x2710;
	v3 =	vpop (erf)  }
0x16f: {  	v3 =	vpsel !p5, $0x0, v3  }
0x170: {  	[tilespmem:s15+$0x9E40] =	vst v3  }
0x171: {  	v1 =	vld.idx.msk [tilespmem:v1+s26+$0x0], $0xffff  }
0x172: {  	v2 =	vld.idx.msk [tilespmem:v2+s28+$0x0], $0xffff;
	_ =	sdelay $0x4  }
0x173: {  	v1 =	vadd.f32 v2, v1;
	_ =	sdelay $0x1  }
0x174: {  	v2 =	vmul.f32 $2.000000030e-01, v1  }
0x175: {  	vm11 =	vge.f32 v1, $0.0e+00  }
0x176: {  	v1 =	vsel vm11, v1, v2  }
0x177: {  	v1 =	vadd.f32 $-1.000000000e+00, v1;
	_ =	sdelay $0x1  }
0x178: {  	v1 =	vmul.f32 $1.442695020e+00, v1;
	_ =	sdelay $0x1  }
0x179: {  	(erf) = vpow2.f32 v1;
	_ =	sdelay $0x3  }
0x17a: {  	v1 =	vld [tilespmem:s15+$0x40]  }
0x17b: {  	v2 =	vld [tilespmem:s15+$0x2840];
	_ =	sdelay $0x2  }
0x17c: {  	s17 =	sor.u32 $0x30, s15  }
0x17d: {  	p6 =	slt.u32 s17, $0x2710;
	v3 =	vpop (erf)  }
0x17e: {  	v3 =	vpsel !p6, $0x0, v3  }
0x17f: {  	[tilespmem:s15+$0x9E50] =	vst v3  }
0x180: {  	v1 =	vld.idx.msk [tilespmem:v1+s26+$0x0], $0xffff  }
0x181: {  	v2 =	vld.idx.msk [tilespmem:v2+s28+$0x0], $0xffff;
	_ =	sdelay $0x4  }
0x182: {  	v1 =	vadd.f32 v2, v1;
	_ =	sdelay $0x1  }
0x183: {  	v2 =	vmul.f32 $2.000000030e-01, v1  }
0x184: {  	vm12 =	vge.f32 v1, $0.0e+00  }
0x185: {  	v1 =	vsel vm12, v1, v2  }
0x186: {  	v1 =	vadd.f32 $-1.000000000e+00, v1;
	_ =	sdelay $0x1  }
0x187: {  	v1 =	vmul.f32 $1.442695020e+00, v1;
	_ =	sdelay $0x1  }
0x188: {  	(erf) = vpow2.f32 v1;
	_ =	sdelay $0x3  }
0x189: {  	v1 =	vld [tilespmem:s15+$0x50]  }
0x18a: {  	v2 =	vld [tilespmem:s15+$0x2850];
	_ =	sdelay $0x2  }
0x18b: {  	s18 =	sor.u32 $0x40, s15  }
0x18c: {  	p3 =	slt.u32 s18, $0x2710;
	v3 =	vpop (erf)  }
0x18d: {  	v3 =	vpsel !p3, $0x0, v3  }
0x18e: {  	[tilespmem:s15+$0x9E60] =	vst v3  }
0x18f: {  	v1 =	vld.idx.msk [tilespmem:v1+s26+$0x0], $0xffff  }
0x190: {  	v2 =	vld.idx.msk [tilespmem:v2+s28+$0x0], $0xffff;
	_ =	sdelay $0x4  }
0x191: {  	v1 =	vadd.f32 v2, v1;
	_ =	sdelay $0x1  }
0x192: {  	v2 =	vmul.f32 $2.000000030e-01, v1  }
0x193: {  	vm13 =	vge.f32 v1, $0.0e+00  }
0x194: {  	v1 =	vsel vm13, v1, v2  }
0x195: {  	v1 =	vadd.f32 $-1.000000000e+00, v1;
	_ =	sdelay $0x1  }
0x196: {  	v1 =	vmul.f32 $1.442695020e+00, v1;
	_ =	sdelay $0x1  }
0x197: {  	(erf) = vpow2.f32 v1;
	_ =	sdelay $0x3  }
0x198: {  	v1 =	vld [tilespmem:s15+$0x60]  }
0x199: {  	v2 =	vld [tilespmem:s15+$0x2860];
	_ =	sdelay $0x2  }
0x19a: {  	s19 =	sor.u32 $0x50, s15  }
0x19b: {  	p4 =	slt.u32 s19, $0x2710;
	v3 =	vpop (erf)  }
0x19c: {  	v3 =	vpsel !p4, $0x0, v3  }
0x19d: {  	[tilespmem:s15+$0x9E70] =	vst v3  }
0x19e: {  	v1 =	vld.idx.msk [tilespmem:v1+s26+$0x0], $0xffff  }
0x19f: {  	v2 =	vld.idx.msk [tilespmem:v2+s28+$0x0], $0xffff;
	_ =	sdelay $0x4  }
0x1a0: {  	v1 =	vadd.f32 v2, v1;
	_ =	sdelay $0x1  }
0x1a1: {  	v2 =	vmul.f32 $2.000000030e-01, v1  }
0x1a2: {  	vm14 =	vge.f32 v1, $0.0e+00  }
0x1a3: {  	v1 =	vsel vm14, v1, v2  }
0x1a4: {  	v1 =	vadd.f32 $-1.000000000e+00, v1;
	_ =	sdelay $0x1  }
0x1a5: {  	v1 =	vmul.f32 $1.442695020e+00, v1;
	_ =	sdelay $0x1  }
0x1a6: {  	(erf) = vpow2.f32 v1;
	_ =	sdelay $0x3  }
0x1a7: {  	v1 =	vld [tilespmem:s15+$0x70]  }
0x1a8: {  	v2 =	vld [tilespmem:s15+$0x2870];
	_ =	sdelay $0x2  }
0x1a9: {  	s20 =	sor.u32 $0x60, s15  }
0x1aa: {  	p5 =	slt.u32 s20, $0x2710;
	v3 =	vpop (erf)  }
0x1ab: {  	v3 =	vpsel !p5, $0x0, v3  }
0x1ac: {  	[tilespmem:s15+$0x9E80] =	vst v3  }
0x1ad: {  	v1 =	vld.idx.msk [tilespmem:v1+s26+$0x0], $0xffff  }
0x1ae: {  	v2 =	vld.idx.msk [tilespmem:v2+s28+$0x0], $0xffff;
	_ =	sdelay $0x4  }
0x1af: {  	v1 =	vadd.f32 v2, v1;
	_ =	sdelay $0x1  }
0x1b0: {  	v2 =	vmul.f32 $2.000000030e-01, v1  }
0x1b1: {  	vm15 =	vge.f32 v1, $0.0e+00  }
0x1b2: {  	v1 =	vsel vm15, v1, v2  }
0x1b3: {  	v1 =	vadd.f32 $-1.000000000e+00, v1;
	_ =	sdelay $0x1  }
0x1b4: {  	v1 =	vmul.f32 $1.442695020e+00, v1;
	_ =	sdelay $0x1  }
0x1b5: {  	(erf) = vpow2.f32 v1;
	_ =	sdelay $0x7  }
0x1b6: {  	s21 =	sor.u32 $0x70, s15  }
0x1b7: {  	p6 =	slt.u32 s21, $0x2710;
	v1 =	vpop (erf)  }
0x1b8: {  	v1 =	vpsel !p6, $0x0, v1  }
0x1b9: {  	p1 =	por $0x0, $0x0;
	[tilespmem:s15+$0x9E90] =	vst v1  }
.LBB2_8:
0x1ba: {  	s15 =	simm.s32 $0x0  }
0x1bb: {  	s16 =	sshll.u32 s11, $0x7;
	v2 =	vmov s15  }
0x1bc: {  	v1 =	vmov s16;
	v2 =	vand.u32 $0x7C, v2  }
0x1bd: {  	v2 =	vor.u32 v1, v2  }
0x1be: {  	v2 =	vbroadcast v2, $0x0;
	_ =	sdelay $0x3  }
0x1bf: {  	s16 =	simm.s32 $0xC660  }
0x1c0: {  	v3 =	vld [tilespmem:s16+$0xFFFFFFC0]  }
0x1c1: {  	v2 =	vld.idx.msk [tilespmem:v2+s1+$0x0], $0xffff;
	_ =	sdelay $0x3  }
0x1c2: {  	v4 =	vunpack.i.l.bf16.f32 v3  }
0x1c3: {  	v3 =	vunpack.i.u.bf16.f32 v3;
	v4 =	vmul.f32 v4, v2  }
0x1c4: {  	s15 =	simm.s32 $0xE6A0;
	v3 =	vmul.f32 v3, v2  }
0x1c5: {  	[tilespmem:s15+$0xFFFFFF80] =	vst v4  }
0x1c6: {  	[tilespmem:s15+$0xFFFFFF90] =	vst v3  }
0x1c7: {  	v3 =	vld [tilespmem:s16+$0xFFFFFFD0]  }
0x1c8: {  	s17 =	simm.s32 $0x1  }
0x1c9: {  	v4 =	vmov s17  }
0x1ca: {  	v4 =	vand.u32 $0x7D, v4  }
0x1cb: {  	v4 =	vor.u32 v1, v4  }
0x1cc: {  	v4 =	vbroadcast v4, $0x0;
	v5 =	vunpack.i.l.bf16.f32 v3  }
0x1cd: {  	v3 =	vunpack.i.u.bf16.f32 v3;
	v5 =	vmul.f32 v5, v2  }
0x1ce: {  	v2 =	vmul.f32 v3, v2  }
0x1cf: {  	[tilespmem:s15+$0xFFFFFFA0] =	vst v5  }
0x1d0: {  	[tilespmem:s15+$0xFFFFFFB0] =	vst v2  }
0x1d1: {  	v2 =	vld [tilespmem:s16+$0xFFFFFFE0]  }
0x1d2: {  	v3 =	vld.idx.msk [tilespmem:v4+s1+$0x0], $0xffff;
	_ =	sdelay $0x3  }
0x1d3: {  	v4 =	vunpack.i.l.bf16.f32 v2  }
0x1d4: {  	v2 =	vunpack.i.u.bf16.f32 v2;
	v4 =	vmul.f32 v4, v3  }
0x1d5: {  	v2 =	vmul.f32 v2, v3  }
0x1d6: {  	[tilespmem:s15+$0xFFFFFFC0] =	vst v4  }
0x1d7: {  	[tilespmem:s15+$0xFFFFFFD0] =	vst v2  }
0x1d8: {  	v2 =	vld [tilespmem:s16+$0xFFFFFFF0]  }
0x1d9: {  	s20 =	simm.s32 $0x2  }
0x1da: {  	v4 =	vmov s20  }
0x1db: {  	v4 =	vand.u32 $0x7E, v4  }
0x1dc: {  	v4 =	vor.u32 v1, v4  }
0x1dd: {  	v4 =	vbroadcast v4, $0x0;
	v5 =	vunpack.i.l.bf16.f32 v2  }
0x1de: {  	v2 =	vunpack.i.u.bf16.f32 v2;
	v5 =	vmul.f32 v5, v3  }
0x1df: {  	v2 =	vmul.f32 v2, v3  }
0x1e0: {  	[tilespmem:s15+$0xFFFFFFE0] =	vst v5  }
0x1e1: {  	[tilespmem:s15+$0xFFFFFFF0] =	vst v2  }
0x1e2: {  	v2 =	vld [tilespmem:s16+$0x0]  }
0x1e3: {  	v3 =	vld.idx.msk [tilespmem:v4+s1+$0x0], $0xffff;
	_ =	sdelay $0x3  }
0x1e4: {  	v4 =	vunpack.i.l.bf16.f32 v2  }
0x1e5: {  	v2 =	vunpack.i.u.bf16.f32 v2;
	v4 =	vmul.f32 v4, v3  }
0x1e6: {  	v2 =	vmul.f32 v2, v3  }
0x1e7: {  	[tilespmem:s15+$0x0] =	vst v4  }
0x1e8: {  	[tilespmem:s15+$0x10] =	vst v2  }
0x1e9: {  	v2 =	vld [tilespmem:s16+$0x10]  }
0x1ea: {  	s21 =	simm.s32 $0x3  }
0x1eb: {  	v4 =	vmov s21  }
0x1ec: {  	v4 =	vand.u32 $0x7F, v4  }
0x1ed: {  	v4 =	vor.u32 v1, v4  }
0x1ee: {  	v4 =	vbroadcast v4, $0x0;
	v5 =	vunpack.i.l.bf16.f32 v2  }
0x1ef: {  	v2 =	vunpack.i.u.bf16.f32 v2;
	v5 =	vmul.f32 v5, v3  }
0x1f0: {  	v2 =	vmul.f32 v2, v3  }
0x1f1: {  	[tilespmem:s15+$0x20] =	vst v5  }
0x1f2: {  	[tilespmem:s15+$0x30] =	vst v2  }
0x1f3: {  	v3 =	vld [tilespmem:s16+$0x20]  }
0x1f4: {  	v2 =	vld.idx.msk [tilespmem:v4+s1+$0x0], $0xffff;
	_ =	sdelay $0x3  }
0x1f5: {  	v5 =	vunpack.i.u.bf16.f32 v3;
	v3 =	vunpack.i.l.bf16.f32 v3  }
0x1f6: {  	s19 =	simm.s32 $0xE6A0;
	s18 =	simm.s32 $0xC660;
	s17 =	simm.s32 $0x4;
	v4 =	vmul.f32 v3, v2;
	v3 =	vmul.f32 v5, v2  }
.LBB2_9:
0x1f7: {  	_ = 	snop  }
0x1f8: {  	p3 =	slt.u32 s17, $0x7C;
	s16 =	sadd.s32 $0x80, s16;
	s19 =	sadd.s32 $0x100, s19;
	[tilespmem:s15+$0x40] =	vst v4  }
0x1f9: {  	s20 =	smov.u32 s17;
	s17 =	sadd.s32 $0x4, s17;
	[tilespmem:s15+$0x50] =	vst v3  }
0x1fa: {  	v3 =	vld [tilespmem:s18+$0x30];
	s18 =	smov.u32 s16;
	_ =	sdelay $0x1  }
0x1fb: {  	v4 =	vmov s20  }
0x1fc: {  	v4 =	vand.u32 $0x7C, v4  }
0x1fd: {  	v4 =	vor.u32 v1, v4  }
0x1fe: {  	v4 =	vbroadcast v4, $0x0;
	v5 =	vunpack.i.u.bf16.f32 v3;
	v3 =	vunpack.i.l.bf16.f32 v3  }
0x1ff: {  	v3 =	vmul.f32 v3, v2;
	v2 =	vmul.f32 v5, v2;
	_ =	sdelay $0x1  }
0x200: {  	[tilespmem:s15+$0x60] =	vst v3  }
0x201: {  	[tilespmem:s15+$0x70] =	vst v2;
	s15 =	smov.u32 s19  }
0x202: {  	v2 =	vld [tilespmem:s16+$0xFFFFFFC0]  }
0x203: {  	v3 =	vld.idx.msk [tilespmem:v4+s1+$0x0], $0xffff;
	_ =	sdelay $0x4  }
0x204: {  	v4 =	vunpack.i.u.bf16.f32 v2;
	v2 =	vunpack.i.l.bf16.f32 v2  }
0x205: {  	v2 =	vmul.f32 v2, v3;
	v4 =	vmul.f32 v4, v3;
	_ =	sdelay $0x1  }
0x206: {  	[tilespmem:s19+$0xFFFFFF80] =	vst v2  }
0x207: {  	[tilespmem:s19+$0xFFFFFF90] =	vst v4  }
0x208: {  	s21 =	sadd.s32 $0x1, s20;
	v2 =	vld [tilespmem:s16+$0xFFFFFFD0]  }
0x209: {  	v4 =	vmov s21  }
0x20a: {  	v4 =	vand.u32 $0x7D, v4  }
0x20b: {  	v4 =	vor.u32 v1, v4  }
0x20c: {  	v4 =	vbroadcast v4, $0x0  }
0x20d: {  	v5 =	vunpack.i.u.bf16.f32 v2;
	v2 =	vunpack.i.l.bf16.f32 v2  }
0x20e: {  	v2 =	vmul.f32 v2, v3;
	v3 =	vmul.f32 v5, v3;
	_ =	sdelay $0x1  }
0x20f: {  	[tilespmem:s19+$0xFFFFFFA0] =	vst v2  }
0x210: {  	[tilespmem:s19+$0xFFFFFFB0] =	vst v3  }
0x211: {  	v2 =	vld.idx.msk [tilespmem:v4+s1+$0x0], $0xffff  }
0x212: {  	v3 =	vld [tilespmem:s16+$0xFFFFFFE0];
	_ =	sdelay $0x4  }
0x213: {  	v4 =	vunpack.i.u.bf16.f32 v3;
	v3 =	vunpack.i.l.bf16.f32 v3  }
0x214: {  	v3 =	vmul.f32 v3, v2;
	v4 =	vmul.f32 v4, v2;
	_ =	sdelay $0x1  }
0x215: {  	[tilespmem:s19+$0xFFFFFFC0] =	vst v3  }
0x216: {  	[tilespmem:s19+$0xFFFFFFD0] =	vst v4  }
0x217: {  	s21 =	sadd.s32 $0x2, s20;
	v3 =	vld [tilespmem:s16+$0xFFFFFFF0]  }
0x218: {  	v4 =	vmov s21  }
0x219: {  	v4 =	vand.u32 $0x7E, v4  }
0x21a: {  	v4 =	vor.u32 v1, v4  }
0x21b: {  	v4 =	vbroadcast v4, $0x0  }
0x21c: {  	v5 =	vunpack.i.u.bf16.f32 v3;
	v3 =	vunpack.i.l.bf16.f32 v3  }
0x21d: {  	v3 =	vmul.f32 v3, v2;
	v2 =	vmul.f32 v5, v2;
	_ =	sdelay $0x1  }
0x21e: {  	[tilespmem:s19+$0xFFFFFFE0] =	vst v3  }
0x21f: {  	[tilespmem:s19+$0xFFFFFFF0] =	vst v2  }
0x220: {  	v2 =	vld.idx.msk [tilespmem:v4+s1+$0x0], $0xffff  }
0x221: {  	v3 =	vld [tilespmem:s16+$0x0];
	_ =	sdelay $0x4  }
0x222: {  	v4 =	vunpack.i.u.bf16.f32 v3;
	v3 =	vunpack.i.l.bf16.f32 v3  }
0x223: {  	v3 =	vmul.f32 v3, v2;
	v4 =	vmul.f32 v4, v2;
	_ =	sdelay $0x1  }
0x224: {  	[tilespmem:s19+$0x0] =	vst v3  }
0x225: {  	[tilespmem:s19+$0x10] =	vst v4  }
0x226: {  	s20 =	sadd.s32 $0x3, s20;
	v3 =	vld [tilespmem:s16+$0x10]  }
0x227: {  	v4 =	vmov s20  }
0x228: {  	v4 =	vand.u32 $0x7F, v4  }
0x229: {  	v4 =	vor.u32 v1, v4  }
0x22a: {  	v4 =	vbroadcast v4, $0x0  }
0x22b: {  	v5 =	vunpack.i.u.bf16.f32 v3;
	v3 =	vunpack.i.l.bf16.f32 v3  }
0x22c: {  	v3 =	vmul.f32 v3, v2;
	v2 =	vmul.f32 v5, v2;
	_ =	sdelay $0x1  }
0x22d: {  	[tilespmem:s19+$0x20] =	vst v3  }
0x22e: {  	[tilespmem:s19+$0x30] =	vst v2  }
0x22f: {  	v2 =	vld.idx.msk [tilespmem:v4+s1+$0x0], $0xffff  }
0x230: {  	v3 =	vld [tilespmem:s16+$0x20];
	_ =	sdelay $0x1  }
.Ltmp3:
0x231: {  	(pc) =	sbr.rel @p3 .LBB2_9-.Ltmp3, $3  }
0x232: {  	_ =	sdelay $0x1  }
0x233: {  	v5 =	vunpack.i.u.bf16.f32 v3;
	v3 =	vunpack.i.l.bf16.f32 v3  }
0x234: {  	v4 =	vmul.f32 v3, v2;
	v3 =	vmul.f32 v5, v2  }
0x235: {  	_ = 	snop  }
0x236: {  	[tilespmem:s15+$0x40] =	vst v4  }
0x237: {  	[tilespmem:s15+$0x50] =	vst v3  }
0x238: {  	v1 =	vld [tilespmem:s18+$0x30];
	_ =	sdelay $0x4  }
0x239: {  	v3 =	vunpack.i.l.bf16.f32 v1  }
0x23a: {  	v1 =	vunpack.i.u.bf16.f32 v1;
	v3 =	vmul.f32 v3, v2  }
0x23b: {  	s14 =	sshll.u32 @!p1 s14, $0x7;
	v1 =	vmul.f32 v1, v2  }
0x23c: {  	s14 =	sand.u32 @!p1 $0x3FFFFF80, s14;
	[tilespmem:s15+$0x60] =	vst v3  }
0x23d: {  	s16 =	simm.s32 @!p1 $0xC620;
	s14 =	sadd.s32 @!p1 $0x2800, s14;
	[tilespmem:s15+$0x70] =	vst v1;
	s15 =	simm.s32 @!p1 $0x80  }
0x23e: {  	[tilespmem:s16], [sflag:$0x1] =	stream.indirect.gather @!p1 [hbm4b:s7+s15], $0x20, s14, s15, $0xb8;
	[tilespmem:$0x1E818] =	vst v63  }
0x23f: {  	_ = 	snop  }
0x240: {  	[spmem:s2] =	stream.indirect.scatter.add.f32 [tilespmem:s0], [sflag:$0x3], $0x40, s12, s29, $0xb8;
	[tilespmem:$0x1E818] =	vst v63  }
0x241: {  	_ =	swait.ge [sflag:s31], $0x1000  }
.Ltmp4:
0x242: {  	[sflag:s31] =	ssyncset.done $0x0;
	(pc) =	sbr.rel @p1 .LBB2_12-.Ltmp4, $4  }
0x243: {  	s12 =	simm.s32 @!p2 $0x4;
	[sflag:s31] =	ssyncadd.s32 $0xFFFFF000  }
0x244: {  	_ =	swait.ge @!p2 [sflag:s12], $0x2000  }
0x245: {  	[sflag:s12] =	ssyncset.done @!p2 $0x0  }
0x246: {  	s11 =	sadd.s32 $0x3, s11;
	[sflag:s12] =	ssyncadd.s32 @!p2 $0xFFFFE000  }
0x247: {  	s12 =	sshll.u32 s11, $0x7  }
0x248: {  	v1 =	vld [tilespmem:s12+$0x0]  }
0x249: {  	v2 =	vld [tilespmem:s12+$0x2800];
	_ =	sdelay $0x6  }
0x24a: {  	v1 =	vld.idx.msk [tilespmem:v1+s26+$0x0], $0xffff  }
0x24b: {  	v2 =	vld.idx.msk [tilespmem:v2+s28+$0x0], $0xffff;
	_ =	sdelay $0x4  }
0x24c: {  	v1 =	vadd.f32 v2, v1;
	_ =	sdelay $0x1  }
0x24d: {  	v2 =	vmul.f32 $2.000000030e-01, v1  }
0x24e: {  	vm0 =	vge.f32 v1, $0.0e+00  }
0x24f: {  	v1 =	vsel vm0, v1, v2  }
0x250: {  	v1 =	vadd.f32 $-1.000000000e+00, v1;
	_ =	sdelay $0x1  }
0x251: {  	v1 =	vmul.f32 $1.442695020e+00, v1;
	_ =	sdelay $0x1  }
0x252: {  	(erf) = vpow2.f32 v1;
	_ =	sdelay $0x3  }
0x253: {  	v1 =	vld [tilespmem:s12+$0x10]  }
0x254: {  	v2 =	vld [tilespmem:s12+$0x2810];
	_ =	sdelay $0x3  }
0x255: {  	p2 =	slt.u32 s12, $0x2710;
	v3 =	vpop (erf)  }
0x256: {  	v3 =	vpsel !p2, $0x0, v3  }
0x257: {  	[tilespmem:s12+$0x9E20] =	vst v3  }
0x258: {  	v1 =	vld.idx.msk [tilespmem:v1+s26+$0x0], $0xffff  }
0x259: {  	v2 =	vld.idx.msk [tilespmem:v2+s28+$0x0], $0xffff;
	_ =	sdelay $0x4  }
0x25a: {  	v1 =	vadd.f32 v2, v1;
	_ =	sdelay $0x1  }
0x25b: {  	v2 =	vmul.f32 $2.000000030e-01, v1  }
0x25c: {  	vm9 =	vge.f32 v1, $0.0e+00  }
0x25d: {  	v1 =	vsel vm9, v1, v2  }
0x25e: {  	v1 =	vadd.f32 $-1.000000000e+00, v1;
	_ =	sdelay $0x1  }
0x25f: {  	v1 =	vmul.f32 $1.442695020e+00, v1;
	_ =	sdelay $0x1  }
0x260: {  	(erf) = vpow2.f32 v1;
	_ =	sdelay $0x3  }
0x261: {  	v1 =	vld [tilespmem:s12+$0x20]  }
0x262: {  	v2 =	vld [tilespmem:s12+$0x2820];
	_ =	sdelay $0x2  }
0x263: {  	s14 =	sor.u32 $0x10, s12  }
0x264: {  	p4 =	slt.u32 s14, $0x2710;
	v3 =	vpop (erf)  }
0x265: {  	v3 =	vpsel !p4, $0x0, v3  }
0x266: {  	[tilespmem:s12+$0x9E30] =	vst v3  }
0x267: {  	v1 =	vld.idx.msk [tilespmem:v1+s26+$0x0], $0xffff  }
0x268: {  	v2 =	vld.idx.msk [tilespmem:v2+s28+$0x0], $0xffff;
	_ =	sdelay $0x4  }
0x269: {  	v1 =	vadd.f32 v2, v1;
	_ =	sdelay $0x1  }
0x26a: {  	v2 =	vmul.f32 $2.000000030e-01, v1  }
0x26b: {  	vm10 =	vge.f32 v1, $0.0e+00  }
0x26c: {  	v1 =	vsel vm10, v1, v2  }
0x26d: {  	v1 =	vadd.f32 $-1.000000000e+00, v1;
	_ =	sdelay $0x1  }
0x26e: {  	v1 =	vmul.f32 $1.442695020e+00, v1;
	_ =	sdelay $0x1  }
0x26f: {  	(erf) = vpow2.f32 v1;
	_ =	sdelay $0x3  }
0x270: {  	v1 =	vld [tilespmem:s12+$0x30]  }
0x271: {  	v2 =	vld [tilespmem:s12+$0x2830];
	_ =	sdelay $0x2  }
0x272: {  	s16 =	sor.u32 $0x20, s12  }
0x273: {  	p5 =	slt.u32 s16, $0x2710;
	v3 =	vpop (erf)  }
0x274: {  	v3 =	vpsel !p5, $0x0, v3  }
0x275: {  	[tilespmem:s12+$0x9E40] =	vst v3  }
0x276: {  	v1 =	vld.idx.msk [tilespmem:v1+s26+$0x0], $0xffff  }
0x277: {  	v2 =	vld.idx.msk [tilespmem:v2+s28+$0x0], $0xffff;
	_ =	sdelay $0x4  }
0x278: {  	v1 =	vadd.f32 v2, v1;
	_ =	sdelay $0x1  }
0x279: {  	v2 =	vmul.f32 $2.000000030e-01, v1  }
0x27a: {  	vm11 =	vge.f32 v1, $0.0e+00  }
0x27b: {  	v1 =	vsel vm11, v1, v2  }
0x27c: {  	v1 =	vadd.f32 $-1.000000000e+00, v1;
	_ =	sdelay $0x1  }
0x27d: {  	v1 =	vmul.f32 $1.442695020e+00, v1;
	_ =	sdelay $0x1  }
0x27e: {  	(erf) = vpow2.f32 v1;
	_ =	sdelay $0x3  }
0x27f: {  	v1 =	vld [tilespmem:s12+$0x40]  }
0x280: {  	v2 =	vld [tilespmem:s12+$0x2840];
	_ =	sdelay $0x2  }
0x281: {  	s17 =	sor.u32 $0x30, s12  }
0x282: {  	p6 =	slt.u32 s17, $0x2710;
	v3 =	vpop (erf)  }
0x283: {  	v3 =	vpsel !p6, $0x0, v3  }
0x284: {  	[tilespmem:s12+$0x9E50] =	vst v3  }
0x285: {  	v1 =	vld.idx.msk [tilespmem:v1+s26+$0x0], $0xffff  }
0x286: {  	v2 =	vld.idx.msk [tilespmem:v2+s28+$0x0], $0xffff;
	_ =	sdelay $0x4  }
0x287: {  	v1 =	vadd.f32 v2, v1;
	_ =	sdelay $0x1  }
0x288: {  	v2 =	vmul.f32 $2.000000030e-01, v1  }
0x289: {  	vm12 =	vge.f32 v1, $0.0e+00  }
0x28a: {  	v1 =	vsel vm12, v1, v2  }
0x28b: {  	v1 =	vadd.f32 $-1.000000000e+00, v1;
	_ =	sdelay $0x1  }
0x28c: {  	v1 =	vmul.f32 $1.442695020e+00, v1;
	_ =	sdelay $0x1  }
0x28d: {  	(erf) = vpow2.f32 v1;
	_ =	sdelay $0x3  }
0x28e: {  	v1 =	vld [tilespmem:s12+$0x50]  }
0x28f: {  	v2 =	vld [tilespmem:s12+$0x2850];
	_ =	sdelay $0x2  }
0x290: {  	s18 =	sor.u32 $0x40, s12  }
0x291: {  	p3 =	slt.u32 s18, $0x2710;
	v3 =	vpop (erf)  }
0x292: {  	v3 =	vpsel !p3, $0x0, v3  }
0x293: {  	[tilespmem:s12+$0x9E60] =	vst v3  }
0x294: {  	v1 =	vld.idx.msk [tilespmem:v1+s26+$0x0], $0xffff  }
0x295: {  	v2 =	vld.idx.msk [tilespmem:v2+s28+$0x0], $0xffff;
	_ =	sdelay $0x4  }
0x296: {  	v1 =	vadd.f32 v2, v1;
	_ =	sdelay $0x1  }
0x297: {  	v2 =	vmul.f32 $2.000000030e-01, v1  }
0x298: {  	vm13 =	vge.f32 v1, $0.0e+00  }
0x299: {  	v1 =	vsel vm13, v1, v2  }
0x29a: {  	v1 =	vadd.f32 $-1.000000000e+00, v1;
	_ =	sdelay $0x1  }
0x29b: {  	v1 =	vmul.f32 $1.442695020e+00, v1;
	_ =	sdelay $0x1  }
0x29c: {  	(erf) = vpow2.f32 v1;
	_ =	sdelay $0x3  }
0x29d: {  	v1 =	vld [tilespmem:s12+$0x60]  }
0x29e: {  	v2 =	vld [tilespmem:s12+$0x2860];
	_ =	sdelay $0x2  }
0x29f: {  	s19 =	sor.u32 $0x50, s12  }
0x2a0: {  	p4 =	slt.u32 s19, $0x2710;
	v3 =	vpop (erf)  }
0x2a1: {  	v3 =	vpsel !p4, $0x0, v3  }
0x2a2: {  	[tilespmem:s12+$0x9E70] =	vst v3  }
0x2a3: {  	v1 =	vld.idx.msk [tilespmem:v1+s26+$0x0], $0xffff  }
0x2a4: {  	v2 =	vld.idx.msk [tilespmem:v2+s28+$0x0], $0xffff;
	_ =	sdelay $0x4  }
0x2a5: {  	v1 =	vadd.f32 v2, v1;
	_ =	sdelay $0x1  }
0x2a6: {  	v2 =	vmul.f32 $2.000000030e-01, v1  }
0x2a7: {  	vm14 =	vge.f32 v1, $0.0e+00  }
0x2a8: {  	v1 =	vsel vm14, v1, v2  }
0x2a9: {  	v1 =	vadd.f32 $-1.000000000e+00, v1;
	_ =	sdelay $0x1  }
0x2aa: {  	v1 =	vmul.f32 $1.442695020e+00, v1;
	_ =	sdelay $0x1  }
0x2ab: {  	(erf) = vpow2.f32 v1;
	_ =	sdelay $0x3  }
0x2ac: {  	v1 =	vld [tilespmem:s12+$0x70]  }
0x2ad: {  	v2 =	vld [tilespmem:s12+$0x2870];
	_ =	sdelay $0x2  }
0x2ae: {  	s20 =	sor.u32 $0x60, s12  }
0x2af: {  	p5 =	slt.u32 s20, $0x2710;
	v3 =	vpop (erf)  }
0x2b0: {  	v3 =	vpsel !p5, $0x0, v3  }
0x2b1: {  	[tilespmem:s12+$0x9E80] =	vst v3  }
0x2b2: {  	v1 =	vld.idx.msk [tilespmem:v1+s26+$0x0], $0xffff  }
0x2b3: {  	v2 =	vld.idx.msk [tilespmem:v2+s28+$0x0], $0xffff;
	_ =	sdelay $0x4  }
0x2b4: {  	v1 =	vadd.f32 v2, v1;
	_ =	sdelay $0x1  }
0x2b5: {  	v2 =	vmul.f32 $2.000000030e-01, v1  }
0x2b6: {  	vm15 =	vge.f32 v1, $0.0e+00  }
0x2b7: {  	v1 =	vsel vm15, v1, v2  }
0x2b8: {  	v1 =	vadd.f32 $-1.000000000e+00, v1;
	_ =	sdelay $0x1  }
0x2b9: {  	v1 =	vmul.f32 $1.442695020e+00, v1;
	_ =	sdelay $0x1  }
0x2ba: {  	(erf) = vpow2.f32 v1;
	_ =	sdelay $0x7  }
0x2bb: {  	s21 =	sor.u32 $0x70, s12  }
0x2bc: {  	p6 =	slt.u32 s21, $0x2710;
	v1 =	vpop (erf)  }
0x2bd: {  	v1 =	vpsel !p6, $0x0, v1  }
0x2be: {  	[tilespmem:s12+$0x9E90] =	vst v1  }
.LBB2_12:
0x2bf: {  	s12 =	simm.s32 $0x0  }
0x2c0: {  	v2 =	vmov s12  }
0x2c1: {  	v1 =	vmov s10;
	v2 =	vand.u32 $0x7C, v2  }
0x2c2: {  	v2 =	vor.u32 v1, v2  }
0x2c3: {  	v2 =	vbroadcast v2, $0x0;
	_ =	sdelay $0x3  }
0x2c4: {  	s14 =	simm.s32 $0xD660  }
0x2c5: {  	v3 =	vld [tilespmem:s14+$0xFFFFFFC0]  }
0x2c6: {  	v2 =	vld.idx.msk [tilespmem:v2+s1+$0x0], $0xffff;
	_ =	sdelay $0x3  }
0x2c7: {  	v4 =	vunpack.i.l.bf16.f32 v3  }
0x2c8: {  	v3 =	vunpack.i.u.bf16.f32 v3;
	v4 =	vmul.f32 v4, v2  }
0x2c9: {  	s12 =	simm.s32 $0x106A0;
	v3 =	vmul.f32 v3, v2  }
0x2ca: {  	[tilespmem:s12+$0xFFFFFF80] =	vst v4  }
0x2cb: {  	[tilespmem:s12+$0xFFFFFF90] =	vst v3  }
0x2cc: {  	v3 =	vld [tilespmem:s14+$0xFFFFFFD0]  }
0x2cd: {  	s15 =	simm.s32 $0x1  }
0x2ce: {  	v4 =	vmov s15  }
0x2cf: {  	v4 =	vand.u32 $0x7D, v4  }
0x2d0: {  	v4 =	vor.u32 v1, v4  }
0x2d1: {  	v4 =	vbroadcast v4, $0x0;
	v5 =	vunpack.i.l.bf16.f32 v3  }
0x2d2: {  	v3 =	vunpack.i.u.bf16.f32 v3;
	v5 =	vmul.f32 v5, v2  }
0x2d3: {  	v2 =	vmul.f32 v3, v2  }
0x2d4: {  	[tilespmem:s12+$0xFFFFFFA0] =	vst v5  }
0x2d5: {  	[tilespmem:s12+$0xFFFFFFB0] =	vst v2  }
0x2d6: {  	v2 =	vld [tilespmem:s14+$0xFFFFFFE0]  }
0x2d7: {  	v3 =	vld.idx.msk [tilespmem:v4+s1+$0x0], $0xffff;
	_ =	sdelay $0x3  }
0x2d8: {  	v4 =	vunpack.i.l.bf16.f32 v2  }
0x2d9: {  	v2 =	vunpack.i.u.bf16.f32 v2;
	v4 =	vmul.f32 v4, v3  }
0x2da: {  	v2 =	vmul.f32 v2, v3  }
0x2db: {  	[tilespmem:s12+$0xFFFFFFC0] =	vst v4  }
0x2dc: {  	[tilespmem:s12+$0xFFFFFFD0] =	vst v2  }
0x2dd: {  	v2 =	vld [tilespmem:s14+$0xFFFFFFF0]  }
0x2de: {  	s20 =	simm.s32 $0x2  }
0x2df: {  	v4 =	vmov s20  }
0x2e0: {  	v4 =	vand.u32 $0x7E, v4  }
0x2e1: {  	v4 =	vor.u32 v1, v4  }
0x2e2: {  	v4 =	vbroadcast v4, $0x0;
	v5 =	vunpack.i.l.bf16.f32 v2  }
0x2e3: {  	v2 =	vunpack.i.u.bf16.f32 v2;
	v5 =	vmul.f32 v5, v3  }
0x2e4: {  	v2 =	vmul.f32 v2, v3  }
0x2e5: {  	[tilespmem:s12+$0xFFFFFFE0] =	vst v5  }
0x2e6: {  	[tilespmem:s12+$0xFFFFFFF0] =	vst v2  }
0x2e7: {  	v2 =	vld [tilespmem:s14+$0x0]  }
0x2e8: {  	v3 =	vld.idx.msk [tilespmem:v4+s1+$0x0], $0xffff;
	_ =	sdelay $0x3  }
0x2e9: {  	v4 =	vunpack.i.l.bf16.f32 v2  }
0x2ea: {  	v2 =	vunpack.i.u.bf16.f32 v2;
	v4 =	vmul.f32 v4, v3  }
0x2eb: {  	v2 =	vmul.f32 v2, v3  }
0x2ec: {  	[tilespmem:s12+$0x0] =	vst v4  }
0x2ed: {  	[tilespmem:s12+$0x10] =	vst v2  }
0x2ee: {  	v2 =	vld [tilespmem:s14+$0x10]  }
0x2ef: {  	s21 =	simm.s32 $0x3  }
0x2f0: {  	v4 =	vmov s21  }
0x2f1: {  	v4 =	vand.u32 $0x7F, v4  }
0x2f2: {  	v4 =	vor.u32 v1, v4  }
0x2f3: {  	v4 =	vbroadcast v4, $0x0;
	v5 =	vunpack.i.l.bf16.f32 v2  }
0x2f4: {  	v2 =	vunpack.i.u.bf16.f32 v2;
	v5 =	vmul.f32 v5, v3  }
0x2f5: {  	v2 =	vmul.f32 v2, v3  }
0x2f6: {  	[tilespmem:s12+$0x20] =	vst v5  }
0x2f7: {  	[tilespmem:s12+$0x30] =	vst v2  }
0x2f8: {  	v3 =	vld [tilespmem:s14+$0x20]  }
0x2f9: {  	v2 =	vld.idx.msk [tilespmem:v4+s1+$0x0], $0xffff;
	_ =	sdelay $0x3  }
0x2fa: {  	v5 =	vunpack.i.u.bf16.f32 v3;
	v3 =	vunpack.i.l.bf16.f32 v3  }
0x2fb: {  	s17 =	simm.s32 $0x106A0;
	s16 =	simm.s32 $0xD660;
	s15 =	simm.s32 $0x4;
	v4 =	vmul.f32 v3, v2;
	v3 =	vmul.f32 v5, v2  }
.LBB2_13:
0x2fc: {  	_ = 	snop  }
0x2fd: {  	p2 =	slt.u32 s15, $0x7C;
	s14 =	sadd.s32 $0x80, s14;
	s17 =	sadd.s32 $0x100, s17;
	[tilespmem:s12+$0x40] =	vst v4  }
0x2fe: {  	s18 =	smov.u32 s15;
	s15 =	sadd.s32 $0x4, s15;
	[tilespmem:s12+$0x50] =	vst v3  }
0x2ff: {  	v3 =	vld [tilespmem:s16+$0x30];
	s16 =	smov.u32 s14;
	_ =	sdelay $0x1  }
0x300: {  	v4 =	vmov s18  }
0x301: {  	v4 =	vand.u32 $0x7C, v4  }
0x302: {  	v4 =	vor.u32 v1, v4  }
0x303: {  	v4 =	vbroadcast v4, $0x0;
	v5 =	vunpack.i.u.bf16.f32 v3;
	v3 =	vunpack.i.l.bf16.f32 v3  }
0x304: {  	v3 =	vmul.f32 v3, v2;
	v2 =	vmul.f32 v5, v2;
	_ =	sdelay $0x1  }
0x305: {  	[tilespmem:s12+$0x60] =	vst v3  }
0x306: {  	[tilespmem:s12+$0x70] =	vst v2;
	s12 =	smov.u32 s17  }
0x307: {  	v2 =	vld [tilespmem:s14+$0xFFFFFFC0]  }
0x308: {  	v3 =	vld.idx.msk [tilespmem:v4+s1+$0x0], $0xffff;
	_ =	sdelay $0x4  }
0x309: {  	v4 =	vunpack.i.u.bf16.f32 v2;
	v2 =	vunpack.i.l.bf16.f32 v2  }
0x30a: {  	v2 =	vmul.f32 v2, v3;
	v4 =	vmul.f32 v4, v3;
	_ =	sdelay $0x1  }
0x30b: {  	[tilespmem:s17+$0xFFFFFF80] =	vst v2  }
0x30c: {  	[tilespmem:s17+$0xFFFFFF90] =	vst v4  }
0x30d: {  	s19 =	sadd.s32 $0x1, s18;
	v2 =	vld [tilespmem:s14+$0xFFFFFFD0]  }
0x30e: {  	v4 =	vmov s19  }
0x30f: {  	v4 =	vand.u32 $0x7D, v4  }
0x310: {  	v4 =	vor.u32 v1, v4  }
0x311: {  	v4 =	vbroadcast v4, $0x0  }
0x312: {  	v5 =	vunpack.i.u.bf16.f32 v2;
	v2 =	vunpack.i.l.bf16.f32 v2  }
0x313: {  	v2 =	vmul.f32 v2, v3;
	v3 =	vmul.f32 v5, v3;
	_ =	sdelay $0x1  }
0x314: {  	[tilespmem:s17+$0xFFFFFFA0] =	vst v2  }
0x315: {  	[tilespmem:s17+$0xFFFFFFB0] =	vst v3  }
0x316: {  	v2 =	vld.idx.msk [tilespmem:v4+s1+$0x0], $0xffff  }
0x317: {  	v3 =	vld [tilespmem:s14+$0xFFFFFFE0];
	_ =	sdelay $0x4  }
0x318: {  	v4 =	vunpack.i.u.bf16.f32 v3;
	v3 =	vunpack.i.l.bf16.f32 v3  }
0x319: {  	v3 =	vmul.f32 v3, v2;
	v4 =	vmul.f32 v4, v2;
	_ =	sdelay $0x1  }
0x31a: {  	[tilespmem:s17+$0xFFFFFFC0] =	vst v3  }
0x31b: {  	[tilespmem:s17+$0xFFFFFFD0] =	vst v4  }
0x31c: {  	s19 =	sadd.s32 $0x2, s18;
	v3 =	vld [tilespmem:s14+$0xFFFFFFF0]  }
0x31d: {  	v4 =	vmov s19  }
0x31e: {  	v4 =	vand.u32 $0x7E, v4  }
0x31f: {  	v4 =	vor.u32 v1, v4  }
0x320: {  	v4 =	vbroadcast v4, $0x0  }
0x321: {  	v5 =	vunpack.i.u.bf16.f32 v3;
	v3 =	vunpack.i.l.bf16.f32 v3  }
0x322: {  	v3 =	vmul.f32 v3, v2;
	v2 =	vmul.f32 v5, v2;
	_ =	sdelay $0x1  }
0x323: {  	[tilespmem:s17+$0xFFFFFFE0] =	vst v3  }
0x324: {  	[tilespmem:s17+$0xFFFFFFF0] =	vst v2  }
0x325: {  	v2 =	vld.idx.msk [tilespmem:v4+s1+$0x0], $0xffff  }
0x326: {  	v3 =	vld [tilespmem:s14+$0x0];
	_ =	sdelay $0x4  }
0x327: {  	v4 =	vunpack.i.u.bf16.f32 v3;
	v3 =	vunpack.i.l.bf16.f32 v3  }
0x328: {  	v3 =	vmul.f32 v3, v2;
	v4 =	vmul.f32 v4, v2;
	_ =	sdelay $0x1  }
0x329: {  	[tilespmem:s17+$0x0] =	vst v3  }
0x32a: {  	[tilespmem:s17+$0x10] =	vst v4  }
0x32b: {  	s18 =	sadd.s32 $0x3, s18;
	v3 =	vld [tilespmem:s14+$0x10]  }
0x32c: {  	v4 =	vmov s18  }
0x32d: {  	v4 =	vand.u32 $0x7F, v4  }
0x32e: {  	v4 =	vor.u32 v1, v4  }
0x32f: {  	v4 =	vbroadcast v4, $0x0  }
0x330: {  	v5 =	vunpack.i.u.bf16.f32 v3;
	v3 =	vunpack.i.l.bf16.f32 v3  }
0x331: {  	v3 =	vmul.f32 v3, v2;
	v2 =	vmul.f32 v5, v2;
	_ =	sdelay $0x1  }
0x332: {  	[tilespmem:s17+$0x20] =	vst v3  }
0x333: {  	[tilespmem:s17+$0x30] =	vst v2  }
0x334: {  	v2 =	vld.idx.msk [tilespmem:v4+s1+$0x0], $0xffff  }
0x335: {  	v3 =	vld [tilespmem:s14+$0x20];
	_ =	sdelay $0x1  }
.Ltmp5:
0x336: {  	(pc) =	sbr.rel @p2 .LBB2_13-.Ltmp5, $3  }
0x337: {  	_ =	sdelay $0x1  }
0x338: {  	v5 =	vunpack.i.u.bf16.f32 v3;
	v3 =	vunpack.i.l.bf16.f32 v3  }
0x339: {  	v4 =	vmul.f32 v3, v2;
	v3 =	vmul.f32 v5, v2  }
0x33a: {  	_ = 	snop  }
0x33b: {  	[tilespmem:s12+$0x40] =	vst v4  }
0x33c: {  	[tilespmem:s12+$0x50] =	vst v3  }
0x33d: {  	v1 =	vld [tilespmem:s16+$0x30];
	_ =	sdelay $0x4  }
0x33e: {  	v3 =	vunpack.i.l.bf16.f32 v1  }
0x33f: {  	v1 =	vunpack.i.u.bf16.f32 v1;
	v3 =	vmul.f32 v3, v2  }
0x340: {  	s11 =	sshll.u32 @!p1 s11, $0x7;
	v1 =	vmul.f32 v1, v2  }
0x341: {  	s14 =	simm.s32 @!p1 $0xD620;
	s11 =	sand.u32 @!p1 $0x3FFFFF80, s11;
	[tilespmem:s12+$0x60] =	vst v3  }
0x342: {  	s9 =	sadd.s32 $0x1, s9;
	s11 =	sadd.s32 @!p1 $0x2800, s11;
	[tilespmem:s12+$0x70] =	vst v1;
	s12 =	simm.s32 @!p1 $0x80  }
0x343: {  	[tilespmem:s14], [sflag:$0x2] =	stream.indirect.gather @!p1 [hbm4b:s7+s12], $0x20, s11, s12, $0xb8;
	[tilespmem:$0x1E818] =	vst v63  }
0x344: {  	p1 =	sne.s32 s9, $0x28  }
.Ltmp6:
0x345: {  	_ = 	snop;
	(pc) =	sbr.rel @p1 .LBB2_6-.Ltmp6, $2  }
0x346: {  	_ =	sdelay $0x2  }
0x347: {  	[spmem:s2] =	stream.indirect.scatter.add.f32 [tilespmem:s5], [sflag:$0x4], $0x40, s10, s29, $0xb8;
	[tilespmem:$0x1E818] =	vst v63  }
0x348: {  	_ =	swait.ge [sflag:s6], $0x2000  }
0x349: {  	[sflag:s6] =	ssyncset.done $0x0  }
0x34a: {  	[sflag:s6] =	ssyncadd.s32 $0xFFFFE000  }
0x34b: {  	_ =	swait.ge [sflag:s8], $0x2000  }
0x34c: {  	[sflag:s8] =	ssyncset.done $0x0  }
0x34d: {  	[sflag:s8] =	ssyncadd.s32 $0xFFFFE000  }
0x34e: {  	_ =	swait.ge [sflag:s23], $0x80  }
0x34f: {  	[sflag:s23] =	ssyncset.done $0x0  }
0x350: {  	[sflag:s23] =	ssyncadd.s32 $0xFFFFFF80  }
0x351: {  	_ =	swait.ge [sflag:s23], $0x80  }
0x352: {  	[sflag:s23] =	ssyncset.done $0x0  }
0x353: {  	s9 =	stileid.u32;
	[sflag:s23] =	ssyncadd.s32 $0xFFFFFF80  }
0x354: {  	s9 =	sshll.u32 @!p0 s9, $0x6;
	[bflag:$0x0] =	sbarrier.arrive $0xFFFF  }
0x355: {  	s9 =	sor.u32 @!p0 $0x1C06, s9;
	s10 =	rddreg [dreg:$0xa]  }
0x356: {  	[hbm:s10], [sflag:s9] =	dma.local @!p0 [spmem:s24], $0x1F40  }
0x357: {  	s10 =	simm.s32 @!p0 $0x6  }
0x358: {  	_ =	swait.ge @!p0 [sflag:s10], $0x1F40  }
0x359: {  	[sflag:s10] =	ssyncset.done @!p0 $0x0  }
0x35a: {  	s11 =	rddreg [dreg:$0xb];
	[sflag:s10] =	ssyncadd.s32 @!p0 $0xFFFFE0C0  }
0x35b: {  	[hbm:s11], [sflag:s9] =	dma.local @!p0 [spmem:s25], $0x7D  }
0x35c: {  	_ =	swait.ge @!p0 [sflag:s10], $0x7D  }
0x35d: {  	s4 =	sadd.s32 $0x1, s4;
	s21 =	rddreg [dreg:$0xc]  }
0x35e: {  	p1 =	sne.s32 s4, s21  }
.Ltmp7:
0x35f: {  	_ = 	snop;
	(pc) =	sbr.rel @p1 .LBB2_1-.Ltmp7, $3  }
0x360: {  	_ =	sdelay $0x1  }
0x361: {  	[sflag:s10] =	ssyncset.done @!p0 $0x0  }
0x362: {  	[sflag:s10] =	ssyncadd.s32 @!p0 $0xFFFFFF83  }
0x363: {  	_ =	sfence.sel $0x180000  }
0x364: {  	[bflag:$0x0] =	sbarrier.arrive $0xFFFF  }
0x365: {  	_ =	strace $0x90000047  }
0x366: {  	s0 =	stileid.u32;
	[bflag:$0x2] =	sbarrier.arrive $0xFFFF  }
0x367: {  	p0 =	sne.s32 s0, $0x0;
	s0 =	rddreg [dreg:$0x4]  }
0x368: {  	s0 =	sadd.s32 @!p0 $0x100000, s0  }
0x369: {  	[sflag:s0] =	ssyncadd.tile.s32 @!p0 $0x1;
	_ =	shalt  }
.Lfunc_end2:
_tile_overlayer_lowered:
.L_overlay_start_2:
0x36a: {  	(tag) =	ssettag $0x2  }
0x36b: {  	s0 =	rddreg [dreg:$0x0];
	s2 =	stileid.u32  }
0x36c: {  	s1 =	rddreg [dreg:$0x1];
	p0 =	sne.s32 s2, $0x0  }
0x36d: {  	s3 =	rddreg [dreg:$0x2];
	[bflag:$0x3] =	sbarrier.arrive $0xFFFF;
	s2 =	simm.s32 @!p0 $0x1C06  }
0x36e: {  	[timem:s3], [sflag:s2] =	dma.local @!p0 [hbm:s0], s1  }
0x36f: {  	s0 =	simm.s32 @!p0 $0x6  }
0x370: {  	_ =	swait.ge @!p0 [sflag:s0], s1  }
0x371: {  	s1 =	ssub.s32 @!p0 $0x0, s1;
	[sflag:s0] =	ssyncset.done @!p0 $0x0  }
0x372: {  	[sflag:s0] =	ssyncadd.s32 @!p0 s1  }
0x373: {  	[bflag:$0x3] =	sbarrier.arrive $0xFFFF  }
0x374: {  	_ =	shalt  }

</sc_bundles>
